<compile_context>
chip_gen: v7x
topology: tpu7x:2x2x1
jax: 0.10.2.dev20260603
libtpu: 0.0.44.dev20260713+nightly
codegen_flags: <defaults>
</compile_context>

<pallas_src>
import functools
import math

import jax
import jax.numpy as jnp
from jax.experimental import pallas as pl
from jax.experimental.pallas import tpu as pltpu
from jax.experimental.pallas import tpu_sc as plsc

_ROUNDS = 4
_BL = 64


def _sc_gather(table, idx, out_dim):
    info = plsc.get_sparse_core_info()
    nw = info.num_cores * info.num_subcores
    M = idx.shape[0]
    m_per_w = M // nw
    chunk = 65536 // out_dim
    n_chunks = m_per_w // chunk
    mesh = plsc.VectorSubcoreMesh(core_axis_name="c", subcore_axis_name="s")

    @functools.partial(
        pl.kernel, mesh=mesh,
        out_type=jax.ShapeDtypeStruct((M, out_dim), jnp.float32),
        scratch_types=[
            pltpu.VMEM((chunk,), jnp.int32),
            pltpu.VMEM((chunk, out_dim), jnp.float32),
            pltpu.SemaphoreType.DMA,
        ],
    )
    def k(table_hbm, idx_hbm, out_hbm, idx_v, rows_v, sem):
        wid = jax.lax.axis_index("s") * info.num_cores + jax.lax.axis_index("c")
        base = wid * m_per_w
        for j in range(n_chunks):
            off = base + j * chunk
            pltpu.sync_copy(idx_hbm.at[pl.ds(off, chunk)], idx_v)
            pltpu.async_copy(table_hbm.at[idx_v], rows_v, sem).wait()
            pltpu.sync_copy(rows_v, out_hbm.at[pl.ds(off, chunk)])

    return k(table, idx)


def _attn_kernel(g_ref, qib_ref, sbb_ref, cqb_ref, y_ref):
    L, dk2 = g_ref.shape[2], g_ref.shape[3]
    dk = dk2 // 2
    r = _ROUNDS
    bl = _BL
    nb = L // bl

    def look_back2(x):
        prev = jnp.concatenate([x[nb - 1:], x[:nb - 1]], axis=0)
        return jnp.concatenate([prev, x], axis=1)

    def look_back3(x):
        prev = jnp.concatenate([x[nb - 1:], x[:nb - 1]], axis=0)
        return jnp.concatenate([prev, x], axis=1)

    G = g_ref[0, 0]
    rq = G[:, :dk]
    rv = G[:, dk:]
    kn = rq / jnp.maximum(
        jnp.sqrt(jnp.sum(rq * rq, axis=1, keepdims=True)), 1e-12)
    rq3 = rq.reshape(nb, bl, dk)
    rv3 = rv.reshape(nb, bl, dk)
    kn3 = kn.reshape(nb, bl, dk)
    lbk = look_back3(kn3)
    lbv = look_back3(rv3)
    qk = jax.lax.dot_general(
        rq3, lbk, (((2,), (2,)), ((0,), (0,))),
        preferred_element_type=jnp.float32) * (1.0 / math.sqrt(dk))
    sb3 = sbb_ref[0, 0]
    qi3 = qib_ref[0, 0]
    lbsb = look_back2(sb3)
    lbqi = look_back2(qi3)
    qk = jnp.where(sb3[:, :, None] != lbsb[:, None, :], -1e9, qk)
    qk = jnp.where(qi3[:, :, None] < lbqi[:, None, :], -1e9, qk)
    qk = jnp.where(qi3[:, :, None] == lbqi[:, None, :], -1e5, qk)
    ck = jnp.zeros((nb, bl, 2 * bl), jnp.float32)
    for r2 in range(r):
        cq = cqb_ref[0, 0, r2 * nb:(r2 + 1) * nb, :]
        ckey = look_back2(cq)
        cqm1 = jnp.where(cq == 0, nb - 1, cq - 1)
        hit = (ckey[:, None, :] == cq[:, :, None]) | (
            ckey[:, None, :] == cqm1[:, :, None])
        ck += hit.astype(jnp.float32)
    m = jnp.max(qk, axis=2)
    e = jnp.exp(qk - m[:, :, None])
    s = jnp.sum(e, axis=2)
    lse = m + jnp.log(s)
    sm = e / (s[:, :, None] * ck)
    att = jax.lax.dot_general(
        sm, lbv, (((2,), (1,)), ((0,), (0,))),
        preferred_element_type=jnp.float32)
    lm = jnp.max(lse, keepdims=True)
    w = jnp.exp(lse - lm)
    w = w / jnp.sum(w, keepdims=True)
    yw = (att * w[:, :, None]).reshape(L, dk)
    y_ref[0, 0] = jnp.concatenate([yw, jnp.zeros((L, dk), jnp.float32)], axis=1)


def _sum_kernel(y_ref, out_ref):
    dk = out_ref.shape[2]
    out_ref[0] = jnp.sum(y_ref[0, :, :, :dk], axis=0)


def kernel(query, value, seed, rand_matrix):
    B, L, dk = query.shape
    r = rand_matrix.shape[2]
    bl = _BL
    nb = L // bl
    qn = query / jnp.maximum(
        jnp.sqrt(jnp.sum(query * query, axis=-1, keepdims=True)), 1e-12)
    rm = rand_matrix / jnp.sqrt(
        jnp.sum(rand_matrix * rand_matrix, axis=1, keepdims=True))
    mm = jnp.einsum('bij,bjkl->bikl', qn, rm)
    h = jnp.argmax(jnp.concatenate([mm, -mm], -1), -1).astype(jnp.int32)
    h = h * L + jnp.arange(L, dtype=jnp.int32)[None, :, None]
    sorted_h = jnp.sort(h, axis=1)
    hi = (sorted_h % L).astype(jnp.int32)
    sb = (sorted_h // L).astype(jnp.int32)
    oi = jnp.argsort(hi, axis=1).astype(jnp.int32)
    ch = oi // bl
    chq = jnp.take_along_axis(
        jnp.broadcast_to(ch[:, :, None, :], (B, L, r, r)),
        jnp.broadcast_to(hi[:, :, :, None], (B, L, r, r)), axis=1)
    hi_t = jnp.transpose(hi, (0, 2, 1))
    oi_t = jnp.transpose(oi, (0, 2, 1))
    qib = hi_t.reshape(B, r, nb, bl)
    sbb = jnp.transpose(sb, (0, 2, 1)).reshape(B, r, nb, bl)
    cqb = jnp.transpose(chq, (0, 2, 3, 1)).reshape(B, r, r * nb, bl)
    qv = jnp.concatenate([query, value], axis=-1)

    boff = (jnp.arange(B, dtype=jnp.int32) * L)[:, None, None]
    gidx = (hi_t + boff).reshape(B * r * L)
    Gall = _sc_gather(qv.reshape(B * L, 2 * dk), gidx, 2 * dk)
    Gall = Gall.reshape(B, r, L, 2 * dk)

    y = pl.pallas_call(
        _attn_kernel,
        grid=(B, r),
        in_specs=[
            pl.BlockSpec((1, 1, L, 2 * dk), lambda b, rr: (b, rr, 0, 0)),
            pl.BlockSpec((1, 1, nb, bl), lambda b, rr: (b, rr, 0, 0)),
            pl.BlockSpec((1, 1, nb, bl), lambda b, rr: (b, rr, 0, 0)),
            pl.BlockSpec((1, 1, r * nb, bl), lambda b, rr: (b, rr, 0, 0)),
        ],
        out_specs=pl.BlockSpec((1, 1, L, 2 * dk), lambda b, rr: (b, rr, 0, 0)),
        out_shape=jax.ShapeDtypeStruct((B, r, L, 2 * dk), jnp.float32),
    )(Gall, qib, sbb, cqb)

    broff = (jnp.arange(B * r, dtype=jnp.int32) * L).reshape(B, r, 1)
    gidx2 = (oi_t + broff).reshape(B * r * L)
    yg = _sc_gather(y.reshape(B * r * L, 2 * dk), gidx2, 2 * dk)
    yg = yg.reshape(B, r, L, 2 * dk)

    out = pl.pallas_call(
        _sum_kernel,
        grid=(B,),
        in_specs=[pl.BlockSpec((1, r, L, 2 * dk), lambda b: (b, 0, 0, 0))],
        out_specs=pl.BlockSpec((1, L, dk), lambda b: (b, 0, 0)),
        out_shape=jax.ShapeDtypeStruct((B, L, dk), jnp.float32),
    )(yg)
    return out

# --- scband reference (transcript-rebuilt; emitter-appended) ---
"""Pipeline reference for scband-lshattention-13280038879438 (READ-ONLY COPY).

The authoritative reference and input builder live on the scoring server;
editing this copy changes nothing except your own understanding.
"""

import math
import jax, jax.numpy as jnp
import numpy as np

ROUNDS = 4
BUCKET_LENGTH = 64

def _normalize(x, axis):
    n = jnp.sqrt(jnp.sum(x * x, axis=axis, keepdims=True))
    return x / jnp.maximum(n, 1e-12)

def _look_back(x):
    shift = jnp.concatenate([x[:, -1:], x[:, :-1]], axis=1)
    return jnp.concatenate([shift, x], axis=2)

def _get_dup_keys(x, rounds):
    perm = jnp.argsort(x, axis=-1)
    s = jnp.take_along_axis(x, perm, axis=-1)
    count = jnp.ones_like(s)
    for i in range(1, rounds):
        eq = (s[..., i:] == s[..., :-i]).astype(s.dtype)
        count = count.at[..., i:].add(eq)
        count = count.at[..., :-i].add(eq)
    inv = jnp.argsort(perm, axis=-1)
    return jnp.take_along_axis(count, inv, axis=-1)

def _lsh_hash(inp, rand_matrix):
    B, L, dk = inp.shape
    inp = _normalize(inp, -1)
    rm = rand_matrix / jnp.sqrt(jnp.sum(rand_matrix * rand_matrix, axis=1, keepdims=True))
    mm = jnp.einsum('bij,bjkl->bikl', inp, rm)
    h = jnp.argmax(jnp.concatenate([mm, -mm], axis=-1), axis=-1).astype(jnp.int32)
    h = h * L + jnp.arange(L, dtype=jnp.int32)[None, :, None]
    return h

def _forward(query, value, rand_matrix):
    B, L, dk = query.shape
    r = ROUNDS
    bl = BUCKET_LENGTH
    nb = L // bl
    hashes = _lsh_hash(query, rand_matrix)
    hash_indice = jnp.argsort(hashes, axis=1)
    sorted_hashes = jnp.take_along_axis(hashes, hash_indice, axis=1)
    original_indice = jnp.argsort(hash_indice, axis=1)

    def gather_rounds(x, idx):
        xe = jnp.broadcast_to(x[:, :, :, None], (B, L, dk, r))
        ie = jnp.broadcast_to(idx[:, :, None, :], (B, L, dk, r))
        return jnp.take_along_axis(xe, ie, axis=1)

    rq = gather_rounds(query, hash_indice).reshape(B, nb, bl, dk, r)
    lb_key = _normalize(_look_back(rq), -2)
    qk = jnp.einsum('bnijk,bnljk->bnilk', rq, lb_key) / math.sqrt(dk)
    sh = sorted_hashes.reshape(B, nb, bl, r) // L
    qk = jnp.where(sh[..., None, :] != _look_back(sh)[..., None, :, :], -1e9, qk)
    qi = hash_indice.reshape(B, nb, bl, r).astype(jnp.int32)
    ki = _look_back(qi)
    qk = jnp.where(qi[..., None, :] < ki[..., None, :, :], -1e9, qk)
    qk = jnp.where(qi[..., None, :] == ki[..., None, :, :], -1e5, qk)
    ki_e = jnp.broadcast_to(ki[:, :, None, :, :], (B, nb, bl, 2 * bl, r)).reshape(B, L, 2 * bl, r)
    oi_e = jnp.broadcast_to(original_indice[:, :, None, :], (B, L, 2 * bl, r))
    ki_g = jnp.take_along_axis(ki_e, oi_e, axis=1)
    ck = _get_dup_keys(ki_g.reshape(B, L, 2 * bl * r), r).reshape(B, L, 2 * bl, r)
    hi_e = jnp.broadcast_to(hash_indice[:, :, None, :], (B, L, 2 * bl, r))
    ck = jnp.take_along_axis(ck, hi_e, axis=1)
    qk = qk.reshape(B, L, 2 * bl, r)
    lse = jax.scipy.special.logsumexp(qk, axis=2)
    sm = jnp.exp(qk - jnp.log(ck.astype(jnp.float32)) - lse[:, :, None, :])
    rv = gather_rounds(value, hash_indice).reshape(B, nb, bl, dk, r)
    sm = sm.reshape(B, nb, bl, 2 * bl, r)
    att = jnp.einsum('bnijl,bnjkl->bnikl', sm, _look_back(rv)).reshape(B, L, dk, r)
    oi_d = jnp.broadcast_to(original_indice[:, :, None, :], (B, L, dk, r))
    att = jnp.take_along_axis(att, oi_d, axis=1)
    lse = jnp.take_along_axis(lse, original_indice, axis=1)
    lse = jax.nn.softmax(lse, axis=1)
    return jnp.einsum('blkr,blr->blk', att, lse)

def setup_inputs(seed: int = 0):
    key = jax.random.key(seed)
    kq, kv, kr = jax.random.split(key, 3)
    B, L, dk = 32, 2048, 64
    nb = L // BUCKET_LENGTH
    query = jax.random.normal(kq, (B, L, dk), dtype=jnp.float32)
    value = jax.random.normal(kv, (B, L, dk), dtype=jnp.float32)
    rand_matrix = jax.random.normal(kr, (B, dk, ROUNDS, nb // 2), dtype=jnp.float32)
    return {"query": query, "value": value, "seed": 0, "rand_matrix": rand_matrix}

def reference(query, value, seed, rand_matrix):
    return _forward(query, value, rand_matrix)

if __name__ == "__main__":
    import jax
    _d = setup_inputs()
    print(jax.jit(kernel)(*tuple(_d.values())))

</pallas_src>

<mosaic_0001>
#map = affine_map<(d0, d1) -> (0, 0)>
#map1 = affine_map<(d0, d1) -> (0)>
module attributes {stable_mosaic.version = 14 : i64} {
  func.func @k(%arg0: i32, %arg1: i32, %arg2: memref<262144x128xf32, #tpu.memory_space<hbm>>, %arg3: memref<262144xi32, #tpu.memory_space<hbm>>, %arg4: memref<262144x128xf32, #tpu.memory_space<hbm>>, %arg5: memref<512xi32, #tpu.memory_space<vmem>>, %arg6: memref<512x128xf32, #tpu.memory_space<vmem>>, %arg7: memref<!tpu.dma_semaphore, #tpu.memory_space<semaphore_mem>>) attributes {dimension_semantics = [#tpu.dimension_semantics<core_parallel>, #tpu.dimension_semantics<subcore_parallel>], iteration_bounds = array<i64: 2, 16>, scalar_prefetch = 0 : i64, scratch_operands = 3 : i64, tpu.core_type = #tpu.core_type<sc_vector_subcore>, window_params = [{transform_indices = #map}, {transform_indices = #map1}, {transform_indices = #map}]} {
    %mul3A = arith.constant 2 : i32
    %mul3A_0 = arith.muli %arg1, %mul3A : i32
    %add3A = arith.addi %mul3A_0, %arg0 : i32
    %mul3A_1 = arith.constant 8192 : i32
    %mul3A_2 = arith.muli %add3A, %mul3A_1 : i32
    %add3A_3 = arith.constant 0 : i32
    %add3A_4 = arith.addi %mul3A_2, %add3A_3 : i32
    "tpu.region"() ({
      %run_scoped3A = tpu.sem_alloc : memref<!tpu.dma_semaphore, #tpu.memory_space<semaphore_mem>>
      %dma_start3A_129 = tpu.memref_slice %arg3[%add3A_4] : memref<262144xi32, #tpu.memory_space<hbm>> -> memref<512xi32, #tpu.memory_space<hbm>>
      %dma_start3A_130 = tpu.memref_slice %arg3[%add3A_4] : memref<262144xi32, #tpu.memory_space<hbm>> -> memref<512xi32, #tpu.memory_space<hbm>>
      tpu.enqueue_dma source(%dma_start3A_130 : memref<512xi32, #tpu.memory_space<hbm>>) target(%arg5 : memref<512xi32, #tpu.memory_space<vmem>>) target_semaphore(%run_scoped3A : memref<!tpu.dma_semaphore, #tpu.memory_space<semaphore_mem>>)
      %dma_wait3A_131 = tpu.memref_slice %arg3[%add3A_4] : memref<262144xi32, #tpu.memory_space<hbm>> -> memref<512xi32, #tpu.memory_space<hbm>>
      %dma_wait3A_132 = tpu.memref_slice %arg3[%add3A_4] : memref<262144xi32, #tpu.memory_space<hbm>> -> memref<512xi32, #tpu.memory_space<hbm>>
      tpu.wait_dma2 semaphore(%run_scoped3A : memref<!tpu.dma_semaphore, #tpu.memory_space<semaphore_mem>>) src(%dma_wait3A_132 : memref<512xi32, #tpu.memory_space<hbm>>) dst(%arg5 : memref<512xi32, #tpu.memory_space<vmem>>)
      tpu.yield
    }) : () -> ()
    %dma_start3A = arith.constant 0 : i32
    %dma_start3A_5 = arith.constant 0 : i32
    %dma_start3A_6 = tpu.memref_slice %arg2[%dma_start3A, %dma_start3A_5] : memref<262144x128xf32, #tpu.memory_space<hbm>> -> memref<262144x128xf32, #tpu.memory_space<hbm>>
    tpu.enqueue_indirect_dma source(%dma_start3A_6 : memref<262144x128xf32, #tpu.memory_space<hbm>>) target(%arg6 : memref<512x128xf32, #tpu.memory_space<vmem>>) offsets(%arg5 : memref<512xi32, #tpu.memory_space<vmem>>) semaphore(%arg7 : memref<!tpu.dma_semaphore, #tpu.memory_space<semaphore_mem>>)
    %dma_wait3A = arith.constant 0 : i32
    %dma_wait3A_7 = arith.constant 0 : i32
    %dma_wait3A_8 = tpu.memref_slice %arg2[%dma_wait3A, %dma_wait3A_7] : memref<262144x128xf32, #tpu.memory_space<hbm>> -> memref<262144x128xf32, #tpu.memory_space<hbm>>
    tpu.wait_indirect_dma semaphore(%arg7 : memref<!tpu.dma_semaphore, #tpu.memory_space<semaphore_mem>>) src(%dma_wait3A_8 : memref<262144x128xf32, #tpu.memory_space<hbm>>) dst(%arg6 : memref<512x128xf32, #tpu.memory_space<vmem>>)
    "tpu.region"() ({
      %run_scoped3A = tpu.sem_alloc : memref<!tpu.dma_semaphore, #tpu.memory_space<semaphore_mem>>
      %dma_start3A_129 = arith.constant 0 : i32
      %dma_start3A_130 = tpu.memref_slice %arg4[%add3A_4, %dma_start3A_129] : memref<262144x128xf32, #tpu.memory_space<hbm>> -> memref<512x128xf32, #tpu.memory_space<hbm>>
      %dma_start3A_131 = arith.constant 0 : i32
      %dma_start3A_132 = tpu.memref_slice %arg4[%add3A_4, %dma_start3A_131] : memref<262144x128xf32, #tpu.memory_space<hbm>> -> memref<512x128xf32, #tpu.memory_space<hbm>>
      tpu.enqueue_dma source(%arg6 : memref<512x128xf32, #tpu.memory_space<vmem>>) target(%dma_start3A_132 : memref<512x128xf32, #tpu.memory_space<hbm>>) target_semaphore(%run_scoped3A : memref<!tpu.dma_semaphore, #tpu.memory_space<semaphore_mem>>)
      %dma_wait3A_133 = arith.constant 0 : i32
      %dma_wait3A_134 = tpu.memref_slice %arg4[%add3A_4, %dma_wait3A_133] : memref<262144x128xf32, #tpu.memory_space<hbm>> -> memref<512x128xf32, #tpu.memory_space<hbm>>
      %dma_wait3A_135 = arith.constant 0 : i32
      %dma_wait3A_136 = tpu.memref_slice %arg4[%add3A_4, %dma_wait3A_135] : memref<262144x128xf32, #tpu.memory_space<hbm>> -> memref<512x128xf32, #tpu.memory_space<hbm>>
      tpu.wait_dma2 semaphore(%run_scoped3A : memref<!tpu.dma_semaphore, #tpu.memory_space<semaphore_mem>>) src(%arg6 : memref<512x128xf32, #tpu.memory_space<vmem>>) dst(%dma_wait3A_136 : memref<512x128xf32, #tpu.memory_space<hbm>>)
      tpu.yield
    }) : () -> ()
    %add3A_9 = arith.constant 512 : i32
    %add3A_10 = arith.addi %mul3A_2, %add3A_9 : i32
    "tpu.region"() ({
      %run_scoped3A = tpu.sem_alloc : memref<!tpu.dma_semaphore, #tpu.memory_space<semaphore_mem>>
      %dma_start3A_129 = tpu.memref_slice %arg3[%add3A_10] : memref<262144xi32, #tpu.memory_space<hbm>> -> memref<512xi32, #tpu.memory_space<hbm>>
      %dma_start3A_130 = tpu.memref_slice %arg3[%add3A_10] : memref<262144xi32, #tpu.memory_space<hbm>> -> memref<512xi32, #tpu.memory_space<hbm>>
      tpu.enqueue_dma source(%dma_start3A_130 : memref<512xi32, #tpu.memory_space<hbm>>) target(%arg5 : memref<512xi32, #tpu.memory_space<vmem>>) target_semaphore(%run_scoped3A : memref<!tpu.dma_semaphore, #tpu.memory_space<semaphore_mem>>)
      %dma_wait3A_131 = tpu.memref_slice %arg3[%add3A_10] : memref<262144xi32, #tpu.memory_space<hbm>> -> memref<512xi32, #tpu.memory_space<hbm>>
      %dma_wait3A_132 = tpu.memref_slice %arg3[%add3A_10] : memref<262144xi32, #tpu.memory_space<hbm>> -> memref<512xi32, #tpu.memory_space<hbm>>
      tpu.wait_dma2 semaphore(%run_scoped3A : memref<!tpu.dma_semaphore, #tpu.memory_space<semaphore_mem>>) src(%dma_wait3A_132 : memref<512xi32, #tpu.memory_space<hbm>>) dst(%arg5 : memref<512xi32, #tpu.memory_space<vmem>>)
      tpu.yield
    }) : () -> ()
    %dma_start3A_11 = arith.constant 0 : i32
    %dma_start3A_12 = arith.constant 0 : i32
    %dma_start3A_13 = tpu.memref_slice %arg2[%dma_start3A_11, %dma_start3A_12] : memref<262144x128xf32, #tpu.memory_space<hbm>> -> memref<262144x128xf32, #tpu.memory_space<hbm>>
    tpu.enqueue_indirect_dma source(%dma_start3A_13 : memref<262144x128xf32, #tpu.memory_space<hbm>>) target(%arg6 : memref<512x128xf32, #tpu.memory_space<vmem>>) offsets(%arg5 : memref<512xi32, #tpu.memory_space<vmem>>) semaphore(%arg7 : memref<!tpu.dma_semaphore, #tpu.memory_space<semaphore_mem>>)
    %dma_wait3A_14 = arith.constant 0 : i32
    %dma_wait3A_15 = arith.constant 0 : i32
    %dma_wait3A_16 = tpu.memref_slice %arg2[%dma_wait3A_14, %dma_wait3A_15] : memref<262144x128xf32, #tpu.memory_space<hbm>> -> memref<262144x128xf32, #tpu.memory_space<hbm>>
    tpu.wait_indirect_dma semaphore(%arg7 : memref<!tpu.dma_semaphore, #tpu.memory_space<semaphore_mem>>) src(%dma_wait3A_16 : memref<262144x128xf32, #tpu.memory_space<hbm>>) dst(%arg6 : memref<512x128xf32, #tpu.memory_space<vmem>>)
    "tpu.region"() ({
      %run_scoped3A = tpu.sem_alloc : memref<!tpu.dma_semaphore, #tpu.memory_space<semaphore_mem>>
      %dma_start3A_129 = arith.constant 0 : i32
      %dma_start3A_130 = tpu.memref_slice %arg4[%add3A_10, %dma_start3A_129] : memref<262144x128xf32, #tpu.memory_space<hbm>> -> memref<512x128xf32, #tpu.memory_space<hbm>>
      %dma_start3A_131 = arith.constant 0 : i32
      %dma_start3A_132 = tpu.memref_slice %arg4[%add3A_10, %dma_start3A_131] : memref<262144x128xf32, #tpu.memory_space<hbm>> -> memref<512x128xf32, #tpu.memory_space<hbm>>
      tpu.enqueue_dma source(%arg6 : memref<512x128xf32, #tpu.memory_space<vmem>>) target(%dma_start3A_132 : memref<512x128xf32, #tpu.memory_space<hbm>>) target_semaphore(%run_scoped3A : memref<!tpu.dma_semaphore, #tpu.memory_space<semaphore_mem>>)
      %dma_wait3A_133 = arith.constant 0 : i32
      %dma_wait3A_134 = tpu.memref_slice %arg4[%add3A_10, %dma_wait3A_133] : memref<262144x128xf32, #tpu.memory_space<hbm>> -> memref<512x128xf32, #tpu.memory_space<hbm>>
      %dma_wait3A_135 = arith.constant 0 : i32
      %dma_wait3A_136 = tpu.memref_slice %arg4[%add3A_10, %dma_wait3A_135] : memref<262144x128xf32, #tpu.memory_space<hbm>> -> memref<512x128xf32, #tpu.memory_space<hbm>>
      tpu.wait_dma2 semaphore(%run_scoped3A : memref<!tpu.dma_semaphore, #tpu.memory_space<semaphore_mem>>) src(%arg6 : memref<512x128xf32, #tpu.memory_space<vmem>>) dst(%dma_wait3A_136 : memref<512x128xf32, #tpu.memory_space<hbm>>)
      tpu.yield
    }) : () -> ()
    %add3A_17 = arith.constant 1024 : i32
    %add3A_18 = arith.addi %mul3A_2, %add3A_17 : i32
    "tpu.region"() ({
      %run_scoped3A = tpu.sem_alloc : memref<!tpu.dma_semaphore, #tpu.memory_space<semaphore_mem>>
      %dma_start3A_129 = tpu.memref_slice %arg3[%add3A_18] : memref<262144xi32, #tpu.memory_space<hbm>> -> memref<512xi32, #tpu.memory_space<hbm>>
      %dma_start3A_130 = tpu.memref_slice %arg3[%add3A_18] : memref<262144xi32, #tpu.memory_space<hbm>> -> memref<512xi32, #tpu.memory_space<hbm>>
      tpu.enqueue_dma source(%dma_start3A_130 : memref<512xi32, #tpu.memory_space<hbm>>) target(%arg5 : memref<512xi32, #tpu.memory_space<vmem>>) target_semaphore(%run_scoped3A : memref<!tpu.dma_semaphore, #tpu.memory_space<semaphore_mem>>)
      %dma_wait3A_131 = tpu.memref_slice %arg3[%add3A_18] : memref<262144xi32, #tpu.memory_space<hbm>> -> memref<512xi32, #tpu.memory_space<hbm>>
      %dma_wait3A_132 = tpu.memref_slice %arg3[%add3A_18] : memref<262144xi32, #tpu.memory_space<hbm>> -> memref<512xi32, #tpu.memory_space<hbm>>
      tpu.wait_dma2 semaphore(%run_scoped3A : memref<!tpu.dma_semaphore, #tpu.memory_space<semaphore_mem>>) src(%dma_wait3A_132 : memref<512xi32, #tpu.memory_space<hbm>>) dst(%arg5 : memref<512xi32, #tpu.memory_space<vmem>>)
      tpu.yield
    }) : () -> ()
    %dma_start3A_19 = arith.constant 0 : i32
    %dma_start3A_20 = arith.constant 0 : i32
    %dma_start3A_21 = tpu.memref_slice %arg2[%dma_start3A_19, %dma_start3A_20] : memref<262144x128xf32, #tpu.memory_space<hbm>> -> memref<262144x128xf32, #tpu.memory_space<hbm>>
    tpu.enqueue_indirect_dma source(%dma_start3A_21 : memref<262144x128xf32, #tpu.memory_space<hbm>>) target(%arg6 : memref<512x128xf32, #tpu.memory_space<vmem>>) offsets(%arg5 : memref<512xi32, #tpu.memory_space<vmem>>) semaphore(%arg7 : memref<!tpu.dma_semaphore, #tpu.memory_space<semaphore_mem>>)
    %dma_wait3A_22 = arith.constant 0 : i32
    %dma_wait3A_23 = arith.constant 0 : i32
    %dma_wait3A_24 = tpu.memref_slice %arg2[%dma_wait3A_22, %dma_wait3A_23] : memref<262144x128xf32, #tpu.memory_space<hbm>> -> memref<262144x128xf32, #tpu.memory_space<hbm>>
    tpu.wait_indirect_dma semaphore(%arg7 : memref<!tpu.dma_semaphore, #tpu.memory_space<semaphore_mem>>) src(%dma_wait3A_24 : memref<262144x128xf32, #tpu.memory_space<hbm>>) dst(%arg6 : memref<512x128xf32, #tpu.memory_space<vmem>>)
    "tpu.region"() ({
      %run_scoped3A = tpu.sem_alloc : memref<!tpu.dma_semaphore, #tpu.memory_space<semaphore_mem>>
      %dma_start3A_129 = arith.constant 0 : i32
      %dma_start3A_130 = tpu.memref_slice %arg4[%add3A_18, %dma_start3A_129] : memref<262144x128xf32, #tpu.memory_space<hbm>> -> memref<512x128xf32, #tpu.memory_space<hbm>>
      %dma_start3A_131 = arith.constant 0 : i32
      %dma_start3A_132 = tpu.memref_slice %arg4[%add3A_18, %dma_start3A_131] : memref<262144x128xf32, #tpu.memory_space<hbm>> -> memref<512x128xf32, #tpu.memory_space<hbm>>
      tpu.enqueue_dma source(%arg6 : memref<512x128xf32, #tpu.memory_space<vmem>>) target(%dma_start3A_132 : memref<512x128xf32, #tpu.memory_space<hbm>>) target_semaphore(%run_scoped3A : memref<!tpu.dma_semaphore, #tpu.memory_space<semaphore_mem>>)
      %dma_wait3A_133 = arith.constant 0 : i32
      %dma_wait3A_134 = tpu.memref_slice %arg4[%add3A_18, %dma_wait3A_133] : memref<262144x128xf32, #tpu.memory_space<hbm>> -> memref<512x128xf32, #tpu.memory_space<hbm>>
      %dma_wait3A_135 = arith.constant 0 : i32
      %dma_wait3A_136 = tpu.memref_slice %arg4[%add3A_18, %dma_wait3A_135] : memref<262144x128xf32, #tpu.memory_space<hbm>> -> memref<512x128xf32, #tpu.memory_space<hbm>>
      tpu.wait_dma2 semaphore(%run_scoped3A : memref<!tpu.dma_semaphore, #tpu.memory_space<semaphore_mem>>) src(%arg6 : memref<512x128xf32, #tpu.memory_space<vmem>>) dst(%dma_wait3A_136 : memref<512x128xf32, #tpu.memory_space<hbm>>)
      tpu.yield
    }) : () -> ()
    %add3A_25 = arith.constant 1536 : i32
    %add3A_26 = arith.addi %mul3A_2, %add3A_25 : i32
    "tpu.region"() ({
      %run_scoped3A = tpu.sem_alloc : memref<!tpu.dma_semaphore, #tpu.memory_space<semaphore_mem>>
      %dma_start3A_129 = tpu.memref_slice %arg3[%add3A_26] : memref<262144xi32, #tpu.memory_space<hbm>> -> memref<512xi32, #tpu.memory_space<hbm>>
      %dma_start3A_130 = tpu.memref_slice %arg3[%add3A_26] : memref<262144xi32, #tpu.memory_space<hbm>> -> memref<512xi32, #tpu.memory_space<hbm>>
      tpu.enqueue_dma source(%dma_start3A_130 : memref<512xi32, #tpu.memory_space<hbm>>) target(%arg5 : memref<512xi32, #tpu.memory_space<vmem>>) target_semaphore(%run_scoped3A : memref<!tpu.dma_semaphore, #tpu.memory_space<semaphore_mem>>)
      %dma_wait3A_131 = tpu.memref_slice %arg3[%add3A_26] : memref<262144xi32, #tpu.memory_space<hbm>> -> memref<512xi32, #tpu.memory_space<hbm>>
      %dma_wait3A_132 = tpu.memref_slice %arg3[%add3A_26] : memref<262144xi32, #tpu.memory_space<hbm>> -> memref<512xi32, #tpu.memory_space<hbm>>
      tpu.wait_dma2 semaphore(%run_scoped3A : memref<!tpu.dma_semaphore, #tpu.memory_space<semaphore_mem>>) src(%dma_wait3A_132 : memref<512xi32, #tpu.memory_space<hbm>>) dst(%arg5 : memref<512xi32, #tpu.memory_space<vmem>>)
      tpu.yield
    }) : () -> ()
    %dma_start3A_27 = arith.constant 0 : i32
    %dma_start3A_28 = arith.constant 0 : i32
    %dma_start3A_29 = tpu.memref_slice %arg2[%dma_start3A_27, %dma_start3A_28] : memref<262144x128xf32, #tpu.memory_space<hbm>> -> memref<262144x128xf32, #tpu.memory_space<hbm>>
    tpu.enqueue_indirect_dma source(%dma_start3A_29 : memref<262144x128xf32, #tpu.memory_space<hbm>>) target(%arg6 : memref<512x128xf32, #tpu.memory_space<vmem>>) offsets(%arg5 : memref<512xi32, #tpu.memory_space<vmem>>) semaphore(%arg7 : memref<!tpu.dma_semaphore, #tpu.memory_space<semaphore_mem>>)
    %dma_wait3A_30 = arith.constant 0 : i32
    %dma_wait3A_31 = arith.constant 0 : i32
    %dma_wait3A_32 = tpu.memref_slice %arg2[%dma_wait3A_30, %dma_wait3A_31] : memref<262144x128xf32, #tpu.memory_space<hbm>> -> memref<262144x128xf32, #tpu.memory_space<hbm>>
    tpu.wait_indirect_dma semaphore(%arg7 : memref<!tpu.dma_semaphore, #tpu.memory_space<semaphore_mem>>) src(%dma_wait3A_32 : memref<262144x128xf32, #tpu.memory_space<hbm>>) dst(%arg6 : memref<512x128xf32, #tpu.memory_space<vmem>>)
    "tpu.region"() ({
      %run_scoped3A = tpu.sem_alloc : memref<!tpu.dma_semaphore, #tpu.memory_space<semaphore_mem>>
      %dma_start3A_129 = arith.constant 0 : i32
      %dma_start3A_130 = tpu.memref_slice %arg4[%add3A_26, %dma_start3A_129] : memref<262144x128xf32, #tpu.memory_space<hbm>> -> memref<512x128xf32, #tpu.memory_space<hbm>>
      %dma_start3A_131 = arith.constant 0 : i32
      %dma_start3A_132 = tpu.memref_slice %arg4[%add3A_26, %dma_start3A_131] : memref<262144x128xf32, #tpu.memory_space<hbm>> -> memref<512x128xf32, #tpu.memory_space<hbm>>
      tpu.enqueue_dma source(%arg6 : memref<512x128xf32, #tpu.memory_space<vmem>>) target(%dma_start3A_132 : memref<512x128xf32, #tpu.memory_space<hbm>>) target_semaphore(%run_scoped3A : memref<!tpu.dma_semaphore, #tpu.memory_space<semaphore_mem>>)
      %dma_wait3A_133 = arith.constant 0 : i32
      %dma_wait3A_134 = tpu.memref_slice %arg4[%add3A_26, %dma_wait3A_133] : memref<262144x128xf32, #tpu.memory_space<hbm>> -> memref<512x128xf32, #tpu.memory_space<hbm>>
      %dma_wait3A_135 = arith.constant 0 : i32
      %dma_wait3A_136 = tpu.memref_slice %arg4[%add3A_26, %dma_wait3A_135] : memref<262144x128xf32, #tpu.memory_space<hbm>> -> memref<512x128xf32, #tpu.memory_space<hbm>>
      tpu.wait_dma2 semaphore(%run_scoped3A : memref<!tpu.dma_semaphore, #tpu.memory_space<semaphore_mem>>) src(%arg6 : memref<512x128xf32, #tpu.memory_space<vmem>>) dst(%dma_wait3A_136 : memref<512x128xf32, #tpu.memory_space<hbm>>)
      tpu.yield
    }) : () -> ()
    %add3A_33 = arith.constant 2048 : i32
    %add3A_34 = arith.addi %mul3A_2, %add3A_33 : i32
    "tpu.region"() ({
      %run_scoped3A = tpu.sem_alloc : memref<!tpu.dma_semaphore, #tpu.memory_space<semaphore_mem>>
      %dma_start3A_129 = tpu.memref_slice %arg3[%add3A_34] : memref<262144xi32, #tpu.memory_space<hbm>> -> memref<512xi32, #tpu.memory_space<hbm>>
      %dma_start3A_130 = tpu.memref_slice %arg3[%add3A_34] : memref<262144xi32, #tpu.memory_space<hbm>> -> memref<512xi32, #tpu.memory_space<hbm>>
      tpu.enqueue_dma source(%dma_start3A_130 : memref<512xi32, #tpu.memory_space<hbm>>) target(%arg5 : memref<512xi32, #tpu.memory_space<vmem>>) target_semaphore(%run_scoped3A : memref<!tpu.dma_semaphore, #tpu.memory_space<semaphore_mem>>)
      %dma_wait3A_131 = tpu.memref_slice %arg3[%add3A_34] : memref<262144xi32, #tpu.memory_space<hbm>> -> memref<512xi32, #tpu.memory_space<hbm>>
      %dma_wait3A_132 = tpu.memref_slice %arg3[%add3A_34] : memref<262144xi32, #tpu.memory_space<hbm>> -> memref<512xi32, #tpu.memory_space<hbm>>
      tpu.wait_dma2 semaphore(%run_scoped3A : memref<!tpu.dma_semaphore, #tpu.memory_space<semaphore_mem>>) src(%dma_wait3A_132 : memref<512xi32, #tpu.memory_space<hbm>>) dst(%arg5 : memref<512xi32, #tpu.memory_space<vmem>>)
      tpu.yield
    }) : () -> ()
    %dma_start3A_35 = arith.constant 0 : i32
    %dma_start3A_36 = arith.constant 0 : i32
    %dma_start3A_37 = tpu.memref_slice %arg2[%dma_start3A_35, %dma_start3A_36] : memref<262144x128xf32, #tpu.memory_space<hbm>> -> memref<262144x128xf32, #tpu.memory_space<hbm>>
    tpu.enqueue_indirect_dma source(%dma_start3A_37 : memref<262144x128xf32, #tpu.memory_space<hbm>>) target(%arg6 : memref<512x128xf32, #tpu.memory_space<vmem>>) offsets(%arg5 : memref<512xi32, #tpu.memory_space<vmem>>) semaphore(%arg7 : memref<!tpu.dma_semaphore, #tpu.memory_space<semaphore_mem>>)
    %dma_wait3A_38 = arith.constant 0 : i32
    %dma_wait3A_39 = arith.constant 0 : i32
    %dma_wait3A_40 = tpu.memref_slice %arg2[%dma_wait3A_38, %dma_wait3A_39] : memref<262144x128xf32, #tpu.memory_space<hbm>> -> memref<262144x128xf32, #tpu.memory_space<hbm>>
    tpu.wait_indirect_dma semaphore(%arg7 : memref<!tpu.dma_semaphore, #tpu.memory_space<semaphore_mem>>) src(%dma_wait3A_40 : memref<262144x128xf32, #tpu.memory_space<hbm>>) dst(%arg6 : memref<512x128xf32, #tpu.memory_space<vmem>>)
    "tpu.region"() ({
      %run_scoped3A = tpu.sem_alloc : memref<!tpu.dma_semaphore, #tpu.memory_space<semaphore_mem>>
      %dma_start3A_129 = arith.constant 0 : i32
      %dma_start3A_130 = tpu.memref_slice %arg4[%add3A_34, %dma_start3A_129] : memref<262144x128xf32, #tpu.memory_space<hbm>> -> memref<512x128xf32, #tpu.memory_space<hbm>>
      %dma_start3A_131 = arith.constant 0 : i32
      %dma_start3A_132 = tpu.memref_slice %arg4[%add3A_34, %dma_start3A_131] : memref<262144x128xf32, #tpu.memory_space<hbm>> -> memref<512x128xf32, #tpu.memory_space<hbm>>
      tpu.enqueue_dma source(%arg6 : memref<512x128xf32, #tpu.memory_space<vmem>>) target(%dma_start3A_132 : memref<512x128xf32, #tpu.memory_space<hbm>>) target_semaphore(%run_scoped3A : memref<!tpu.dma_semaphore, #tpu.memory_space<semaphore_mem>>)
      %dma_wait3A_133 = arith.constant 0 : i32
      %dma_wait3A_134 = tpu.memref_slice %arg4[%add3A_34, %dma_wait3A_133] : memref<262144x128xf32, #tpu.memory_space<hbm>> -> memref<512x128xf32, #tpu.memory_space<hbm>>
      %dma_wait3A_135 = arith.constant 0 : i32
      %dma_wait3A_136 = tpu.memref_slice %arg4[%add3A_34, %dma_wait3A_135] : memref<262144x128xf32, #tpu.memory_space<hbm>> -> memref<512x128xf32, #tpu.memory_space<hbm>>
      tpu.wait_dma2 semaphore(%run_scoped3A : memref<!tpu.dma_semaphore, #tpu.memory_space<semaphore_mem>>) src(%arg6 : memref<512x128xf32, #tpu.memory_space<vmem>>) dst(%dma_wait3A_136 : memref<512x128xf32, #tpu.memory_space<hbm>>)
      tpu.yield
    }) : () -> ()
    %add3A_41 = arith.constant 2560 : i32
    %add3A_42 = arith.addi %mul3A_2, %add3A_41 : i32
    "tpu.region"() ({
      %run_scoped3A = tpu.sem_alloc : memref<!tpu.dma_semaphore, #tpu.memory_space<semaphore_mem>>
      %dma_start3A_129 = tpu.memref_slice %arg3[%add3A_42] : memref<262144xi32, #tpu.memory_space<hbm>> -> memref<512xi32, #tpu.memory_space<hbm>>
      %dma_start3A_130 = tpu.memref_slice %arg3[%add3A_42] : memref<262144xi32, #tpu.memory_space<hbm>> -> memref<512xi32, #tpu.memory_space<hbm>>
      tpu.enqueue_dma source(%dma_start3A_130 : memref<512xi32, #tpu.memory_space<hbm>>) target(%arg5 : memref<512xi32, #tpu.memory_space<vmem>>) target_semaphore(%run_scoped3A : memref<!tpu.dma_semaphore, #tpu.memory_space<semaphore_mem>>)
      %dma_wait3A_131 = tpu.memref_slice %arg3[%add3A_42] : memref<262144xi32, #tpu.memory_space<hbm>> -> memref<512xi32, #tpu.memory_space<hbm>>
      %dma_wait3A_132 = tpu.memref_slice %arg3[%add3A_42] : memref<262144xi32, #tpu.memory_space<hbm>> -> memref<512xi32, #tpu.memory_space<hbm>>
      tpu.wait_dma2 semaphore(%run_scoped3A : memref<!tpu.dma_semaphore, #tpu.memory_space<semaphore_mem>>) src(%dma_wait3A_132 : memref<512xi32, #tpu.memory_space<hbm>>) dst(%arg5 : memref<512xi32, #tpu.memory_space<vmem>>)
      tpu.yield
    }) : () -> ()
    %dma_start3A_43 = arith.constant 0 : i32
    %dma_start3A_44 = arith.constant 0 : i32
    %dma_start3A_45 = tpu.memref_slice %arg2[%dma_start3A_43, %dma_start3A_44] : memref<262144x128xf32, #tpu.memory_space<hbm>> -> memref<262144x128xf32, #tpu.memory_space<hbm>>
    tpu.enqueue_indirect_dma source(%dma_start3A_45 : memref<262144x128xf32, #tpu.memory_space<hbm>>) target(%arg6 : memref<512x128xf32, #tpu.memory_space<vmem>>) offsets(%arg5 : memref<512xi32, #tpu.memory_space<vmem>>) semaphore(%arg7 : memref<!tpu.dma_semaphore, #tpu.memory_space<semaphore_mem>>)
    %dma_wait3A_46 = arith.constant 0 : i32
    %dma_wait3A_47 = arith.constant 0 : i32
    %dma_wait3A_48 = tpu.memref_slice %arg2[%dma_wait3A_46, %dma_wait3A_47] : memref<262144x128xf32, #tpu.memory_space<hbm>> -> memref<262144x128xf32, #tpu.memory_space<hbm>>
    tpu.wait_indirect_dma semaphore(%arg7 : memref<!tpu.dma_semaphore, #tpu.memory_space<semaphore_mem>>) src(%dma_wait3A_48 : memref<262144x128xf32, #tpu.memory_space<hbm>>) dst(%arg6 : memref<512x128xf32, #tpu.memory_space<vmem>>)
    "tpu.region"() ({
      %run_scoped3A = tpu.sem_alloc : memref<!tpu.dma_semaphore, #tpu.memory_space<semaphore_mem>>
      %dma_start3A_129 = arith.constant 0 : i32
      %dma_start3A_130 = tpu.memref_slice %arg4[%add3A_42, %dma_start3A_129] : memref<262144x128xf32, #tpu.memory_space<hbm>> -> memref<512x128xf32, #tpu.memory_space<hbm>>
      %dma_start3A_131 = arith.constant 0 : i32
      %dma_start3A_132 = tpu.memref_slice %arg4[%add3A_42, %dma_start3A_131] : memref<262144x128xf32, #tpu.memory_space<hbm>> -> memref<512x128xf32, #tpu.memory_space<hbm>>
      tpu.enqueue_dma source(%arg6 : memref<512x128xf32, #tpu.memory_space<vmem>>) target(%dma_start3A_132 : memref<512x128xf32, #tpu.memory_space<hbm>>) target_semaphore(%run_scoped3A : memref<!tpu.dma_semaphore, #tpu.memory_space<semaphore_mem>>)
      %dma_wait3A_133 = arith.constant 0 : i32
      %dma_wait3A_134 = tpu.memref_slice %arg4[%add3A_42, %dma_wait3A_133] : memref<262144x128xf32, #tpu.memory_space<hbm>> -> memref<512x128xf32, #tpu.memory_space<hbm>>
      %dma_wait3A_135 = arith.constant 0 : i32
      %dma_wait3A_136 = tpu.memref_slice %arg4[%add3A_42, %dma_wait3A_135] : memref<262144x128xf32, #tpu.memory_space<hbm>> -> memref<512x128xf32, #tpu.memory_space<hbm>>
      tpu.wait_dma2 semaphore(%run_scoped3A : memref<!tpu.dma_semaphore, #tpu.memory_space<semaphore_mem>>) src(%arg6 : memref<512x128xf32, #tpu.memory_space<vmem>>) dst(%dma_wait3A_136 : memref<512x128xf32, #tpu.memory_space<hbm>>)
      tpu.yield
    }) : () -> ()
    %add3A_49 = arith.constant 3072 : i32
    %add3A_50 = arith.addi %mul3A_2, %add3A_49 : i32
    "tpu.region"() ({
      %run_scoped3A = tpu.sem_alloc : memref<!tpu.dma_semaphore, #tpu.memory_space<semaphore_mem>>
      %dma_start3A_129 = tpu.memref_slice %arg3[%add3A_50] : memref<262144xi32, #tpu.memory_space<hbm>> -> memref<512xi32, #tpu.memory_space<hbm>>
      %dma_start3A_130 = tpu.memref_slice %arg3[%add3A_50] : memref<262144xi32, #tpu.memory_space<hbm>> -> memref<512xi32, #tpu.memory_space<hbm>>
      tpu.enqueue_dma source(%dma_start3A_130 : memref<512xi32, #tpu.memory_space<hbm>>) target(%arg5 : memref<512xi32, #tpu.memory_space<vmem>>) target_semaphore(%run_scoped3A : memref<!tpu.dma_semaphore, #tpu.memory_space<semaphore_mem>>)
      %dma_wait3A_131 = tpu.memref_slice %arg3[%add3A_50] : memref<262144xi32, #tpu.memory_space<hbm>> -> memref<512xi32, #tpu.memory_space<hbm>>
      %dma_wait3A_132 = tpu.memref_slice %arg3[%add3A_50] : memref<262144xi32, #tpu.memory_space<hbm>> -> memref<512xi32, #tpu.memory_space<hbm>>
      tpu.wait_dma2 semaphore(%run_scoped3A : memref<!tpu.dma_semaphore, #tpu.memory_space<semaphore_mem>>) src(%dma_wait3A_132 : memref<512xi32, #tpu.memory_space<hbm>>) dst(%arg5 : memref<512xi32, #tpu.memory_space<vmem>>)
      tpu.yield
    }) : () -> ()
    %dma_start3A_51 = arith.constant 0 : i32
    %dma_start3A_52 = arith.constant 0 : i32
    %dma_start3A_53 = tpu.memref_slice %arg2[%dma_start3A_51, %dma_start3A_52] : memref<262144x128xf32, #tpu.memory_space<hbm>> -> memref<262144x128xf32, #tpu.memory_space<hbm>>
    tpu.enqueue_indirect_dma source(%dma_start3A_53 : memref<262144x128xf32, #tpu.memory_space<hbm>>) target(%arg6 : memref<512x128xf32, #tpu.memory_space<vmem>>) offsets(%arg5 : memref<512xi32, #tpu.memory_space<vmem>>) semaphore(%arg7 : memref<!tpu.dma_semaphore, #tpu.memory_space<semaphore_mem>>)
    %dma_wait3A_54 = arith.constant 0 : i32
    %dma_wait3A_55 = arith.constant 0 : i32
    %dma_wait3A_56 = tpu.memref_slice %arg2[%dma_wait3A_54, %dma_wait3A_55] : memref<262144x128xf32, #tpu.memory_space<hbm>> -> memref<262144x128xf32, #tpu.memory_space<hbm>>
    tpu.wait_indirect_dma semaphore(%arg7 : memref<!tpu.dma_semaphore, #tpu.memory_space<semaphore_mem>>) src(%dma_wait3A_56 : memref<262144x128xf32, #tpu.memory_space<hbm>>) dst(%arg6 : memref<512x128xf32, #tpu.memory_space<vmem>>)
    "tpu.region"() ({
      %run_scoped3A = tpu.sem_alloc : memref<!tpu.dma_semaphore, #tpu.memory_space<semaphore_mem>>
      %dma_start3A_129 = arith.constant 0 : i32
      %dma_start3A_130 = tpu.memref_slice %arg4[%add3A_50, %dma_start3A_129] : memref<262144x128xf32, #tpu.memory_space<hbm>> -> memref<512x128xf32, #tpu.memory_space<hbm>>
      %dma_start3A_131 = arith.constant 0 : i32
      %dma_start3A_132 = tpu.memref_slice %arg4[%add3A_50, %dma_start3A_131] : memref<262144x128xf32, #tpu.memory_space<hbm>> -> memref<512x128xf32, #tpu.memory_space<hbm>>
      tpu.enqueue_dma source(%arg6 : memref<512x128xf32, #tpu.memory_space<vmem>>) target(%dma_start3A_132 : memref<512x128xf32, #tpu.memory_space<hbm>>) target_semaphore(%run_scoped3A : memref<!tpu.dma_semaphore, #tpu.memory_space<semaphore_mem>>)
      %dma_wait3A_133 = arith.constant 0 : i32
      %dma_wait3A_134 = tpu.memref_slice %arg4[%add3A_50, %dma_wait3A_133] : memref<262144x128xf32, #tpu.memory_space<hbm>> -> memref<512x128xf32, #tpu.memory_space<hbm>>
      %dma_wait3A_135 = arith.constant 0 : i32
      %dma_wait3A_136 = tpu.memref_slice %arg4[%add3A_50, %dma_wait3A_135] : memref<262144x128xf32, #tpu.memory_space<hbm>> -> memref<512x128xf32, #tpu.memory_space<hbm>>
      tpu.wait_dma2 semaphore(%run_scoped3A : memref<!tpu.dma_semaphore, #tpu.memory_space<semaphore_mem>>) src(%arg6 : memref<512x128xf32, #tpu.memory_space<vmem>>) dst(%dma_wait3A_136 : memref<512x128xf32, #tpu.memory_space<hbm>>)
      tpu.yield
    }) : () -> ()
    %add3A_57 = arith.constant 3584 : i32
    %add3A_58 = arith.addi %mul3A_2, %add3A_57 : i32
    "tpu.region"() ({
      %run_scoped3A = tpu.sem_alloc : memref<!tpu.dma_semaphore, #tpu.memory_space<semaphore_mem>>
      %dma_start3A_129 = tpu.memref_slice %arg3[%add3A_58] : memref<262144xi32, #tpu.memory_space<hbm>> -> memref<512xi32, #tpu.memory_space<hbm>>
      %dma_start3A_130 = tpu.memref_slice %arg3[%add3A_58] : memref<262144xi32, #tpu.memory_space<hbm>> -> memref<512xi32, #tpu.memory_space<hbm>>
      tpu.enqueue_dma source(%dma_start3A_130 : memref<512xi32, #tpu.memory_space<hbm>>) target(%arg5 : memref<512xi32, #tpu.memory_space<vmem>>) target_semaphore(%run_scoped3A : memref<!tpu.dma_semaphore, #tpu.memory_space<semaphore_mem>>)
      %dma_wait3A_131 = tpu.memref_slice %arg3[%add3A_58] : memref<262144xi32, #tpu.memory_space<hbm>> -> memref<512xi32, #tpu.memory_space<hbm>>
      %dma_wait3A_132 = tpu.memref_slice %arg3[%add3A_58] : memref<262144xi32, #tpu.memory_space<hbm>> -> memref<512xi32, #tpu.memory_space<hbm>>
      tpu.wait_dma2 semaphore(%run_scoped3A : memref<!tpu.dma_semaphore, #tpu.memory_space<semaphore_mem>>) src(%dma_wait3A_132 : memref<512xi32, #tpu.memory_space<hbm>>) dst(%arg5 : memref<512xi32, #tpu.memory_space<vmem>>)
      tpu.yield
    }) : () -> ()
    %dma_start3A_59 = arith.constant 0 : i32
    %dma_start3A_60 = arith.constant 0 : i32
    %dma_start3A_61 = tpu.memref_slice %arg2[%dma_start3A_59, %dma_start3A_60] : memref<262144x128xf32, #tpu.memory_space<hbm>> -> memref<262144x128xf32, #tpu.memory_space<hbm>>
    tpu.enqueue_indirect_dma source(%dma_start3A_61 : memref<262144x128xf32, #tpu.memory_space<hbm>>) target(%arg6 : memref<512x128xf32, #tpu.memory_space<vmem>>) offsets(%arg5 : memref<512xi32, #tpu.memory_space<vmem>>) semaphore(%arg7 : memref<!tpu.dma_semaphore, #tpu.memory_space<semaphore_mem>>)
    %dma_wait3A_62 = arith.constant 0 : i32
    %dma_wait3A_63 = arith.constant 0 : i32
    %dma_wait3A_64 = tpu.memref_slice %arg2[%dma_wait3A_62, %dma_wait3A_63] : memref<262144x128xf32, #tpu.memory_space<hbm>> -> memref<262144x128xf32, #tpu.memory_space<hbm>>
    tpu.wait_indirect_dma semaphore(%arg7 : memref<!tpu.dma_semaphore, #tpu.memory_space<semaphore_mem>>) src(%dma_wait3A_64 : memref<262144x128xf32, #tpu.memory_space<hbm>>) dst(%arg6 : memref<512x128xf32, #tpu.memory_space<vmem>>)
    "tpu.region"() ({
      %run_scoped3A = tpu.sem_alloc : memref<!tpu.dma_semaphore, #tpu.memory_space<semaphore_mem>>
      %dma_start3A_129 = arith.constant 0 : i32
      %dma_start3A_130 = tpu.memref_slice %arg4[%add3A_58, %dma_start3A_129] : memref<262144x128xf32, #tpu.memory_space<hbm>> -> memref<512x128xf32, #tpu.memory_space<hbm>>
      %dma_start3A_131 = arith.constant 0 : i32
      %dma_start3A_132 = tpu.memref_slice %arg4[%add3A_58, %dma_start3A_131] : memref<262144x128xf32, #tpu.memory_space<hbm>> -> memref<512x128xf32, #tpu.memory_space<hbm>>
      tpu.enqueue_dma source(%arg6 : memref<512x128xf32, #tpu.memory_space<vmem>>) target(%dma_start3A_132 : memref<512x128xf32, #tpu.memory_space<hbm>>) target_semaphore(%run_scoped3A : memref<!tpu.dma_semaphore, #tpu.memory_space<semaphore_mem>>)
      %dma_wait3A_133 = arith.constant 0 : i32
      %dma_wait3A_134 = tpu.memref_slice %arg4[%add3A_58, %dma_wait3A_133] : memref<262144x128xf32, #tpu.memory_space<hbm>> -> memref<512x128xf32, #tpu.memory_space<hbm>>
      %dma_wait3A_135 = arith.constant 0 : i32
      %dma_wait3A_136 = tpu.memref_slice %arg4[%add3A_58, %dma_wait3A_135] : memref<262144x128xf32, #tpu.memory_space<hbm>> -> memref<512x128xf32, #tpu.memory_space<hbm>>
      tpu.wait_dma2 semaphore(%run_scoped3A : memref<!tpu.dma_semaphore, #tpu.memory_space<semaphore_mem>>) src(%arg6 : memref<512x128xf32, #tpu.memory_space<vmem>>) dst(%dma_wait3A_136 : memref<512x128xf32, #tpu.memory_space<hbm>>)
      tpu.yield
    }) : () -> ()
    %add3A_65 = arith.constant 4096 : i32
    %add3A_66 = arith.addi %mul3A_2, %add3A_65 : i32
    "tpu.region"() ({
      %run_scoped3A = tpu.sem_alloc : memref<!tpu.dma_semaphore, #tpu.memory_space<semaphore_mem>>
      %dma_start3A_129 = tpu.memref_slice %arg3[%add3A_66] : memref<262144xi32, #tpu.memory_space<hbm>> -> memref<512xi32, #tpu.memory_space<hbm>>
      %dma_start3A_130 = tpu.memref_slice %arg3[%add3A_66] : memref<262144xi32, #tpu.memory_space<hbm>> -> memref<512xi32, #tpu.memory_space<hbm>>
      tpu.enqueue_dma source(%dma_start3A_130 : memref<512xi32, #tpu.memory_space<hbm>>) target(%arg5 : memref<512xi32, #tpu.memory_space<vmem>>) target_semaphore(%run_scoped3A : memref<!tpu.dma_semaphore, #tpu.memory_space<semaphore_mem>>)
      %dma_wait3A_131 = tpu.memref_slice %arg3[%add3A_66] : memref<262144xi32, #tpu.memory_space<hbm>> -> memref<512xi32, #tpu.memory_space<hbm>>
      %dma_wait3A_132 = tpu.memref_slice %arg3[%add3A_66] : memref<262144xi32, #tpu.memory_space<hbm>> -> memref<512xi32, #tpu.memory_space<hbm>>
      tpu.wait_dma2 semaphore(%run_scoped3A : memref<!tpu.dma_semaphore, #tpu.memory_space<semaphore_mem>>) src(%dma_wait3A_132 : memref<512xi32, #tpu.memory_space<hbm>>) dst(%arg5 : memref<512xi32, #tpu.memory_space<vmem>>)
      tpu.yield
    }) : () -> ()
    %dma_start3A_67 = arith.constant 0 : i32
    %dma_start3A_68 = arith.constant 0 : i32
    %dma_start3A_69 = tpu.memref_slice %arg2[%dma_start3A_67, %dma_start3A_68] : memref<262144x128xf32, #tpu.memory_space<hbm>> -> memref<262144x128xf32, #tpu.memory_space<hbm>>
    tpu.enqueue_indirect_dma source(%dma_start3A_69 : memref<262144x128xf32, #tpu.memory_space<hbm>>) target(%arg6 : memref<512x128xf32, #tpu.memory_space<vmem>>) offsets(%arg5 : memref<512xi32, #tpu.memory_space<vmem>>) semaphore(%arg7 : memref<!tpu.dma_semaphore, #tpu.memory_space<semaphore_mem>>)
    %dma_wait3A_70 = arith.constant 0 : i32
    %dma_wait3A_71 = arith.constant 0 : i32
    %dma_wait3A_72 = tpu.memref_slice %arg2[%dma_wait3A_70, %dma_wait3A_71] : memref<262144x128xf32, #tpu.memory_space<hbm>> -> memref<262144x128xf32, #tpu.memory_space<hbm>>
    tpu.wait_indirect_dma semaphore(%arg7 : memref<!tpu.dma_semaphore, #tpu.memory_space<semaphore_mem>>) src(%dma_wait3A_72 : memref<262144x128xf32, #tpu.memory_space<hbm>>) dst(%arg6 : memref<512x128xf32, #tpu.memory_space<vmem>>)
    "tpu.region"() ({
      %run_scoped3A = tpu.sem_alloc : memref<!tpu.dma_semaphore, #tpu.memory_space<semaphore_mem>>
      %dma_start3A_129 = arith.constant 0 : i32
      %dma_start3A_130 = tpu.memref_slice %arg4[%add3A_66, %dma_start3A_129] : memref<262144x128xf32, #tpu.memory_space<hbm>> -> memref<512x128xf32, #tpu.memory_space<hbm>>
      %dma_start3A_131 = arith.constant 0 : i32
      %dma_start3A_132 = tpu.memref_slice %arg4[%add3A_66, %dma_start3A_131] : memref<262144x128xf32, #tpu.memory_space<hbm>> -> memref<512x128xf32, #tpu.memory_space<hbm>>
      tpu.enqueue_dma source(%arg6 : memref<512x128xf32, #tpu.memory_space<vmem>>) target(%dma_start3A_132 : memref<512x128xf32, #tpu.memory_space<hbm>>) target_semaphore(%run_scoped3A : memref<!tpu.dma_semaphore, #tpu.memory_space<semaphore_mem>>)
      %dma_wait3A_133 = arith.constant 0 : i32
      %dma_wait3A_134 = tpu.memref_slice %arg4[%add3A_66, %dma_wait3A_133] : memref<262144x128xf32, #tpu.memory_space<hbm>> -> memref<512x128xf32, #tpu.memory_space<hbm>>
      %dma_wait3A_135 = arith.constant 0 : i32
      %dma_wait3A_136 = tpu.memref_slice %arg4[%add3A_66, %dma_wait3A_135] : memref<262144x128xf32, #tpu.memory_space<hbm>> -> memref<512x128xf32, #tpu.memory_space<hbm>>
      tpu.wait_dma2 semaphore(%run_scoped3A : memref<!tpu.dma_semaphore, #tpu.memory_space<semaphore_mem>>) src(%arg6 : memref<512x128xf32, #tpu.memory_space<vmem>>) dst(%dma_wait3A_136 : memref<512x128xf32, #tpu.memory_space<hbm>>)
      tpu.yield
    }) : () -> ()
    %add3A_73 = arith.constant 4608 : i32
    %add3A_74 = arith.addi %mul3A_2, %add3A_73 : i32
    "tpu.region"() ({
      %run_scoped3A = tpu.sem_alloc : memref<!tpu.dma_semaphore, #tpu.memory_space<semaphore_mem>>
      %dma_start3A_129 = tpu.memref_slice %arg3[%add3A_74] : memref<262144xi32, #tpu.memory_space<hbm>> -> memref<512xi32, #tpu.memory_space<hbm>>
      %dma_start3A_130 = tpu.memref_slice %arg3[%add3A_74] : memref<262144xi32, #tpu.memory_space<hbm>> -> memref<512xi32, #tpu.memory_space<hbm>>
      tpu.enqueue_dma source(%dma_start3A_130 : memref<512xi32, #tpu.memory_space<hbm>>) target(%arg5 : memref<512xi32, #tpu.memory_space<vmem>>) target_semaphore(%run_scoped3A : memref<!tpu.dma_semaphore, #tpu.memory_space<semaphore_mem>>)
      %dma_wait3A_131 = tpu.memref_slice %arg3[%add3A_74] : memref<262144xi32, #tpu.memory_space<hbm>> -> memref<512xi32, #tpu.memory_space<hbm>>
      %dma_wait3A_132 = tpu.memref_slice %arg3[%add3A_74] : memref<262144xi32, #tpu.memory_space<hbm>> -> memref<512xi32, #tpu.memory_space<hbm>>
      tpu.wait_dma2 semaphore(%run_scoped3A : memref<!tpu.dma_semaphore, #tpu.memory_space<semaphore_mem>>) src(%dma_wait3A_132 : memref<512xi32, #tpu.memory_space<hbm>>) dst(%arg5 : memref<512xi32, #tpu.memory_space<vmem>>)
      tpu.yield
    }) : () -> ()
    %dma_start3A_75 = arith.constant 0 : i32
    %dma_start3A_76 = arith.constant 0 : i32
    %dma_start3A_77 = tpu.memref_slice %arg2[%dma_start3A_75, %dma_start3A_76] : memref<262144x128xf32, #tpu.memory_space<hbm>> -> memref<262144x128xf32, #tpu.memory_space<hbm>>
    tpu.enqueue_indirect_dma source(%dma_start3A_77 : memref<262144x128xf32, #tpu.memory_space<hbm>>) target(%arg6 : memref<512x128xf32, #tpu.memory_space<vmem>>) offsets(%arg5 : memref<512xi32, #tpu.memory_space<vmem>>) semaphore(%arg7 : memref<!tpu.dma_semaphore, #tpu.memory_space<semaphore_mem>>)
    %dma_wait3A_78 = arith.constant 0 : i32
    %dma_wait3A_79 = arith.constant 0 : i32
    %dma_wait3A_80 = tpu.memref_slice %arg2[%dma_wait3A_78, %dma_wait3A_79] : memref<262144x128xf32, #tpu.memory_space<hbm>> -> memref<262144x128xf32, #tpu.memory_space<hbm>>
    tpu.wait_indirect_dma semaphore(%arg7 : memref<!tpu.dma_semaphore, #tpu.memory_space<semaphore_mem>>) src(%dma_wait3A_80 : memref<262144x128xf32, #tpu.memory_space<hbm>>) dst(%arg6 : memref<512x128xf32, #tpu.memory_space<vmem>>)
    "tpu.region"() ({
      %run_scoped3A = tpu.sem_alloc : memref<!tpu.dma_semaphore, #tpu.memory_space<semaphore_mem>>
      %dma_start3A_129 = arith.constant 0 : i32
      %dma_start3A_130 = tpu.memref_slice %arg4[%add3A_74, %dma_start3A_129] : memref<262144x128xf32, #tpu.memory_space<hbm>> -> memref<512x128xf32, #tpu.memory_space<hbm>>
      %dma_start3A_131 = arith.constant 0 : i32
      %dma_start3A_132 = tpu.memref_slice %arg4[%add3A_74, %dma_start3A_131] : memref<262144x128xf32, #tpu.memory_space<hbm>> -> memref<512x128xf32, #tpu.memory_space<hbm>>
      tpu.enqueue_dma source(%arg6 : memref<512x128xf32, #tpu.memory_space<vmem>>) target(%dma_start3A_132 : memref<512x128xf32, #tpu.memory_space<hbm>>) target_semaphore(%run_scoped3A : memref<!tpu.dma_semaphore, #tpu.memory_space<semaphore_mem>>)
      %dma_wait3A_133 = arith.constant 0 : i32
      %dma_wait3A_134 = tpu.memref_slice %arg4[%add3A_74, %dma_wait3A_133] : memref<262144x128xf32, #tpu.memory_space<hbm>> -> memref<512x128xf32, #tpu.memory_space<hbm>>
      %dma_wait3A_135 = arith.constant 0 : i32
      %dma_wait3A_136 = tpu.memref_slice %arg4[%add3A_74, %dma_wait3A_135] : memref<262144x128xf32, #tpu.memory_space<hbm>> -> memref<512x128xf32, #tpu.memory_space<hbm>>
      tpu.wait_dma2 semaphore(%run_scoped3A : memref<!tpu.dma_semaphore, #tpu.memory_space<semaphore_mem>>) src(%arg6 : memref<512x128xf32, #tpu.memory_space<vmem>>) dst(%dma_wait3A_136 : memref<512x128xf32, #tpu.memory_space<hbm>>)
      tpu.yield
    }) : () -> ()
    %add3A_81 = arith.constant 5120 : i32
    %add3A_82 = arith.addi %mul3A_2, %add3A_81 : i32
    "tpu.region"() ({
      %run_scoped3A = tpu.sem_alloc : memref<!tpu.dma_semaphore, #tpu.memory_space<semaphore_mem>>
      %dma_start3A_129 = tpu.memref_slice %arg3[%add3A_82] : memref<262144xi32, #tpu.memory_space<hbm>> -> memref<512xi32, #tpu.memory_space<hbm>>
      %dma_start3A_130 = tpu.memref_slice %arg3[%add3A_82] : memref<262144xi32, #tpu.memory_space<hbm>> -> memref<512xi32, #tpu.memory_space<hbm>>
      tpu.enqueue_dma source(%dma_start3A_130 : memref<512xi32, #tpu.memory_space<hbm>>) target(%arg5 : memref<512xi32, #tpu.memory_space<vmem>>) target_semaphore(%run_scoped3A : memref<!tpu.dma_semaphore, #tpu.memory_space<semaphore_mem>>)
      %dma_wait3A_131 = tpu.memref_slice %arg3[%add3A_82] : memref<262144xi32, #tpu.memory_space<hbm>> -> memref<512xi32, #tpu.memory_space<hbm>>
      %dma_wait3A_132 = tpu.memref_slice %arg3[%add3A_82] : memref<262144xi32, #tpu.memory_space<hbm>> -> memref<512xi32, #tpu.memory_space<hbm>>
      tpu.wait_dma2 semaphore(%run_scoped3A : memref<!tpu.dma_semaphore, #tpu.memory_space<semaphore_mem>>) src(%dma_wait3A_132 : memref<512xi32, #tpu.memory_space<hbm>>) dst(%arg5 : memref<512xi32, #tpu.memory_space<vmem>>)
      tpu.yield
    }) : () -> ()
    %dma_start3A_83 = arith.constant 0 : i32
    %dma_start3A_84 = arith.constant 0 : i32
    %dma_start3A_85 = tpu.memref_slice %arg2[%dma_start3A_83, %dma_start3A_84] : memref<262144x128xf32, #tpu.memory_space<hbm>> -> memref<262144x128xf32, #tpu.memory_space<hbm>>
    tpu.enqueue_indirect_dma source(%dma_start3A_85 : memref<262144x128xf32, #tpu.memory_space<hbm>>) target(%arg6 : memref<512x128xf32, #tpu.memory_space<vmem>>) offsets(%arg5 : memref<512xi32, #tpu.memory_space<vmem>>) semaphore(%arg7 : memref<!tpu.dma_semaphore, #tpu.memory_space<semaphore_mem>>)
    %dma_wait3A_86 = arith.constant 0 : i32
    %dma_wait3A_87 = arith.constant 0 : i32
    %dma_wait3A_88 = tpu.memref_slice %arg2[%dma_wait3A_86, %dma_wait3A_87] : memref<262144x128xf32, #tpu.memory_space<hbm>> -> memref<262144x128xf32, #tpu.memory_space<hbm>>
    tpu.wait_indirect_dma semaphore(%arg7 : memref<!tpu.dma_semaphore, #tpu.memory_space<semaphore_mem>>) src(%dma_wait3A_88 : memref<262144x128xf32, #tpu.memory_space<hbm>>) dst(%arg6 : memref<512x128xf32, #tpu.memory_space<vmem>>)
    "tpu.region"() ({
      %run_scoped3A = tpu.sem_alloc : memref<!tpu.dma_semaphore, #tpu.memory_space<semaphore_mem>>
      %dma_start3A_129 = arith.constant 0 : i32
      %dma_start3A_130 = tpu.memref_slice %arg4[%add3A_82, %dma_start3A_129] : memref<262144x128xf32, #tpu.memory_space<hbm>> -> memref<512x128xf32, #tpu.memory_space<hbm>>
      %dma_start3A_131 = arith.constant 0 : i32
      %dma_start3A_132 = tpu.memref_slice %arg4[%add3A_82, %dma_start3A_131] : memref<262144x128xf32, #tpu.memory_space<hbm>> -> memref<512x128xf32, #tpu.memory_space<hbm>>
      tpu.enqueue_dma source(%arg6 : memref<512x128xf32, #tpu.memory_space<vmem>>) target(%dma_start3A_132 : memref<512x128xf32, #tpu.memory_space<hbm>>) target_semaphore(%run_scoped3A : memref<!tpu.dma_semaphore, #tpu.memory_space<semaphore_mem>>)
      %dma_wait3A_133 = arith.constant 0 : i32
      %dma_wait3A_134 = tpu.memref_slice %arg4[%add3A_82, %dma_wait3A_133] : memref<262144x128xf32, #tpu.memory_space<hbm>> -> memref<512x128xf32, #tpu.memory_space<hbm>>
      %dma_wait3A_135 = arith.constant 0 : i32
      %dma_wait3A_136 = tpu.memref_slice %arg4[%add3A_82, %dma_wait3A_135] : memref<262144x128xf32, #tpu.memory_space<hbm>> -> memref<512x128xf32, #tpu.memory_space<hbm>>
      tpu.wait_dma2 semaphore(%run_scoped3A : memref<!tpu.dma_semaphore, #tpu.memory_space<semaphore_mem>>) src(%arg6 : memref<512x128xf32, #tpu.memory_space<vmem>>) dst(%dma_wait3A_136 : memref<512x128xf32, #tpu.memory_space<hbm>>)
      tpu.yield
    }) : () -> ()
    %add3A_89 = arith.constant 5632 : i32
    %add3A_90 = arith.addi %mul3A_2, %add3A_89 : i32
    "tpu.region"() ({
      %run_scoped3A = tpu.sem_alloc : memref<!tpu.dma_semaphore, #tpu.memory_space<semaphore_mem>>
      %dma_start3A_129 = tpu.memref_slice %arg3[%add3A_90] : memref<262144xi32, #tpu.memory_space<hbm>> -> memref<512xi32, #tpu.memory_space<hbm>>
      %dma_start3A_130 = tpu.memref_slice %arg3[%add3A_90] : memref<262144xi32, #tpu.memory_space<hbm>> -> memref<512xi32, #tpu.memory_space<hbm>>
      tpu.enqueue_dma source(%dma_start3A_130 : memref<512xi32, #tpu.memory_space<hbm>>) target(%arg5 : memref<512xi32, #tpu.memory_space<vmem>>) target_semaphore(%run_scoped3A : memref<!tpu.dma_semaphore, #tpu.memory_space<semaphore_mem>>)
      %dma_wait3A_131 = tpu.memref_slice %arg3[%add3A_90] : memref<262144xi32, #tpu.memory_space<hbm>> -> memref<512xi32, #tpu.memory_space<hbm>>
      %dma_wait3A_132 = tpu.memref_slice %arg3[%add3A_90] : memref<262144xi32, #tpu.memory_space<hbm>> -> memref<512xi32, #tpu.memory_space<hbm>>
      tpu.wait_dma2 semaphore(%run_scoped3A : memref<!tpu.dma_semaphore, #tpu.memory_space<semaphore_mem>>) src(%dma_wait3A_132 : memref<512xi32, #tpu.memory_space<hbm>>) dst(%arg5 : memref<512xi32, #tpu.memory_space<vmem>>)
      tpu.yield
    }) : () -> ()
    %dma_start3A_91 = arith.constant 0 : i32
    %dma_start3A_92 = arith.constant 0 : i32
    %dma_start3A_93 = tpu.memref_slice %arg2[%dma_start3A_91, %dma_start3A_92] : memref<262144x128xf32, #tpu.memory_space<hbm>> -> memref<262144x128xf32, #tpu.memory_space<hbm>>
    tpu.enqueue_indirect_dma source(%dma_start3A_93 : memref<262144x128xf32, #tpu.memory_space<hbm>>) target(%arg6 : memref<512x128xf32, #tpu.memory_space<vmem>>) offsets(%arg5 : memref<512xi32, #tpu.memory_space<vmem>>) semaphore(%arg7 : memref<!tpu.dma_semaphore, #tpu.memory_space<semaphore_mem>>)
    %dma_wait3A_94 = arith.constant 0 : i32
    %dma_wait3A_95 = arith.constant 0 : i32
    %dma_wait3A_96 = tpu.memref_slice %arg2[%dma_wait3A_94, %dma_wait3A_95] : memref<262144x128xf32, #tpu.memory_space<hbm>> -> memref<262144x128xf32, #tpu.memory_space<hbm>>
    tpu.wait_indirect_dma semaphore(%arg7 : memref<!tpu.dma_semaphore, #tpu.memory_space<semaphore_mem>>) src(%dma_wait3A_96 : memref<262144x128xf32, #tpu.memory_space<hbm>>) dst(%arg6 : memref<512x128xf32, #tpu.memory_space<vmem>>)
    "tpu.region"() ({
      %run_scoped3A = tpu.sem_alloc : memref<!tpu.dma_semaphore, #tpu.memory_space<semaphore_mem>>
      %dma_start3A_129 = arith.constant 0 : i32
      %dma_start3A_130 = tpu.memref_slice %arg4[%add3A_90, %dma_start3A_129] : memref<262144x128xf32, #tpu.memory_space<hbm>> -> memref<512x128xf32, #tpu.memory_space<hbm>>
      %dma_start3A_131 = arith.constant 0 : i32
      %dma_start3A_132 = tpu.memref_slice %arg4[%add3A_90, %dma_start3A_131] : memref<262144x128xf32, #tpu.memory_space<hbm>> -> memref<512x128xf32, #tpu.memory_space<hbm>>
      tpu.enqueue_dma source(%arg6 : memref<512x128xf32, #tpu.memory_space<vmem>>) target(%dma_start3A_132 : memref<512x128xf32, #tpu.memory_space<hbm>>) target_semaphore(%run_scoped3A : memref<!tpu.dma_semaphore, #tpu.memory_space<semaphore_mem>>)
      %dma_wait3A_133 = arith.constant 0 : i32
      %dma_wait3A_134 = tpu.memref_slice %arg4[%add3A_90, %dma_wait3A_133] : memref<262144x128xf32, #tpu.memory_space<hbm>> -> memref<512x128xf32, #tpu.memory_space<hbm>>
      %dma_wait3A_135 = arith.constant 0 : i32
      %dma_wait3A_136 = tpu.memref_slice %arg4[%add3A_90, %dma_wait3A_135] : memref<262144x128xf32, #tpu.memory_space<hbm>> -> memref<512x128xf32, #tpu.memory_space<hbm>>
      tpu.wait_dma2 semaphore(%run_scoped3A : memref<!tpu.dma_semaphore, #tpu.memory_space<semaphore_mem>>) src(%arg6 : memref<512x128xf32, #tpu.memory_space<vmem>>) dst(%dma_wait3A_136 : memref<512x128xf32, #tpu.memory_space<hbm>>)
      tpu.yield
    }) : () -> ()
    %add3A_97 = arith.constant 6144 : i32
    %add3A_98 = arith.addi %mul3A_2, %add3A_97 : i32
    "tpu.region"() ({
      %run_scoped3A = tpu.sem_alloc : memref<!tpu.dma_semaphore, #tpu.memory_space<semaphore_mem>>
      %dma_start3A_129 = tpu.memref_slice %arg3[%add3A_98] : memref<262144xi32, #tpu.memory_space<hbm>> -> memref<512xi32, #tpu.memory_space<hbm>>
      %dma_start3A_130 = tpu.memref_slice %arg3[%add3A_98] : memref<262144xi32, #tpu.memory_space<hbm>> -> memref<512xi32, #tpu.memory_space<hbm>>
      tpu.enqueue_dma source(%dma_start3A_130 : memref<512xi32, #tpu.memory_space<hbm>>) target(%arg5 : memref<512xi32, #tpu.memory_space<vmem>>) target_semaphore(%run_scoped3A : memref<!tpu.dma_semaphore, #tpu.memory_space<semaphore_mem>>)
      %dma_wait3A_131 = tpu.memref_slice %arg3[%add3A_98] : memref<262144xi32, #tpu.memory_space<hbm>> -> memref<512xi32, #tpu.memory_space<hbm>>
      %dma_wait3A_132 = tpu.memref_slice %arg3[%add3A_98] : memref<262144xi32, #tpu.memory_space<hbm>> -> memref<512xi32, #tpu.memory_space<hbm>>
      tpu.wait_dma2 semaphore(%run_scoped3A : memref<!tpu.dma_semaphore, #tpu.memory_space<semaphore_mem>>) src(%dma_wait3A_132 : memref<512xi32, #tpu.memory_space<hbm>>) dst(%arg5 : memref<512xi32, #tpu.memory_space<vmem>>)
      tpu.yield
    }) : () -> ()
    %dma_start3A_99 = arith.constant 0 : i32
    %dma_start3A_100 = arith.constant 0 : i32
    %dma_start3A_101 = tpu.memref_slice %arg2[%dma_start3A_99, %dma_start3A_100] : memref<262144x128xf32, #tpu.memory_space<hbm>> -> memref<262144x128xf32, #tpu.memory_space<hbm>>
    tpu.enqueue_indirect_dma source(%dma_start3A_101 : memref<262144x128xf32, #tpu.memory_space<hbm>>) target(%arg6 : memref<512x128xf32, #tpu.memory_space<vmem>>) offsets(%arg5 : memref<512xi32, #tpu.memory_space<vmem>>) semaphore(%arg7 : memref<!tpu.dma_semaphore, #tpu.memory_space<semaphore_mem>>)
    %dma_wait3A_102 = arith.constant 0 : i32
    %dma_wait3A_103 = arith.constant 0 : i32
    %dma_wait3A_104 = tpu.memref_slice %arg2[%dma_wait3A_102, %dma_wait3A_103] : memref<262144x128xf32, #tpu.memory_space<hbm>> -> memref<262144x128xf32, #tpu.memory_space<hbm>>
    tpu.wait_indirect_dma semaphore(%arg7 : memref<!tpu.dma_semaphore, #tpu.memory_space<semaphore_mem>>) src(%dma_wait3A_104 : memref<262144x128xf32, #tpu.memory_space<hbm>>) dst(%arg6 : memref<512x128xf32, #tpu.memory_space<vmem>>)
    "tpu.region"() ({
      %run_scoped3A = tpu.sem_alloc : memref<!tpu.dma_semaphore, #tpu.memory_space<semaphore_mem>>
      %dma_start3A_129 = arith.constant 0 : i32
      %dma_start3A_130 = tpu.memref_slice %arg4[%add3A_98, %dma_start3A_129] : memref<262144x128xf32, #tpu.memory_space<hbm>> -> memref<512x128xf32, #tpu.memory_space<hbm>>
      %dma_start3A_131 = arith.constant 0 : i32
      %dma_start3A_132 = tpu.memref_slice %arg4[%add3A_98, %dma_start3A_131] : memref<262144x128xf32, #tpu.memory_space<hbm>> -> memref<512x128xf32, #tpu.memory_space<hbm>>
      tpu.enqueue_dma source(%arg6 : memref<512x128xf32, #tpu.memory_space<vmem>>) target(%dma_start3A_132 : memref<512x128xf32, #tpu.memory_space<hbm>>) target_semaphore(%run_scoped3A : memref<!tpu.dma_semaphore, #tpu.memory_space<semaphore_mem>>)
      %dma_wait3A_133 = arith.constant 0 : i32
      %dma_wait3A_134 = tpu.memref_slice %arg4[%add3A_98, %dma_wait3A_133] : memref<262144x128xf32, #tpu.memory_space<hbm>> -> memref<512x128xf32, #tpu.memory_space<hbm>>
      %dma_wait3A_135 = arith.constant 0 : i32
      %dma_wait3A_136 = tpu.memref_slice %arg4[%add3A_98, %dma_wait3A_135] : memref<262144x128xf32, #tpu.memory_space<hbm>> -> memref<512x128xf32, #tpu.memory_space<hbm>>
      tpu.wait_dma2 semaphore(%run_scoped3A : memref<!tpu.dma_semaphore, #tpu.memory_space<semaphore_mem>>) src(%arg6 : memref<512x128xf32, #tpu.memory_space<vmem>>) dst(%dma_wait3A_136 : memref<512x128xf32, #tpu.memory_space<hbm>>)
      tpu.yield
    }) : () -> ()
    %add3A_105 = arith.constant 6656 : i32
    %add3A_106 = arith.addi %mul3A_2, %add3A_105 : i32
    "tpu.region"() ({
      %run_scoped3A = tpu.sem_alloc : memref<!tpu.dma_semaphore, #tpu.memory_space<semaphore_mem>>
      %dma_start3A_129 = tpu.memref_slice %arg3[%add3A_106] : memref<262144xi32, #tpu.memory_space<hbm>> -> memref<512xi32, #tpu.memory_space<hbm>>
      %dma_start3A_130 = tpu.memref_slice %arg3[%add3A_106] : memref<262144xi32, #tpu.memory_space<hbm>> -> memref<512xi32, #tpu.memory_space<hbm>>
      tpu.enqueue_dma source(%dma_start3A_130 : memref<512xi32, #tpu.memory_space<hbm>>) target(%arg5 : memref<512xi32, #tpu.memory_space<vmem>>) target_semaphore(%run_scoped3A : memref<!tpu.dma_semaphore, #tpu.memory_space<semaphore_mem>>)
      %dma_wait3A_131 = tpu.memref_slice %arg3[%add3A_106] : memref<262144xi32, #tpu.memory_space<hbm>> -> memref<512xi32, #tpu.memory_space<hbm>>
      %dma_wait3A_132 = tpu.memref_slice %arg3[%add3A_106] : memref<262144xi32, #tpu.memory_space<hbm>> -> memref<512xi32, #tpu.memory_space<hbm>>
      tpu.wait_dma2 semaphore(%run_scoped3A : memref<!tpu.dma_semaphore, #tpu.memory_space<semaphore_mem>>) src(%dma_wait3A_132 : memref<512xi32, #tpu.memory_space<hbm>>) dst(%arg5 : memref<512xi32, #tpu.memory_space<vmem>>)
      tpu.yield
    }) : () -> ()
    %dma_start3A_107 = arith.constant 0 : i32
    %dma_start3A_108 = arith.constant 0 : i32
    %dma_start3A_109 = tpu.memref_slice %arg2[%dma_start3A_107, %dma_start3A_108] : memref<262144x128xf32, #tpu.memory_space<hbm>> -> memref<262144x128xf32, #tpu.memory_space<hbm>>
    tpu.enqueue_indirect_dma source(%dma_start3A_109 : memref<262144x128xf32, #tpu.memory_space<hbm>>) target(%arg6 : memref<512x128xf32, #tpu.memory_space<vmem>>) offsets(%arg5 : memref<512xi32, #tpu.memory_space<vmem>>) semaphore(%arg7 : memref<!tpu.dma_semaphore, #tpu.memory_space<semaphore_mem>>)
    %dma_wait3A_110 = arith.constant 0 : i32
    %dma_wait3A_111 = arith.constant 0 : i32
    %dma_wait3A_112 = tpu.memref_slice %arg2[%dma_wait3A_110, %dma_wait3A_111] : memref<262144x128xf32, #tpu.memory_space<hbm>> -> memref<262144x128xf32, #tpu.memory_space<hbm>>
    tpu.wait_indirect_dma semaphore(%arg7 : memref<!tpu.dma_semaphore, #tpu.memory_space<semaphore_mem>>) src(%dma_wait3A_112 : memref<262144x128xf32, #tpu.memory_space<hbm>>) dst(%arg6 : memref<512x128xf32, #tpu.memory_space<vmem>>)
    "tpu.region"() ({
      %run_scoped3A = tpu.sem_alloc : memref<!tpu.dma_semaphore, #tpu.memory_space<semaphore_mem>>
      %dma_start3A_129 = arith.constant 0 : i32
      %dma_start3A_130 = tpu.memref_slice %arg4[%add3A_106, %dma_start3A_129] : memref<262144x128xf32, #tpu.memory_space<hbm>> -> memref<512x128xf32, #tpu.memory_space<hbm>>
      %dma_start3A_131 = arith.constant 0 : i32
      %dma_start3A_132 = tpu.memref_slice %arg4[%add3A_106, %dma_start3A_131] : memref<262144x128xf32, #tpu.memory_space<hbm>> -> memref<512x128xf32, #tpu.memory_space<hbm>>
      tpu.enqueue_dma source(%arg6 : memref<512x128xf32, #tpu.memory_space<vmem>>) target(%dma_start3A_132 : memref<512x128xf32, #tpu.memory_space<hbm>>) target_semaphore(%run_scoped3A : memref<!tpu.dma_semaphore, #tpu.memory_space<semaphore_mem>>)
      %dma_wait3A_133 = arith.constant 0 : i32
      %dma_wait3A_134 = tpu.memref_slice %arg4[%add3A_106, %dma_wait3A_133] : memref<262144x128xf32, #tpu.memory_space<hbm>> -> memref<512x128xf32, #tpu.memory_space<hbm>>
      %dma_wait3A_135 = arith.constant 0 : i32
      %dma_wait3A_136 = tpu.memref_slice %arg4[%add3A_106, %dma_wait3A_135] : memref<262144x128xf32, #tpu.memory_space<hbm>> -> memref<512x128xf32, #tpu.memory_space<hbm>>
      tpu.wait_dma2 semaphore(%run_scoped3A : memref<!tpu.dma_semaphore, #tpu.memory_space<semaphore_mem>>) src(%arg6 : memref<512x128xf32, #tpu.memory_space<vmem>>) dst(%dma_wait3A_136 : memref<512x128xf32, #tpu.memory_space<hbm>>)
      tpu.yield
    }) : () -> ()
    %add3A_113 = arith.constant 7168 : i32
    %add3A_114 = arith.addi %mul3A_2, %add3A_113 : i32
    "tpu.region"() ({
      %run_scoped3A = tpu.sem_alloc : memref<!tpu.dma_semaphore, #tpu.memory_space<semaphore_mem>>
      %dma_start3A_129 = tpu.memref_slice %arg3[%add3A_114] : memref<262144xi32, #tpu.memory_space<hbm>> -> memref<512xi32, #tpu.memory_space<hbm>>
      %dma_start3A_130 = tpu.memref_slice %arg3[%add3A_114] : memref<262144xi32, #tpu.memory_space<hbm>> -> memref<512xi32, #tpu.memory_space<hbm>>
      tpu.enqueue_dma source(%dma_start3A_130 : memref<512xi32, #tpu.memory_space<hbm>>) target(%arg5 : memref<512xi32, #tpu.memory_space<vmem>>) target_semaphore(%run_scoped3A : memref<!tpu.dma_semaphore, #tpu.memory_space<semaphore_mem>>)
      %dma_wait3A_131 = tpu.memref_slice %arg3[%add3A_114] : memref<262144xi32, #tpu.memory_space<hbm>> -> memref<512xi32, #tpu.memory_space<hbm>>
      %dma_wait3A_132 = tpu.memref_slice %arg3[%add3A_114] : memref<262144xi32, #tpu.memory_space<hbm>> -> memref<512xi32, #tpu.memory_space<hbm>>
      tpu.wait_dma2 semaphore(%run_scoped3A : memref<!tpu.dma_semaphore, #tpu.memory_space<semaphore_mem>>) src(%dma_wait3A_132 : memref<512xi32, #tpu.memory_space<hbm>>) dst(%arg5 : memref<512xi32, #tpu.memory_space<vmem>>)
      tpu.yield
    }) : () -> ()
    %dma_start3A_115 = arith.constant 0 : i32
    %dma_start3A_116 = arith.constant 0 : i32
    %dma_start3A_117 = tpu.memref_slice %arg2[%dma_start3A_115, %dma_start3A_116] : memref<262144x128xf32, #tpu.memory_space<hbm>> -> memref<262144x128xf32, #tpu.memory_space<hbm>>
    tpu.enqueue_indirect_dma source(%dma_start3A_117 : memref<262144x128xf32, #tpu.memory_space<hbm>>) target(%arg6 : memref<512x128xf32, #tpu.memory_space<vmem>>) offsets(%arg5 : memref<512xi32, #tpu.memory_space<vmem>>) semaphore(%arg7 : memref<!tpu.dma_semaphore, #tpu.memory_space<semaphore_mem>>)
    %dma_wait3A_118 = arith.constant 0 : i32
    %dma_wait3A_119 = arith.constant 0 : i32
    %dma_wait3A_120 = tpu.memref_slice %arg2[%dma_wait3A_118, %dma_wait3A_119] : memref<262144x128xf32, #tpu.memory_space<hbm>> -> memref<262144x128xf32, #tpu.memory_space<hbm>>
    tpu.wait_indirect_dma semaphore(%arg7 : memref<!tpu.dma_semaphore, #tpu.memory_space<semaphore_mem>>) src(%dma_wait3A_120 : memref<262144x128xf32, #tpu.memory_space<hbm>>) dst(%arg6 : memref<512x128xf32, #tpu.memory_space<vmem>>)
    "tpu.region"() ({
      %run_scoped3A = tpu.sem_alloc : memref<!tpu.dma_semaphore, #tpu.memory_space<semaphore_mem>>
      %dma_start3A_129 = arith.constant 0 : i32
      %dma_start3A_130 = tpu.memref_slice %arg4[%add3A_114, %dma_start3A_129] : memref<262144x128xf32, #tpu.memory_space<hbm>> -> memref<512x128xf32, #tpu.memory_space<hbm>>
      %dma_start3A_131 = arith.constant 0 : i32
      %dma_start3A_132 = tpu.memref_slice %arg4[%add3A_114, %dma_start3A_131] : memref<262144x128xf32, #tpu.memory_space<hbm>> -> memref<512x128xf32, #tpu.memory_space<hbm>>
      tpu.enqueue_dma source(%arg6 : memref<512x128xf32, #tpu.memory_space<vmem>>) target(%dma_start3A_132 : memref<512x128xf32, #tpu.memory_space<hbm>>) target_semaphore(%run_scoped3A : memref<!tpu.dma_semaphore, #tpu.memory_space<semaphore_mem>>)
      %dma_wait3A_133 = arith.constant 0 : i32
      %dma_wait3A_134 = tpu.memref_slice %arg4[%add3A_114, %dma_wait3A_133] : memref<262144x128xf32, #tpu.memory_space<hbm>> -> memref<512x128xf32, #tpu.memory_space<hbm>>
      %dma_wait3A_135 = arith.constant 0 : i32
      %dma_wait3A_136 = tpu.memref_slice %arg4[%add3A_114, %dma_wait3A_135] : memref<262144x128xf32, #tpu.memory_space<hbm>> -> memref<512x128xf32, #tpu.memory_space<hbm>>
      tpu.wait_dma2 semaphore(%run_scoped3A : memref<!tpu.dma_semaphore, #tpu.memory_space<semaphore_mem>>) src(%arg6 : memref<512x128xf32, #tpu.memory_space<vmem>>) dst(%dma_wait3A_136 : memref<512x128xf32, #tpu.memory_space<hbm>>)
      tpu.yield
    }) : () -> ()
    %add3A_121 = arith.constant 7680 : i32
    %add3A_122 = arith.addi %mul3A_2, %add3A_121 : i32
    "tpu.region"() ({
      %run_scoped3A = tpu.sem_alloc : memref<!tpu.dma_semaphore, #tpu.memory_space<semaphore_mem>>
      %dma_start3A_129 = tpu.memref_slice %arg3[%add3A_122] : memref<262144xi32, #tpu.memory_space<hbm>> -> memref<512xi32, #tpu.memory_space<hbm>>
      %dma_start3A_130 = tpu.memref_slice %arg3[%add3A_122] : memref<262144xi32, #tpu.memory_space<hbm>> -> memref<512xi32, #tpu.memory_space<hbm>>
      tpu.enqueue_dma source(%dma_start3A_130 : memref<512xi32, #tpu.memory_space<hbm>>) target(%arg5 : memref<512xi32, #tpu.memory_space<vmem>>) target_semaphore(%run_scoped3A : memref<!tpu.dma_semaphore, #tpu.memory_space<semaphore_mem>>)
      %dma_wait3A_131 = tpu.memref_slice %arg3[%add3A_122] : memref<262144xi32, #tpu.memory_space<hbm>> -> memref<512xi32, #tpu.memory_space<hbm>>
      %dma_wait3A_132 = tpu.memref_slice %arg3[%add3A_122] : memref<262144xi32, #tpu.memory_space<hbm>> -> memref<512xi32, #tpu.memory_space<hbm>>
      tpu.wait_dma2 semaphore(%run_scoped3A : memref<!tpu.dma_semaphore, #tpu.memory_space<semaphore_mem>>) src(%dma_wait3A_132 : memref<512xi32, #tpu.memory_space<hbm>>) dst(%arg5 : memref<512xi32, #tpu.memory_space<vmem>>)
      tpu.yield
    }) : () -> ()
    %dma_start3A_123 = arith.constant 0 : i32
    %dma_start3A_124 = arith.constant 0 : i32
    %dma_start3A_125 = tpu.memref_slice %arg2[%dma_start3A_123, %dma_start3A_124] : memref<262144x128xf32, #tpu.memory_space<hbm>> -> memref<262144x128xf32, #tpu.memory_space<hbm>>
    tpu.enqueue_indirect_dma source(%dma_start3A_125 : memref<262144x128xf32, #tpu.memory_space<hbm>>) target(%arg6 : memref<512x128xf32, #tpu.memory_space<vmem>>) offsets(%arg5 : memref<512xi32, #tpu.memory_space<vmem>>) semaphore(%arg7 : memref<!tpu.dma_semaphore, #tpu.memory_space<semaphore_mem>>)
    %dma_wait3A_126 = arith.constant 0 : i32
    %dma_wait3A_127 = arith.constant 0 : i32
    %dma_wait3A_128 = tpu.memref_slice %arg2[%dma_wait3A_126, %dma_wait3A_127] : memref<262144x128xf32, #tpu.memory_space<hbm>> -> memref<262144x128xf32, #tpu.memory_space<hbm>>
    tpu.wait_indirect_dma semaphore(%arg7 : memref<!tpu.dma_semaphore, #tpu.memory_space<semaphore_mem>>) src(%dma_wait3A_128 : memref<262144x128xf32, #tpu.memory_space<hbm>>) dst(%arg6 : memref<512x128xf32, #tpu.memory_space<vmem>>)
    "tpu.region"() ({
      %run_scoped3A = tpu.sem_alloc : memref<!tpu.dma_semaphore, #tpu.memory_space<semaphore_mem>>
      %dma_start3A_129 = arith.constant 0 : i32
      %dma_start3A_130 = tpu.memref_slice %arg4[%add3A_122, %dma_start3A_129] : memref<262144x128xf32, #tpu.memory_space<hbm>> -> memref<512x128xf32, #tpu.memory_space<hbm>>
      %dma_start3A_131 = arith.constant 0 : i32
      %dma_start3A_132 = tpu.memref_slice %arg4[%add3A_122, %dma_start3A_131] : memref<262144x128xf32, #tpu.memory_space<hbm>> -> memref<512x128xf32, #tpu.memory_space<hbm>>
      tpu.enqueue_dma source(%arg6 : memref<512x128xf32, #tpu.memory_space<vmem>>) target(%dma_start3A_132 : memref<512x128xf32, #tpu.memory_space<hbm>>) target_semaphore(%run_scoped3A : memref<!tpu.dma_semaphore, #tpu.memory_space<semaphore_mem>>)
      %dma_wait3A_133 = arith.constant 0 : i32
      %dma_wait3A_134 = tpu.memref_slice %arg4[%add3A_122, %dma_wait3A_133] : memref<262144x128xf32, #tpu.memory_space<hbm>> -> memref<512x128xf32, #tpu.memory_space<hbm>>
      %dma_wait3A_135 = arith.constant 0 : i32
      %dma_wait3A_136 = tpu.memref_slice %arg4[%add3A_122, %dma_wait3A_135] : memref<262144x128xf32, #tpu.memory_space<hbm>> -> memref<512x128xf32, #tpu.memory_space<hbm>>
      tpu.wait_dma2 semaphore(%run_scoped3A : memref<!tpu.dma_semaphore, #tpu.memory_space<semaphore_mem>>) src(%arg6 : memref<512x128xf32, #tpu.memory_space<vmem>>) dst(%dma_wait3A_136 : memref<512x128xf32, #tpu.memory_space<hbm>>)
      tpu.yield
    }) : () -> ()
    return
  }
}

#map = affine_map<(d0, d1) -> (0, 0)>
#map1 = affine_map<(d0, d1) -> (0)>
module attributes {stable_mosaic.version = 14 : i64} {
  func.func @k(%arg0: i32, %arg1: i32, %arg2: memref<65536x128xf32, #tpu.memory_space<hbm>>, %arg3: memref<262144xi32, #tpu.memory_space<hbm>>, %arg4: memref<262144x128xf32, #tpu.memory_space<hbm>>, %arg5: memref<512xi32, #tpu.memory_space<vmem>>, %arg6: memref<512x128xf32, #tpu.memory_space<vmem>>, %arg7: memref<!tpu.dma_semaphore, #tpu.memory_space<semaphore_mem>>) attributes {dimension_semantics = [#tpu.dimension_semantics<core_parallel>, #tpu.dimension_semantics<subcore_parallel>], iteration_bounds = array<i64: 2, 16>, scalar_prefetch = 0 : i64, scratch_operands = 3 : i64, tpu.core_type = #tpu.core_type<sc_vector_subcore>, window_params = [{transform_indices = #map}, {transform_indices = #map1}, {transform_indices = #map}]} {
    %mul3A = arith.constant 2 : i32
    %mul3A_0 = arith.muli %arg1, %mul3A : i32
    %add3A = arith.addi %mul3A_0, %arg0 : i32
    %mul3A_1 = arith.constant 8192 : i32
    %mul3A_2 = arith.muli %add3A, %mul3A_1 : i32
    %add3A_3 = arith.constant 0 : i32
    %add3A_4 = arith.addi %mul3A_2, %add3A_3 : i32
    "tpu.region"() ({
      %run_scoped3A = tpu.sem_alloc : memref<!tpu.dma_semaphore, #tpu.memory_space<semaphore_mem>>
      %dma_start3A_129 = tpu.memref_slice %arg3[%add3A_4] : memref<262144xi32, #tpu.memory_space<hbm>> -> memref<512xi32, #tpu.memory_space<hbm>>
      %dma_start3A_130 = tpu.memref_slice %arg3[%add3A_4] : memref<262144xi32, #tpu.memory_space<hbm>> -> memref<512xi32, #tpu.memory_space<hbm>>
      tpu.enqueue_dma source(%dma_start3A_130 : memref<512xi32, #tpu.memory_space<hbm>>) target(%arg5 : memref<512xi32, #tpu.memory_space<vmem>>) target_semaphore(%run_scoped3A : memref<!tpu.dma_semaphore, #tpu.memory_space<semaphore_mem>>)
      %dma_wait3A_131 = tpu.memref_slice %arg3[%add3A_4] : memref<262144xi32, #tpu.memory_space<hbm>> -> memref<512xi32, #tpu.memory_space<hbm>>
      %dma_wait3A_132 = tpu.memref_slice %arg3[%add3A_4] : memref<262144xi32, #tpu.memory_space<hbm>> -> memref<512xi32, #tpu.memory_space<hbm>>
      tpu.wait_dma2 semaphore(%run_scoped3A : memref<!tpu.dma_semaphore, #tpu.memory_space<semaphore_mem>>) src(%dma_wait3A_132 : memref<512xi32, #tpu.memory_space<hbm>>) dst(%arg5 : memref<512xi32, #tpu.memory_space<vmem>>)
      tpu.yield
    }) : () -> ()
    %dma_start3A = arith.constant 0 : i32
    %dma_start3A_5 = arith.constant 0 : i32
    %dma_start3A_6 = tpu.memref_slice %arg2[%dma_start3A, %dma_start3A_5] : memref<65536x128xf32, #tpu.memory_space<hbm>> -> memref<65536x128xf32, #tpu.memory_space<hbm>>
    tpu.enqueue_indirect_dma source(%dma_start3A_6 : memref<65536x128xf32, #tpu.memory_space<hbm>>) target(%arg6 : memref<512x128xf32, #tpu.memory_space<vmem>>) offsets(%arg5 : memref<512xi32, #tpu.memory_space<vmem>>) semaphore(%arg7 : memref<!tpu.dma_semaphore, #tpu.memory_space<semaphore_mem>>)
    %dma_wait3A = arith.constant 0 : i32
    %dma_wait3A_7 = arith.constant 0 : i32
    %dma_wait3A_8 = tpu.memref_slice %arg2[%dma_wait3A, %dma_wait3A_7] : memref<65536x128xf32, #tpu.memory_space<hbm>> -> memref<65536x128xf32, #tpu.memory_space<hbm>>
    tpu.wait_indirect_dma semaphore(%arg7 : memref<!tpu.dma_semaphore, #tpu.memory_space<semaphore_mem>>) src(%dma_wait3A_8 : memref<65536x128xf32, #tpu.memory_space<hbm>>) dst(%arg6 : memref<512x128xf32, #tpu.memory_space<vmem>>)
    "tpu.region"() ({
      %run_scoped3A = tpu.sem_alloc : memref<!tpu.dma_semaphore, #tpu.memory_space<semaphore_mem>>
      %dma_start3A_129 = arith.constant 0 : i32
      %dma_start3A_130 = tpu.memref_slice %arg4[%add3A_4, %dma_start3A_129] : memref<262144x128xf32, #tpu.memory_space<hbm>> -> memref<512x128xf32, #tpu.memory_space<hbm>>
      %dma_start3A_131 = arith.constant 0 : i32
      %dma_start3A_132 = tpu.memref_slice %arg4[%add3A_4, %dma_start3A_131] : memref<262144x128xf32, #tpu.memory_space<hbm>> -> memref<512x128xf32, #tpu.memory_space<hbm>>
      tpu.enqueue_dma source(%arg6 : memref<512x128xf32, #tpu.memory_space<vmem>>) target(%dma_start3A_132 : memref<512x128xf32, #tpu.memory_space<hbm>>) target_semaphore(%run_scoped3A : memref<!tpu.dma_semaphore, #tpu.memory_space<semaphore_mem>>)
      %dma_wait3A_133 = arith.constant 0 : i32
      %dma_wait3A_134 = tpu.memref_slice %arg4[%add3A_4, %dma_wait3A_133] : memref<262144x128xf32, #tpu.memory_space<hbm>> -> memref<512x128xf32, #tpu.memory_space<hbm>>
      %dma_wait3A_135 = arith.constant 0 : i32
      %dma_wait3A_136 = tpu.memref_slice %arg4[%add3A_4, %dma_wait3A_135] : memref<262144x128xf32, #tpu.memory_space<hbm>> -> memref<512x128xf32, #tpu.memory_space<hbm>>
      tpu.wait_dma2 semaphore(%run_scoped3A : memref<!tpu.dma_semaphore, #tpu.memory_space<semaphore_mem>>) src(%arg6 : memref<512x128xf32, #tpu.memory_space<vmem>>) dst(%dma_wait3A_136 : memref<512x128xf32, #tpu.memory_space<hbm>>)
      tpu.yield
    }) : () -> ()
    %add3A_9 = arith.constant 512 : i32
    %add3A_10 = arith.addi %mul3A_2, %add3A_9 : i32
    "tpu.region"() ({
      %run_scoped3A = tpu.sem_alloc : memref<!tpu.dma_semaphore, #tpu.memory_space<semaphore_mem>>
      %dma_start3A_129 = tpu.memref_slice %arg3[%add3A_10] : memref<262144xi32, #tpu.memory_space<hbm>> -> memref<512xi32, #tpu.memory_space<hbm>>
      %dma_start3A_130 = tpu.memref_slice %arg3[%add3A_10] : memref<262144xi32, #tpu.memory_space<hbm>> -> memref<512xi32, #tpu.memory_space<hbm>>
      tpu.enqueue_dma source(%dma_start3A_130 : memref<512xi32, #tpu.memory_space<hbm>>) target(%arg5 : memref<512xi32, #tpu.memory_space<vmem>>) target_semaphore(%run_scoped3A : memref<!tpu.dma_semaphore, #tpu.memory_space<semaphore_mem>>)
      %dma_wait3A_131 = tpu.memref_slice %arg3[%add3A_10] : memref<262144xi32, #tpu.memory_space<hbm>> -> memref<512xi32, #tpu.memory_space<hbm>>
      %dma_wait3A_132 = tpu.memref_slice %arg3[%add3A_10] : memref<262144xi32, #tpu.memory_space<hbm>> -> memref<512xi32, #tpu.memory_space<hbm>>
      tpu.wait_dma2 semaphore(%run_scoped3A : memref<!tpu.dma_semaphore, #tpu.memory_space<semaphore_mem>>) src(%dma_wait3A_132 : memref<512xi32, #tpu.memory_space<hbm>>) dst(%arg5 : memref<512xi32, #tpu.memory_space<vmem>>)
      tpu.yield
    }) : () -> ()
    %dma_start3A_11 = arith.constant 0 : i32
    %dma_start3A_12 = arith.constant 0 : i32
    %dma_start3A_13 = tpu.memref_slice %arg2[%dma_start3A_11, %dma_start3A_12] : memref<65536x128xf32, #tpu.memory_space<hbm>> -> memref<65536x128xf32, #tpu.memory_space<hbm>>
    tpu.enqueue_indirect_dma source(%dma_start3A_13 : memref<65536x128xf32, #tpu.memory_space<hbm>>) target(%arg6 : memref<512x128xf32, #tpu.memory_space<vmem>>) offsets(%arg5 : memref<512xi32, #tpu.memory_space<vmem>>) semaphore(%arg7 : memref<!tpu.dma_semaphore, #tpu.memory_space<semaphore_mem>>)
    %dma_wait3A_14 = arith.constant 0 : i32
    %dma_wait3A_15 = arith.constant 0 : i32
    %dma_wait3A_16 = tpu.memref_slice %arg2[%dma_wait3A_14, %dma_wait3A_15] : memref<65536x128xf32, #tpu.memory_space<hbm>> -> memref<65536x128xf32, #tpu.memory_space<hbm>>
    tpu.wait_indirect_dma semaphore(%arg7 : memref<!tpu.dma_semaphore, #tpu.memory_space<semaphore_mem>>) src(%dma_wait3A_16 : memref<65536x128xf32, #tpu.memory_space<hbm>>) dst(%arg6 : memref<512x128xf32, #tpu.memory_space<vmem>>)
    "tpu.region"() ({
      %run_scoped3A = tpu.sem_alloc : memref<!tpu.dma_semaphore, #tpu.memory_space<semaphore_mem>>
      %dma_start3A_129 = arith.constant 0 : i32
      %dma_start3A_130 = tpu.memref_slice %arg4[%add3A_10, %dma_start3A_129] : memref<262144x128xf32, #tpu.memory_space<hbm>> -> memref<512x128xf32, #tpu.memory_space<hbm>>
      %dma_start3A_131 = arith.constant 0 : i32
      %dma_start3A_132 = tpu.memref_slice %arg4[%add3A_10, %dma_start3A_131] : memref<262144x128xf32, #tpu.memory_space<hbm>> -> memref<512x128xf32, #tpu.memory_space<hbm>>
      tpu.enqueue_dma source(%arg6 : memref<512x128xf32, #tpu.memory_space<vmem>>) target(%dma_start3A_132 : memref<512x128xf32, #tpu.memory_space<hbm>>) target_semaphore(%run_scoped3A : memref<!tpu.dma_semaphore, #tpu.memory_space<semaphore_mem>>)
      %dma_wait3A_133 = arith.constant 0 : i32
      %dma_wait3A_134 = tpu.memref_slice %arg4[%add3A_10, %dma_wait3A_133] : memref<262144x128xf32, #tpu.memory_space<hbm>> -> memref<512x128xf32, #tpu.memory_space<hbm>>
      %dma_wait3A_135 = arith.constant 0 : i32
      %dma_wait3A_136 = tpu.memref_slice %arg4[%add3A_10, %dma_wait3A_135] : memref<262144x128xf32, #tpu.memory_space<hbm>> -> memref<512x128xf32, #tpu.memory_space<hbm>>
      tpu.wait_dma2 semaphore(%run_scoped3A : memref<!tpu.dma_semaphore, #tpu.memory_space<semaphore_mem>>) src(%arg6 : memref<512x128xf32, #tpu.memory_space<vmem>>) dst(%dma_wait3A_136 : memref<512x128xf32, #tpu.memory_space<hbm>>)
      tpu.yield
    }) : () -> ()
    %add3A_17 = arith.constant 1024 : i32
    %add3A_18 = arith.addi %mul3A_2, %add3A_17 : i32
    "tpu.region"() ({
      %run_scoped3A = tpu.sem_alloc : memref<!tpu.dma_semaphore, #tpu.memory_space<semaphore_mem>>
      %dma_start3A_129 = tpu.memref_slice %arg3[%add3A_18] : memref<262144xi32, #tpu.memory_space<hbm>> -> memref<512xi32, #tpu.memory_space<hbm>>
      %dma_start3A_130 = tpu.memref_slice %arg3[%add3A_18] : memref<262144xi32, #tpu.memory_space<hbm>> -> memref<512xi32, #tpu.memory_space<hbm>>
      tpu.enqueue_dma source(%dma_start3A_130 : memref<512xi32, #tpu.memory_space<hbm>>) target(%arg5 : memref<512xi32, #tpu.memory_space<vmem>>) target_semaphore(%run_scoped3A : memref<!tpu.dma_semaphore, #tpu.memory_space<semaphore_mem>>)
      %dma_wait3A_131 = tpu.memref_slice %arg3[%add3A_18] : memref<262144xi32, #tpu.memory_space<hbm>> -> memref<512xi32, #tpu.memory_space<hbm>>
      %dma_wait3A_132 = tpu.memref_slice %arg3[%add3A_18] : memref<262144xi32, #tpu.memory_space<hbm>> -> memref<512xi32, #tpu.memory_space<hbm>>
      tpu.wait_dma2 semaphore(%run_scoped3A : memref<!tpu.dma_semaphore, #tpu.memory_space<semaphore_mem>>) src(%dma_wait3A_132 : memref<512xi32, #tpu.memory_space<hbm>>) dst(%arg5 : memref<512xi32, #tpu.memory_space<vmem>>)
      tpu.yield
    }) : () -> ()
    %dma_start3A_19 = arith.constant 0 : i32
    %dma_start3A_20 = arith.constant 0 : i32
    %dma_start3A_21 = tpu.memref_slice %arg2[%dma_start3A_19, %dma_start3A_20] : memref<65536x128xf32, #tpu.memory_space<hbm>> -> memref<65536x128xf32, #tpu.memory_space<hbm>>
    tpu.enqueue_indirect_dma source(%dma_start3A_21 : memref<65536x128xf32, #tpu.memory_space<hbm>>) target(%arg6 : memref<512x128xf32, #tpu.memory_space<vmem>>) offsets(%arg5 : memref<512xi32, #tpu.memory_space<vmem>>) semaphore(%arg7 : memref<!tpu.dma_semaphore, #tpu.memory_space<semaphore_mem>>)
    %dma_wait3A_22 = arith.constant 0 : i32
    %dma_wait3A_23 = arith.constant 0 : i32
    %dma_wait3A_24 = tpu.memref_slice %arg2[%dma_wait3A_22, %dma_wait3A_23] : memref<65536x128xf32, #tpu.memory_space<hbm>> -> memref<65536x128xf32, #tpu.memory_space<hbm>>
    tpu.wait_indirect_dma semaphore(%arg7 : memref<!tpu.dma_semaphore, #tpu.memory_space<semaphore_mem>>) src(%dma_wait3A_24 : memref<65536x128xf32, #tpu.memory_space<hbm>>) dst(%arg6 : memref<512x128xf32, #tpu.memory_space<vmem>>)
    "tpu.region"() ({
      %run_scoped3A = tpu.sem_alloc : memref<!tpu.dma_semaphore, #tpu.memory_space<semaphore_mem>>
      %dma_start3A_129 = arith.constant 0 : i32
      %dma_start3A_130 = tpu.memref_slice %arg4[%add3A_18, %dma_start3A_129] : memref<262144x128xf32, #tpu.memory_space<hbm>> -> memref<512x128xf32, #tpu.memory_space<hbm>>
      %dma_start3A_131 = arith.constant 0 : i32
      %dma_start3A_132 = tpu.memref_slice %arg4[%add3A_18, %dma_start3A_131] : memref<262144x128xf32, #tpu.memory_space<hbm>> -> memref<512x128xf32, #tpu.memory_space<hbm>>
      tpu.enqueue_dma source(%arg6 : memref<512x128xf32, #tpu.memory_space<vmem>>) target(%dma_start3A_132 : memref<512x128xf32, #tpu.memory_space<hbm>>) target_semaphore(%run_scoped3A : memref<!tpu.dma_semaphore, #tpu.memory_space<semaphore_mem>>)
      %dma_wait3A_133 = arith.constant 0 : i32
      %dma_wait3A_134 = tpu.memref_slice %arg4[%add3A_18, %dma_wait3A_133] : memref<262144x128xf32, #tpu.memory_space<hbm>> -> memref<512x128xf32, #tpu.memory_space<hbm>>
      %dma_wait3A_135 = arith.constant 0 : i32
      %dma_wait3A_136 = tpu.memref_slice %arg4[%add3A_18, %dma_wait3A_135] : memref<262144x128xf32, #tpu.memory_space<hbm>> -> memref<512x128xf32, #tpu.memory_space<hbm>>
      tpu.wait_dma2 semaphore(%run_scoped3A : memref<!tpu.dma_semaphore, #tpu.memory_space<semaphore_mem>>) src(%arg6 : memref<512x128xf32, #tpu.memory_space<vmem>>) dst(%dma_wait3A_136 : memref<512x128xf32, #tpu.memory_space<hbm>>)
      tpu.yield
    }) : () -> ()
    %add3A_25 = arith.constant 1536 : i32
    %add3A_26 = arith.addi %mul3A_2, %add3A_25 : i32
    "tpu.region"() ({
      %run_scoped3A = tpu.sem_alloc : memref<!tpu.dma_semaphore, #tpu.memory_space<semaphore_mem>>
      %dma_start3A_129 = tpu.memref_slice %arg3[%add3A_26] : memref<262144xi32, #tpu.memory_space<hbm>> -> memref<512xi32, #tpu.memory_space<hbm>>
      %dma_start3A_130 = tpu.memref_slice %arg3[%add3A_26] : memref<262144xi32, #tpu.memory_space<hbm>> -> memref<512xi32, #tpu.memory_space<hbm>>
      tpu.enqueue_dma source(%dma_start3A_130 : memref<512xi32, #tpu.memory_space<hbm>>) target(%arg5 : memref<512xi32, #tpu.memory_space<vmem>>) target_semaphore(%run_scoped3A : memref<!tpu.dma_semaphore, #tpu.memory_space<semaphore_mem>>)
      %dma_wait3A_131 = tpu.memref_slice %arg3[%add3A_26] : memref<262144xi32, #tpu.memory_space<hbm>> -> memref<512xi32, #tpu.memory_space<hbm>>
      %dma_wait3A_132 = tpu.memref_slice %arg3[%add3A_26] : memref<262144xi32, #tpu.memory_space<hbm>> -> memref<512xi32, #tpu.memory_space<hbm>>
      tpu.wait_dma2 semaphore(%run_scoped3A : memref<!tpu.dma_semaphore, #tpu.memory_space<semaphore_mem>>) src(%dma_wait3A_132 : memref<512xi32, #tpu.memory_space<hbm>>) dst(%arg5 : memref<512xi32, #tpu.memory_space<vmem>>)
      tpu.yield
    }) : () -> ()
    %dma_start3A_27 = arith.constant 0 : i32
    %dma_start3A_28 = arith.constant 0 : i32
    %dma_start3A_29 = tpu.memref_slice %arg2[%dma_start3A_27, %dma_start3A_28] : memref<65536x128xf32, #tpu.memory_space<hbm>> -> memref<65536x128xf32, #tpu.memory_space<hbm>>
    tpu.enqueue_indirect_dma source(%dma_start3A_29 : memref<65536x128xf32, #tpu.memory_space<hbm>>) target(%arg6 : memref<512x128xf32, #tpu.memory_space<vmem>>) offsets(%arg5 : memref<512xi32, #tpu.memory_space<vmem>>) semaphore(%arg7 : memref<!tpu.dma_semaphore, #tpu.memory_space<semaphore_mem>>)
    %dma_wait3A_30 = arith.constant 0 : i32
    %dma_wait3A_31 = arith.constant 0 : i32
    %dma_wait3A_32 = tpu.memref_slice %arg2[%dma_wait3A_30, %dma_wait3A_31] : memref<65536x128xf32, #tpu.memory_space<hbm>> -> memref<65536x128xf32, #tpu.memory_space<hbm>>
    tpu.wait_indirect_dma semaphore(%arg7 : memref<!tpu.dma_semaphore, #tpu.memory_space<semaphore_mem>>) src(%dma_wait3A_32 : memref<65536x128xf32, #tpu.memory_space<hbm>>) dst(%arg6 : memref<512x128xf32, #tpu.memory_space<vmem>>)
    "tpu.region"() ({
      %run_scoped3A = tpu.sem_alloc : memref<!tpu.dma_semaphore, #tpu.memory_space<semaphore_mem>>
      %dma_start3A_129 = arith.constant 0 : i32
      %dma_start3A_130 = tpu.memref_slice %arg4[%add3A_26, %dma_start3A_129] : memref<262144x128xf32, #tpu.memory_space<hbm>> -> memref<512x128xf32, #tpu.memory_space<hbm>>
      %dma_start3A_131 = arith.constant 0 : i32
      %dma_start3A_132 = tpu.memref_slice %arg4[%add3A_26, %dma_start3A_131] : memref<262144x128xf32, #tpu.memory_space<hbm>> -> memref<512x128xf32, #tpu.memory_space<hbm>>
      tpu.enqueue_dma source(%arg6 : memref<512x128xf32, #tpu.memory_space<vmem>>) target(%dma_start3A_132 : memref<512x128xf32, #tpu.memory_space<hbm>>) target_semaphore(%run_scoped3A : memref<!tpu.dma_semaphore, #tpu.memory_space<semaphore_mem>>)
      %dma_wait3A_133 = arith.constant 0 : i32
      %dma_wait3A_134 = tpu.memref_slice %arg4[%add3A_26, %dma_wait3A_133] : memref<262144x128xf32, #tpu.memory_space<hbm>> -> memref<512x128xf32, #tpu.memory_space<hbm>>
      %dma_wait3A_135 = arith.constant 0 : i32
      %dma_wait3A_136 = tpu.memref_slice %arg4[%add3A_26, %dma_wait3A_135] : memref<262144x128xf32, #tpu.memory_space<hbm>> -> memref<512x128xf32, #tpu.memory_space<hbm>>
      tpu.wait_dma2 semaphore(%run_scoped3A : memref<!tpu.dma_semaphore, #tpu.memory_space<semaphore_mem>>) src(%arg6 : memref<512x128xf32, #tpu.memory_space<vmem>>) dst(%dma_wait3A_136 : memref<512x128xf32, #tpu.memory_space<hbm>>)
      tpu.yield
    }) : () -> ()
    %add3A_33 = arith.constant 2048 : i32
    %add3A_34 = arith.addi %mul3A_2, %add3A_33 : i32
    "tpu.region"() ({
      %run_scoped3A = tpu.sem_alloc : memref<!tpu.dma_semaphore, #tpu.memory_space<semaphore_mem>>
      %dma_start3A_129 = tpu.memref_slice %arg3[%add3A_34] : memref<262144xi32, #tpu.memory_space<hbm>> -> memref<512xi32, #tpu.memory_space<hbm>>
      %dma_start3A_130 = tpu.memref_slice %arg3[%add3A_34] : memref<262144xi32, #tpu.memory_space<hbm>> -> memref<512xi32, #tpu.memory_space<hbm>>
      tpu.enqueue_dma source(%dma_start3A_130 : memref<512xi32, #tpu.memory_space<hbm>>) target(%arg5 : memref<512xi32, #tpu.memory_space<vmem>>) target_semaphore(%run_scoped3A : memref<!tpu.dma_semaphore, #tpu.memory_space<semaphore_mem>>)
      %dma_wait3A_131 = tpu.memref_slice %arg3[%add3A_34] : memref<262144xi32, #tpu.memory_space<hbm>> -> memref<512xi32, #tpu.memory_space<hbm>>
      %dma_wait3A_132 = tpu.memref_slice %arg3[%add3A_34] : memref<262144xi32, #tpu.memory_space<hbm>> -> memref<512xi32, #tpu.memory_space<hbm>>
      tpu.wait_dma2 semaphore(%run_scoped3A : memref<!tpu.dma_semaphore, #tpu.memory_space<semaphore_mem>>) src(%dma_wait3A_132 : memref<512xi32, #tpu.memory_space<hbm>>) dst(%arg5 : memref<512xi32, #tpu.memory_space<vmem>>)
      tpu.yield
    }) : () -> ()
    %dma_start3A_35 = arith.constant 0 : i32
    %dma_start3A_36 = arith.constant 0 : i32
    %dma_start3A_37 = tpu.memref_slice %arg2[%dma_start3A_35, %dma_start3A_36] : memref<65536x128xf32, #tpu.memory_space<hbm>> -> memref<65536x128xf32, #tpu.memory_space<hbm>>
    tpu.enqueue_indirect_dma source(%dma_start3A_37 : memref<65536x128xf32, #tpu.memory_space<hbm>>) target(%arg6 : memref<512x128xf32, #tpu.memory_space<vmem>>) offsets(%arg5 : memref<512xi32, #tpu.memory_space<vmem>>) semaphore(%arg7 : memref<!tpu.dma_semaphore, #tpu.memory_space<semaphore_mem>>)
    %dma_wait3A_38 = arith.constant 0 : i32
    %dma_wait3A_39 = arith.constant 0 : i32
    %dma_wait3A_40 = tpu.memref_slice %arg2[%dma_wait3A_38, %dma_wait3A_39] : memref<65536x128xf32, #tpu.memory_space<hbm>> -> memref<65536x128xf32, #tpu.memory_space<hbm>>
    tpu.wait_indirect_dma semaphore(%arg7 : memref<!tpu.dma_semaphore, #tpu.memory_space<semaphore_mem>>) src(%dma_wait3A_40 : memref<65536x128xf32, #tpu.memory_space<hbm>>) dst(%arg6 : memref<512x128xf32, #tpu.memory_space<vmem>>)
    "tpu.region"() ({
      %run_scoped3A = tpu.sem_alloc : memref<!tpu.dma_semaphore, #tpu.memory_space<semaphore_mem>>
      %dma_start3A_129 = arith.constant 0 : i32
      %dma_start3A_130 = tpu.memref_slice %arg4[%add3A_34, %dma_start3A_129] : memref<262144x128xf32, #tpu.memory_space<hbm>> -> memref<512x128xf32, #tpu.memory_space<hbm>>
      %dma_start3A_131 = arith.constant 0 : i32
      %dma_start3A_132 = tpu.memref_slice %arg4[%add3A_34, %dma_start3A_131] : memref<262144x128xf32, #tpu.memory_space<hbm>> -> memref<512x128xf32, #tpu.memory_space<hbm>>
      tpu.enqueue_dma source(%arg6 : memref<512x128xf32, #tpu.memory_space<vmem>>) target(%dma_start3A_132 : memref<512x128xf32, #tpu.memory_space<hbm>>) target_semaphore(%run_scoped3A : memref<!tpu.dma_semaphore, #tpu.memory_space<semaphore_mem>>)
      %dma_wait3A_133 = arith.constant 0 : i32
      %dma_wait3A_134 = tpu.memref_slice %arg4[%add3A_34, %dma_wait3A_133] : memref<262144x128xf32, #tpu.memory_space<hbm>> -> memref<512x128xf32, #tpu.memory_space<hbm>>
      %dma_wait3A_135 = arith.constant 0 : i32
      %dma_wait3A_136 = tpu.memref_slice %arg4[%add3A_34, %dma_wait3A_135] : memref<262144x128xf32, #tpu.memory_space<hbm>> -> memref<512x128xf32, #tpu.memory_space<hbm>>
      tpu.wait_dma2 semaphore(%run_scoped3A : memref<!tpu.dma_semaphore, #tpu.memory_space<semaphore_mem>>) src(%arg6 : memref<512x128xf32, #tpu.memory_space<vmem>>) dst(%dma_wait3A_136 : memref<512x128xf32, #tpu.memory_space<hbm>>)
      tpu.yield
    }) : () -> ()
    %add3A_41 = arith.constant 2560 : i32
    %add3A_42 = arith.addi %mul3A_2, %add3A_41 : i32
    "tpu.region"() ({
      %run_scoped3A = tpu.sem_alloc : memref<!tpu.dma_semaphore, #tpu.memory_space<semaphore_mem>>
      %dma_start3A_129 = tpu.memref_slice %arg3[%add3A_42] : memref<262144xi32, #tpu.memory_space<hbm>> -> memref<512xi32, #tpu.memory_space<hbm>>
      %dma_start3A_130 = tpu.memref_slice %arg3[%add3A_42] : memref<262144xi32, #tpu.memory_space<hbm>> -> memref<512xi32, #tpu.memory_space<hbm>>
      tpu.enqueue_dma source(%dma_start3A_130 : memref<512xi32, #tpu.memory_space<hbm>>) target(%arg5 : memref<512xi32, #tpu.memory_space<vmem>>) target_semaphore(%run_scoped3A : memref<!tpu.dma_semaphore, #tpu.memory_space<semaphore_mem>>)
      %dma_wait3A_131 = tpu.memref_slice %arg3[%add3A_42] : memref<262144xi32, #tpu.memory_space<hbm>> -> memref<512xi32, #tpu.memory_space<hbm>>
      %dma_wait3A_132 = tpu.memref_slice %arg3[%add3A_42] : memref<262144xi32, #tpu.memory_space<hbm>> -> memref<512xi32, #tpu.memory_space<hbm>>
      tpu.wait_dma2 semaphore(%run_scoped3A : memref<!tpu.dma_semaphore, #tpu.memory_space<semaphore_mem>>) src(%dma_wait3A_132 : memref<512xi32, #tpu.memory_space<hbm>>) dst(%arg5 : memref<512xi32, #tpu.memory_space<vmem>>)
      tpu.yield
    }) : () -> ()
    %dma_start3A_43 = arith.constant 0 : i32
    %dma_start3A_44 = arith.constant 0 : i32
    %dma_start3A_45 = tpu.memref_slice %arg2[%dma_start3A_43, %dma_start3A_44] : memref<65536x128xf32, #tpu.memory_space<hbm>> -> memref<65536x128xf32, #tpu.memory_space<hbm>>
    tpu.enqueue_indirect_dma source(%dma_start3A_45 : memref<65536x128xf32, #tpu.memory_space<hbm>>) target(%arg6 : memref<512x128xf32, #tpu.memory_space<vmem>>) offsets(%arg5 : memref<512xi32, #tpu.memory_space<vmem>>) semaphore(%arg7 : memref<!tpu.dma_semaphore, #tpu.memory_space<semaphore_mem>>)
    %dma_wait3A_46 = arith.constant 0 : i32
    %dma_wait3A_47 = arith.constant 0 : i32
    %dma_wait3A_48 = tpu.memref_slice %arg2[%dma_wait3A_46, %dma_wait3A_47] : memref<65536x128xf32, #tpu.memory_space<hbm>> -> memref<65536x128xf32, #tpu.memory_space<hbm>>
    tpu.wait_indirect_dma semaphore(%arg7 : memref<!tpu.dma_semaphore, #tpu.memory_space<semaphore_mem>>) src(%dma_wait3A_48 : memref<65536x128xf32, #tpu.memory_space<hbm>>) dst(%arg6 : memref<512x128xf32, #tpu.memory_space<vmem>>)
    "tpu.region"() ({
      %run_scoped3A = tpu.sem_alloc : memref<!tpu.dma_semaphore, #tpu.memory_space<semaphore_mem>>
      %dma_start3A_129 = arith.constant 0 : i32
      %dma_start3A_130 = tpu.memref_slice %arg4[%add3A_42, %dma_start3A_129] : memref<262144x128xf32, #tpu.memory_space<hbm>> -> memref<512x128xf32, #tpu.memory_space<hbm>>
      %dma_start3A_131 = arith.constant 0 : i32
      %dma_start3A_132 = tpu.memref_slice %arg4[%add3A_42, %dma_start3A_131] : memref<262144x128xf32, #tpu.memory_space<hbm>> -> memref<512x128xf32, #tpu.memory_space<hbm>>
      tpu.enqueue_dma source(%arg6 : memref<512x128xf32, #tpu.memory_space<vmem>>) target(%dma_start3A_132 : memref<512x128xf32, #tpu.memory_space<hbm>>) target_semaphore(%run_scoped3A : memref<!tpu.dma_semaphore, #tpu.memory_space<semaphore_mem>>)
      %dma_wait3A_133 = arith.constant 0 : i32
      %dma_wait3A_134 = tpu.memref_slice %arg4[%add3A_42, %dma_wait3A_133] : memref<262144x128xf32, #tpu.memory_space<hbm>> -> memref<512x128xf32, #tpu.memory_space<hbm>>
      %dma_wait3A_135 = arith.constant 0 : i32
      %dma_wait3A_136 = tpu.memref_slice %arg4[%add3A_42, %dma_wait3A_135] : memref<262144x128xf32, #tpu.memory_space<hbm>> -> memref<512x128xf32, #tpu.memory_space<hbm>>
      tpu.wait_dma2 semaphore(%run_scoped3A : memref<!tpu.dma_semaphore, #tpu.memory_space<semaphore_mem>>) src(%arg6 : memref<512x128xf32, #tpu.memory_space<vmem>>) dst(%dma_wait3A_136 : memref<512x128xf32, #tpu.memory_space<hbm>>)
      tpu.yield
    }) : () -> ()
    %add3A_49 = arith.constant 3072 : i32
    %add3A_50 = arith.addi %mul3A_2, %add3A_49 : i32
    "tpu.region"() ({
      %run_scoped3A = tpu.sem_alloc : memref<!tpu.dma_semaphore, #tpu.memory_space<semaphore_mem>>
      %dma_start3A_129 = tpu.memref_slice %arg3[%add3A_50] : memref<262144xi32, #tpu.memory_space<hbm>> -> memref<512xi32, #tpu.memory_space<hbm>>
      %dma_start3A_130 = tpu.memref_slice %arg3[%add3A_50] : memref<262144xi32, #tpu.memory_space<hbm>> -> memref<512xi32, #tpu.memory_space<hbm>>
      tpu.enqueue_dma source(%dma_start3A_130 : memref<512xi32, #tpu.memory_space<hbm>>) target(%arg5 : memref<512xi32, #tpu.memory_space<vmem>>) target_semaphore(%run_scoped3A : memref<!tpu.dma_semaphore, #tpu.memory_space<semaphore_mem>>)
      %dma_wait3A_131 = tpu.memref_slice %arg3[%add3A_50] : memref<262144xi32, #tpu.memory_space<hbm>> -> memref<512xi32, #tpu.memory_space<hbm>>
      %dma_wait3A_132 = tpu.memref_slice %arg3[%add3A_50] : memref<262144xi32, #tpu.memory_space<hbm>> -> memref<512xi32, #tpu.memory_space<hbm>>
      tpu.wait_dma2 semaphore(%run_scoped3A : memref<!tpu.dma_semaphore, #tpu.memory_space<semaphore_mem>>) src(%dma_wait3A_132 : memref<512xi32, #tpu.memory_space<hbm>>) dst(%arg5 : memref<512xi32, #tpu.memory_space<vmem>>)
      tpu.yield
    }) : () -> ()
    %dma_start3A_51 = arith.constant 0 : i32
    %dma_start3A_52 = arith.constant 0 : i32
    %dma_start3A_53 = tpu.memref_slice %arg2[%dma_start3A_51, %dma_start3A_52] : memref<65536x128xf32, #tpu.memory_space<hbm>> -> memref<65536x128xf32, #tpu.memory_space<hbm>>
    tpu.enqueue_indirect_dma source(%dma_start3A_53 : memref<65536x128xf32, #tpu.memory_space<hbm>>) target(%arg6 : memref<512x128xf32, #tpu.memory_space<vmem>>) offsets(%arg5 : memref<512xi32, #tpu.memory_space<vmem>>) semaphore(%arg7 : memref<!tpu.dma_semaphore, #tpu.memory_space<semaphore_mem>>)
    %dma_wait3A_54 = arith.constant 0 : i32
    %dma_wait3A_55 = arith.constant 0 : i32
    %dma_wait3A_56 = tpu.memref_slice %arg2[%dma_wait3A_54, %dma_wait3A_55] : memref<65536x128xf32, #tpu.memory_space<hbm>> -> memref<65536x128xf32, #tpu.memory_space<hbm>>
    tpu.wait_indirect_dma semaphore(%arg7 : memref<!tpu.dma_semaphore, #tpu.memory_space<semaphore_mem>>) src(%dma_wait3A_56 : memref<65536x128xf32, #tpu.memory_space<hbm>>) dst(%arg6 : memref<512x128xf32, #tpu.memory_space<vmem>>)
    "tpu.region"() ({
      %run_scoped3A = tpu.sem_alloc : memref<!tpu.dma_semaphore, #tpu.memory_space<semaphore_mem>>
      %dma_start3A_129 = arith.constant 0 : i32
      %dma_start3A_130 = tpu.memref_slice %arg4[%add3A_50, %dma_start3A_129] : memref<262144x128xf32, #tpu.memory_space<hbm>> -> memref<512x128xf32, #tpu.memory_space<hbm>>
      %dma_start3A_131 = arith.constant 0 : i32
      %dma_start3A_132 = tpu.memref_slice %arg4[%add3A_50, %dma_start3A_131] : memref<262144x128xf32, #tpu.memory_space<hbm>> -> memref<512x128xf32, #tpu.memory_space<hbm>>
      tpu.enqueue_dma source(%arg6 : memref<512x128xf32, #tpu.memory_space<vmem>>) target(%dma_start3A_132 : memref<512x128xf32, #tpu.memory_space<hbm>>) target_semaphore(%run_scoped3A : memref<!tpu.dma_semaphore, #tpu.memory_space<semaphore_mem>>)
      %dma_wait3A_133 = arith.constant 0 : i32
      %dma_wait3A_134 = tpu.memref_slice %arg4[%add3A_50, %dma_wait3A_133] : memref<262144x128xf32, #tpu.memory_space<hbm>> -> memref<512x128xf32, #tpu.memory_space<hbm>>
      %dma_wait3A_135 = arith.constant 0 : i32
      %dma_wait3A_136 = tpu.memref_slice %arg4[%add3A_50, %dma_wait3A_135] : memref<262144x128xf32, #tpu.memory_space<hbm>> -> memref<512x128xf32, #tpu.memory_space<hbm>>
      tpu.wait_dma2 semaphore(%run_scoped3A : memref<!tpu.dma_semaphore, #tpu.memory_space<semaphore_mem>>) src(%arg6 : memref<512x128xf32, #tpu.memory_space<vmem>>) dst(%dma_wait3A_136 : memref<512x128xf32, #tpu.memory_space<hbm>>)
      tpu.yield
    }) : () -> ()
    %add3A_57 = arith.constant 3584 : i32
    %add3A_58 = arith.addi %mul3A_2, %add3A_57 : i32
    "tpu.region"() ({
      %run_scoped3A = tpu.sem_alloc : memref<!tpu.dma_semaphore, #tpu.memory_space<semaphore_mem>>
      %dma_start3A_129 = tpu.memref_slice %arg3[%add3A_58] : memref<262144xi32, #tpu.memory_space<hbm>> -> memref<512xi32, #tpu.memory_space<hbm>>
      %dma_start3A_130 = tpu.memref_slice %arg3[%add3A_58] : memref<262144xi32, #tpu.memory_space<hbm>> -> memref<512xi32, #tpu.memory_space<hbm>>
      tpu.enqueue_dma source(%dma_start3A_130 : memref<512xi32, #tpu.memory_space<hbm>>) target(%arg5 : memref<512xi32, #tpu.memory_space<vmem>>) target_semaphore(%run_scoped3A : memref<!tpu.dma_semaphore, #tpu.memory_space<semaphore_mem>>)
      %dma_wait3A_131 = tpu.memref_slice %arg3[%add3A_58] : memref<262144xi32, #tpu.memory_space<hbm>> -> memref<512xi32, #tpu.memory_space<hbm>>
      %dma_wait3A_132 = tpu.memref_slice %arg3[%add3A_58] : memref<262144xi32, #tpu.memory_space<hbm>> -> memref<512xi32, #tpu.memory_space<hbm>>
      tpu.wait_dma2 semaphore(%run_scoped3A : memref<!tpu.dma_semaphore, #tpu.memory_space<semaphore_mem>>) src(%dma_wait3A_132 : memref<512xi32, #tpu.memory_space<hbm>>) dst(%arg5 : memref<512xi32, #tpu.memory_space<vmem>>)
      tpu.yield
    }) : () -> ()
    %dma_start3A_59 = arith.constant 0 : i32
    %dma_start3A_60 = arith.constant 0 : i32
    %dma_start3A_61 = tpu.memref_slice %arg2[%dma_start3A_59, %dma_start3A_60] : memref<65536x128xf32, #tpu.memory_space<hbm>> -> memref<65536x128xf32, #tpu.memory_space<hbm>>
    tpu.enqueue_indirect_dma source(%dma_start3A_61 : memref<65536x128xf32, #tpu.memory_space<hbm>>) target(%arg6 : memref<512x128xf32, #tpu.memory_space<vmem>>) offsets(%arg5 : memref<512xi32, #tpu.memory_space<vmem>>) semaphore(%arg7 : memref<!tpu.dma_semaphore, #tpu.memory_space<semaphore_mem>>)
    %dma_wait3A_62 = arith.constant 0 : i32
    %dma_wait3A_63 = arith.constant 0 : i32
    %dma_wait3A_64 = tpu.memref_slice %arg2[%dma_wait3A_62, %dma_wait3A_63] : memref<65536x128xf32, #tpu.memory_space<hbm>> -> memref<65536x128xf32, #tpu.memory_space<hbm>>
    tpu.wait_indirect_dma semaphore(%arg7 : memref<!tpu.dma_semaphore, #tpu.memory_space<semaphore_mem>>) src(%dma_wait3A_64 : memref<65536x128xf32, #tpu.memory_space<hbm>>) dst(%arg6 : memref<512x128xf32, #tpu.memory_space<vmem>>)
    "tpu.region"() ({
      %run_scoped3A = tpu.sem_alloc : memref<!tpu.dma_semaphore, #tpu.memory_space<semaphore_mem>>
      %dma_start3A_129 = arith.constant 0 : i32
      %dma_start3A_130 = tpu.memref_slice %arg4[%add3A_58, %dma_start3A_129] : memref<262144x128xf32, #tpu.memory_space<hbm>> -> memref<512x128xf32, #tpu.memory_space<hbm>>
      %dma_start3A_131 = arith.constant 0 : i32
      %dma_start3A_132 = tpu.memref_slice %arg4[%add3A_58, %dma_start3A_131] : memref<262144x128xf32, #tpu.memory_space<hbm>> -> memref<512x128xf32, #tpu.memory_space<hbm>>
      tpu.enqueue_dma source(%arg6 : memref<512x128xf32, #tpu.memory_space<vmem>>) target(%dma_start3A_132 : memref<512x128xf32, #tpu.memory_space<hbm>>) target_semaphore(%run_scoped3A : memref<!tpu.dma_semaphore, #tpu.memory_space<semaphore_mem>>)
      %dma_wait3A_133 = arith.constant 0 : i32
      %dma_wait3A_134 = tpu.memref_slice %arg4[%add3A_58, %dma_wait3A_133] : memref<262144x128xf32, #tpu.memory_space<hbm>> -> memref<512x128xf32, #tpu.memory_space<hbm>>
      %dma_wait3A_135 = arith.constant 0 : i32
      %dma_wait3A_136 = tpu.memref_slice %arg4[%add3A_58, %dma_wait3A_135] : memref<262144x128xf32, #tpu.memory_space<hbm>> -> memref<512x128xf32, #tpu.memory_space<hbm>>
      tpu.wait_dma2 semaphore(%run_scoped3A : memref<!tpu.dma_semaphore, #tpu.memory_space<semaphore_mem>>) src(%arg6 : memref<512x128xf32, #tpu.memory_space<vmem>>) dst(%dma_wait3A_136 : memref<512x128xf32, #tpu.memory_space<hbm>>)
      tpu.yield
    }) : () -> ()
    %add3A_65 = arith.constant 4096 : i32
    %add3A_66 = arith.addi %mul3A_2, %add3A_65 : i32
    "tpu.region"() ({
      %run_scoped3A = tpu.sem_alloc : memref<!tpu.dma_semaphore, #tpu.memory_space<semaphore_mem>>
      %dma_start3A_129 = tpu.memref_slice %arg3[%add3A_66] : memref<262144xi32, #tpu.memory_space<hbm>> -> memref<512xi32, #tpu.memory_space<hbm>>
      %dma_start3A_130 = tpu.memref_slice %arg3[%add3A_66] : memref<262144xi32, #tpu.memory_space<hbm>> -> memref<512xi32, #tpu.memory_space<hbm>>
      tpu.enqueue_dma source(%dma_start3A_130 : memref<512xi32, #tpu.memory_space<hbm>>) target(%arg5 : memref<512xi32, #tpu.memory_space<vmem>>) target_semaphore(%run_scoped3A : memref<!tpu.dma_semaphore, #tpu.memory_space<semaphore_mem>>)
      %dma_wait3A_131 = tpu.memref_slice %arg3[%add3A_66] : memref<262144xi32, #tpu.memory_space<hbm>> -> memref<512xi32, #tpu.memory_space<hbm>>
      %dma_wait3A_132 = tpu.memref_slice %arg3[%add3A_66] : memref<262144xi32, #tpu.memory_space<hbm>> -> memref<512xi32, #tpu.memory_space<hbm>>
      tpu.wait_dma2 semaphore(%run_scoped3A : memref<!tpu.dma_semaphore, #tpu.memory_space<semaphore_mem>>) src(%dma_wait3A_132 : memref<512xi32, #tpu.memory_space<hbm>>) dst(%arg5 : memref<512xi32, #tpu.memory_space<vmem>>)
      tpu.yield
    }) : () -> ()
    %dma_start3A_67 = arith.constant 0 : i32
    %dma_start3A_68 = arith.constant 0 : i32
    %dma_start3A_69 = tpu.memref_slice %arg2[%dma_start3A_67, %dma_start3A_68] : memref<65536x128xf32, #tpu.memory_space<hbm>> -> memref<65536x128xf32, #tpu.memory_space<hbm>>
    tpu.enqueue_indirect_dma source(%dma_start3A_69 : memref<65536x128xf32, #tpu.memory_space<hbm>>) target(%arg6 : memref<512x128xf32, #tpu.memory_space<vmem>>) offsets(%arg5 : memref<512xi32, #tpu.memory_space<vmem>>) semaphore(%arg7 : memref<!tpu.dma_semaphore, #tpu.memory_space<semaphore_mem>>)
    %dma_wait3A_70 = arith.constant 0 : i32
    %dma_wait3A_71 = arith.constant 0 : i32
    %dma_wait3A_72 = tpu.memref_slice %arg2[%dma_wait3A_70, %dma_wait3A_71] : memref<65536x128xf32, #tpu.memory_space<hbm>> -> memref<65536x128xf32, #tpu.memory_space<hbm>>
    tpu.wait_indirect_dma semaphore(%arg7 : memref<!tpu.dma_semaphore, #tpu.memory_space<semaphore_mem>>) src(%dma_wait3A_72 : memref<65536x128xf32, #tpu.memory_space<hbm>>) dst(%arg6 : memref<512x128xf32, #tpu.memory_space<vmem>>)
    "tpu.region"() ({
      %run_scoped3A = tpu.sem_alloc : memref<!tpu.dma_semaphore, #tpu.memory_space<semaphore_mem>>
      %dma_start3A_129 = arith.constant 0 : i32
      %dma_start3A_130 = tpu.memref_slice %arg4[%add3A_66, %dma_start3A_129] : memref<262144x128xf32, #tpu.memory_space<hbm>> -> memref<512x128xf32, #tpu.memory_space<hbm>>
      %dma_start3A_131 = arith.constant 0 : i32
      %dma_start3A_132 = tpu.memref_slice %arg4[%add3A_66, %dma_start3A_131] : memref<262144x128xf32, #tpu.memory_space<hbm>> -> memref<512x128xf32, #tpu.memory_space<hbm>>
      tpu.enqueue_dma source(%arg6 : memref<512x128xf32, #tpu.memory_space<vmem>>) target(%dma_start3A_132 : memref<512x128xf32, #tpu.memory_space<hbm>>) target_semaphore(%run_scoped3A : memref<!tpu.dma_semaphore, #tpu.memory_space<semaphore_mem>>)
      %dma_wait3A_133 = arith.constant 0 : i32
      %dma_wait3A_134 = tpu.memref_slice %arg4[%add3A_66, %dma_wait3A_133] : memref<262144x128xf32, #tpu.memory_space<hbm>> -> memref<512x128xf32, #tpu.memory_space<hbm>>
      %dma_wait3A_135 = arith.constant 0 : i32
      %dma_wait3A_136 = tpu.memref_slice %arg4[%add3A_66, %dma_wait3A_135] : memref<262144x128xf32, #tpu.memory_space<hbm>> -> memref<512x128xf32, #tpu.memory_space<hbm>>
      tpu.wait_dma2 semaphore(%run_scoped3A : memref<!tpu.dma_semaphore, #tpu.memory_space<semaphore_mem>>) src(%arg6 : memref<512x128xf32, #tpu.memory_space<vmem>>) dst(%dma_wait3A_136 : memref<512x128xf32, #tpu.memory_space<hbm>>)
      tpu.yield
    }) : () -> ()
    %add3A_73 = arith.constant 4608 : i32
    %add3A_74 = arith.addi %mul3A_2, %add3A_73 : i32
    "tpu.region"() ({
      %run_scoped3A = tpu.sem_alloc : memref<!tpu.dma_semaphore, #tpu.memory_space<semaphore_mem>>
      %dma_start3A_129 = tpu.memref_slice %arg3[%add3A_74] : memref<262144xi32, #tpu.memory_space<hbm>> -> memref<512xi32, #tpu.memory_space<hbm>>
      %dma_start3A_130 = tpu.memref_slice %arg3[%add3A_74] : memref<262144xi32, #tpu.memory_space<hbm>> -> memref<512xi32, #tpu.memory_space<hbm>>
      tpu.enqueue_dma source(%dma_start3A_130 : memref<512xi32, #tpu.memory_space<hbm>>) target(%arg5 : memref<512xi32, #tpu.memory_space<vmem>>) target_semaphore(%run_scoped3A : memref<!tpu.dma_semaphore, #tpu.memory_space<semaphore_mem>>)
      %dma_wait3A_131 = tpu.memref_slice %arg3[%add3A_74] : memref<262144xi32, #tpu.memory_space<hbm>> -> memref<512xi32, #tpu.memory_space<hbm>>
      %dma_wait3A_132 = tpu.memref_slice %arg3[%add3A_74] : memref<262144xi32, #tpu.memory_space<hbm>> -> memref<512xi32, #tpu.memory_space<hbm>>
      tpu.wait_dma2 semaphore(%run_scoped3A : memref<!tpu.dma_semaphore, #tpu.memory_space<semaphore_mem>>) src(%dma_wait3A_132 : memref<512xi32, #tpu.memory_space<hbm>>) dst(%arg5 : memref<512xi32, #tpu.memory_space<vmem>>)
      tpu.yield
    }) : () -> ()
    %dma_start3A_75 = arith.constant 0 : i32
    %dma_start3A_76 = arith.constant 0 : i32
    %dma_start3A_77 = tpu.memref_slice %arg2[%dma_start3A_75, %dma_start3A_76] : memref<65536x128xf32, #tpu.memory_space<hbm>> -> memref<65536x128xf32, #tpu.memory_space<hbm>>
    tpu.enqueue_indirect_dma source(%dma_start3A_77 : memref<65536x128xf32, #tpu.memory_space<hbm>>) target(%arg6 : memref<512x128xf32, #tpu.memory_space<vmem>>) offsets(%arg5 : memref<512xi32, #tpu.memory_space<vmem>>) semaphore(%arg7 : memref<!tpu.dma_semaphore, #tpu.memory_space<semaphore_mem>>)
    %dma_wait3A_78 = arith.constant 0 : i32
    %dma_wait3A_79 = arith.constant 0 : i32
    %dma_wait3A_80 = tpu.memref_slice %arg2[%dma_wait3A_78, %dma_wait3A_79] : memref<65536x128xf32, #tpu.memory_space<hbm>> -> memref<65536x128xf32, #tpu.memory_space<hbm>>
    tpu.wait_indirect_dma semaphore(%arg7 : memref<!tpu.dma_semaphore, #tpu.memory_space<semaphore_mem>>) src(%dma_wait3A_80 : memref<65536x128xf32, #tpu.memory_space<hbm>>) dst(%arg6 : memref<512x128xf32, #tpu.memory_space<vmem>>)
    "tpu.region"() ({
      %run_scoped3A = tpu.sem_alloc : memref<!tpu.dma_semaphore, #tpu.memory_space<semaphore_mem>>
      %dma_start3A_129 = arith.constant 0 : i32
      %dma_start3A_130 = tpu.memref_slice %arg4[%add3A_74, %dma_start3A_129] : memref<262144x128xf32, #tpu.memory_space<hbm>> -> memref<512x128xf32, #tpu.memory_space<hbm>>
      %dma_start3A_131 = arith.constant 0 : i32
      %dma_start3A_132 = tpu.memref_slice %arg4[%add3A_74, %dma_start3A_131] : memref<262144x128xf32, #tpu.memory_space<hbm>> -> memref<512x128xf32, #tpu.memory_space<hbm>>
      tpu.enqueue_dma source(%arg6 : memref<512x128xf32, #tpu.memory_space<vmem>>) target(%dma_start3A_132 : memref<512x128xf32, #tpu.memory_space<hbm>>) target_semaphore(%run_scoped3A : memref<!tpu.dma_semaphore, #tpu.memory_space<semaphore_mem>>)
      %dma_wait3A_133 = arith.constant 0 : i32
      %dma_wait3A_134 = tpu.memref_slice %arg4[%add3A_74, %dma_wait3A_133] : memref<262144x128xf32, #tpu.memory_space<hbm>> -> memref<512x128xf32, #tpu.memory_space<hbm>>
      %dma_wait3A_135 = arith.constant 0 : i32
      %dma_wait3A_136 = tpu.memref_slice %arg4[%add3A_74, %dma_wait3A_135] : memref<262144x128xf32, #tpu.memory_space<hbm>> -> memref<512x128xf32, #tpu.memory_space<hbm>>
      tpu.wait_dma2 semaphore(%run_scoped3A : memref<!tpu.dma_semaphore, #tpu.memory_space<semaphore_mem>>) src(%arg6 : memref<512x128xf32, #tpu.memory_space<vmem>>) dst(%dma_wait3A_136 : memref<512x128xf32, #tpu.memory_space<hbm>>)
      tpu.yield
    }) : () -> ()
    %add3A_81 = arith.constant 5120 : i32
    %add3A_82 = arith.addi %mul3A_2, %add3A_81 : i32
    "tpu.region"() ({
      %run_scoped3A = tpu.sem_alloc : memref<!tpu.dma_semaphore, #tpu.memory_space<semaphore_mem>>
      %dma_start3A_129 = tpu.memref_slice %arg3[%add3A_82] : memref<262144xi32, #tpu.memory_space<hbm>> -> memref<512xi32, #tpu.memory_space<hbm>>
      %dma_start3A_130 = tpu.memref_slice %arg3[%add3A_82] : memref<262144xi32, #tpu.memory_space<hbm>> -> memref<512xi32, #tpu.memory_space<hbm>>
      tpu.enqueue_dma source(%dma_start3A_130 : memref<512xi32, #tpu.memory_space<hbm>>) target(%arg5 : memref<512xi32, #tpu.memory_space<vmem>>) target_semaphore(%run_scoped3A : memref<!tpu.dma_semaphore, #tpu.memory_space<semaphore_mem>>)
      %dma_wait3A_131 = tpu.memref_slice %arg3[%add3A_82] : memref<262144xi32, #tpu.memory_space<hbm>> -> memref<512xi32, #tpu.memory_space<hbm>>
      %dma_wait3A_132 = tpu.memref_slice %arg3[%add3A_82] : memref<262144xi32, #tpu.memory_space<hbm>> -> memref<512xi32, #tpu.memory_space<hbm>>
      tpu.wait_dma2 semaphore(%run_scoped3A : memref<!tpu.dma_semaphore, #tpu.memory_space<semaphore_mem>>) src(%dma_wait3A_132 : memref<512xi32, #tpu.memory_space<hbm>>) dst(%arg5 : memref<512xi32, #tpu.memory_space<vmem>>)
      tpu.yield
    }) : () -> ()
    %dma_start3A_83 = arith.constant 0 : i32
    %dma_start3A_84 = arith.constant 0 : i32
    %dma_start3A_85 = tpu.memref_slice %arg2[%dma_start3A_83, %dma_start3A_84] : memref<65536x128xf32, #tpu.memory_space<hbm>> -> memref<65536x128xf32, #tpu.memory_space<hbm>>
    tpu.enqueue_indirect_dma source(%dma_start3A_85 : memref<65536x128xf32, #tpu.memory_space<hbm>>) target(%arg6 : memref<512x128xf32, #tpu.memory_space<vmem>>) offsets(%arg5 : memref<512xi32, #tpu.memory_space<vmem>>) semaphore(%arg7 : memref<!tpu.dma_semaphore, #tpu.memory_space<semaphore_mem>>)
    %dma_wait3A_86 = arith.constant 0 : i32
    %dma_wait3A_87 = arith.constant 0 : i32
    %dma_wait3A_88 = tpu.memref_slice %arg2[%dma_wait3A_86, %dma_wait3A_87] : memref<65536x128xf32, #tpu.memory_space<hbm>> -> memref<65536x128xf32, #tpu.memory_space<hbm>>
    tpu.wait_indirect_dma semaphore(%arg7 : memref<!tpu.dma_semaphore, #tpu.memory_space<semaphore_mem>>) src(%dma_wait3A_88 : memref<65536x128xf32, #tpu.memory_space<hbm>>) dst(%arg6 : memref<512x128xf32, #tpu.memory_space<vmem>>)
    "tpu.region"() ({
      %run_scoped3A = tpu.sem_alloc : memref<!tpu.dma_semaphore, #tpu.memory_space<semaphore_mem>>
      %dma_start3A_129 = arith.constant 0 : i32
      %dma_start3A_130 = tpu.memref_slice %arg4[%add3A_82, %dma_start3A_129] : memref<262144x128xf32, #tpu.memory_space<hbm>> -> memref<512x128xf32, #tpu.memory_space<hbm>>
      %dma_start3A_131 = arith.constant 0 : i32
      %dma_start3A_132 = tpu.memref_slice %arg4[%add3A_82, %dma_start3A_131] : memref<262144x128xf32, #tpu.memory_space<hbm>> -> memref<512x128xf32, #tpu.memory_space<hbm>>
      tpu.enqueue_dma source(%arg6 : memref<512x128xf32, #tpu.memory_space<vmem>>) target(%dma_start3A_132 : memref<512x128xf32, #tpu.memory_space<hbm>>) target_semaphore(%run_scoped3A : memref<!tpu.dma_semaphore, #tpu.memory_space<semaphore_mem>>)
      %dma_wait3A_133 = arith.constant 0 : i32
      %dma_wait3A_134 = tpu.memref_slice %arg4[%add3A_82, %dma_wait3A_133] : memref<262144x128xf32, #tpu.memory_space<hbm>> -> memref<512x128xf32, #tpu.memory_space<hbm>>
      %dma_wait3A_135 = arith.constant 0 : i32
      %dma_wait3A_136 = tpu.memref_slice %arg4[%add3A_82, %dma_wait3A_135] : memref<262144x128xf32, #tpu.memory_space<hbm>> -> memref<512x128xf32, #tpu.memory_space<hbm>>
      tpu.wait_dma2 semaphore(%run_scoped3A : memref<!tpu.dma_semaphore, #tpu.memory_space<semaphore_mem>>) src(%arg6 : memref<512x128xf32, #tpu.memory_space<vmem>>) dst(%dma_wait3A_136 : memref<512x128xf32, #tpu.memory_space<hbm>>)
      tpu.yield
    }) : () -> ()
    %add3A_89 = arith.constant 5632 : i32
    %add3A_90 = arith.addi %mul3A_2, %add3A_89 : i32
    "tpu.region"() ({
      %run_scoped3A = tpu.sem_alloc : memref<!tpu.dma_semaphore, #tpu.memory_space<semaphore_mem>>
      %dma_start3A_129 = tpu.memref_slice %arg3[%add3A_90] : memref<262144xi32, #tpu.memory_space<hbm>> -> memref<512xi32, #tpu.memory_space<hbm>>
      %dma_start3A_130 = tpu.memref_slice %arg3[%add3A_90] : memref<262144xi32, #tpu.memory_space<hbm>> -> memref<512xi32, #tpu.memory_space<hbm>>
      tpu.enqueue_dma source(%dma_start3A_130 : memref<512xi32, #tpu.memory_space<hbm>>) target(%arg5 : memref<512xi32, #tpu.memory_space<vmem>>) target_semaphore(%run_scoped3A : memref<!tpu.dma_semaphore, #tpu.memory_space<semaphore_mem>>)
      %dma_wait3A_131 = tpu.memref_slice %arg3[%add3A_90] : memref<262144xi32, #tpu.memory_space<hbm>> -> memref<512xi32, #tpu.memory_space<hbm>>
      %dma_wait3A_132 = tpu.memref_slice %arg3[%add3A_90] : memref<262144xi32, #tpu.memory_space<hbm>> -> memref<512xi32, #tpu.memory_space<hbm>>
      tpu.wait_dma2 semaphore(%run_scoped3A : memref<!tpu.dma_semaphore, #tpu.memory_space<semaphore_mem>>) src(%dma_wait3A_132 : memref<512xi32, #tpu.memory_space<hbm>>) dst(%arg5 : memref<512xi32, #tpu.memory_space<vmem>>)
      tpu.yield
    }) : () -> ()
    %dma_start3A_91 = arith.constant 0 : i32
    %dma_start3A_92 = arith.constant 0 : i32
    %dma_start3A_93 = tpu.memref_slice %arg2[%dma_start3A_91, %dma_start3A_92] : memref<65536x128xf32, #tpu.memory_space<hbm>> -> memref<65536x128xf32, #tpu.memory_space<hbm>>
    tpu.enqueue_indirect_dma source(%dma_start3A_93 : memref<65536x128xf32, #tpu.memory_space<hbm>>) target(%arg6 : memref<512x128xf32, #tpu.memory_space<vmem>>) offsets(%arg5 : memref<512xi32, #tpu.memory_space<vmem>>) semaphore(%arg7 : memref<!tpu.dma_semaphore, #tpu.memory_space<semaphore_mem>>)
    %dma_wait3A_94 = arith.constant 0 : i32
    %dma_wait3A_95 = arith.constant 0 : i32
    %dma_wait3A_96 = tpu.memref_slice %arg2[%dma_wait3A_94, %dma_wait3A_95] : memref<65536x128xf32, #tpu.memory_space<hbm>> -> memref<65536x128xf32, #tpu.memory_space<hbm>>
    tpu.wait_indirect_dma semaphore(%arg7 : memref<!tpu.dma_semaphore, #tpu.memory_space<semaphore_mem>>) src(%dma_wait3A_96 : memref<65536x128xf32, #tpu.memory_space<hbm>>) dst(%arg6 : memref<512x128xf32, #tpu.memory_space<vmem>>)
    "tpu.region"() ({
      %run_scoped3A = tpu.sem_alloc : memref<!tpu.dma_semaphore, #tpu.memory_space<semaphore_mem>>
      %dma_start3A_129 = arith.constant 0 : i32
      %dma_start3A_130 = tpu.memref_slice %arg4[%add3A_90, %dma_start3A_129] : memref<262144x128xf32, #tpu.memory_space<hbm>> -> memref<512x128xf32, #tpu.memory_space<hbm>>
      %dma_start3A_131 = arith.constant 0 : i32
      %dma_start3A_132 = tpu.memref_slice %arg4[%add3A_90, %dma_start3A_131] : memref<262144x128xf32, #tpu.memory_space<hbm>> -> memref<512x128xf32, #tpu.memory_space<hbm>>
      tpu.enqueue_dma source(%arg6 : memref<512x128xf32, #tpu.memory_space<vmem>>) target(%dma_start3A_132 : memref<512x128xf32, #tpu.memory_space<hbm>>) target_semaphore(%run_scoped3A : memref<!tpu.dma_semaphore, #tpu.memory_space<semaphore_mem>>)
      %dma_wait3A_133 = arith.constant 0 : i32
      %dma_wait3A_134 = tpu.memref_slice %arg4[%add3A_90, %dma_wait3A_133] : memref<262144x128xf32, #tpu.memory_space<hbm>> -> memref<512x128xf32, #tpu.memory_space<hbm>>
      %dma_wait3A_135 = arith.constant 0 : i32
      %dma_wait3A_136 = tpu.memref_slice %arg4[%add3A_90, %dma_wait3A_135] : memref<262144x128xf32, #tpu.memory_space<hbm>> -> memref<512x128xf32, #tpu.memory_space<hbm>>
      tpu.wait_dma2 semaphore(%run_scoped3A : memref<!tpu.dma_semaphore, #tpu.memory_space<semaphore_mem>>) src(%arg6 : memref<512x128xf32, #tpu.memory_space<vmem>>) dst(%dma_wait3A_136 : memref<512x128xf32, #tpu.memory_space<hbm>>)
      tpu.yield
    }) : () -> ()
    %add3A_97 = arith.constant 6144 : i32
    %add3A_98 = arith.addi %mul3A_2, %add3A_97 : i32
    "tpu.region"() ({
      %run_scoped3A = tpu.sem_alloc : memref<!tpu.dma_semaphore, #tpu.memory_space<semaphore_mem>>
      %dma_start3A_129 = tpu.memref_slice %arg3[%add3A_98] : memref<262144xi32, #tpu.memory_space<hbm>> -> memref<512xi32, #tpu.memory_space<hbm>>
      %dma_start3A_130 = tpu.memref_slice %arg3[%add3A_98] : memref<262144xi32, #tpu.memory_space<hbm>> -> memref<512xi32, #tpu.memory_space<hbm>>
      tpu.enqueue_dma source(%dma_start3A_130 : memref<512xi32, #tpu.memory_space<hbm>>) target(%arg5 : memref<512xi32, #tpu.memory_space<vmem>>) target_semaphore(%run_scoped3A : memref<!tpu.dma_semaphore, #tpu.memory_space<semaphore_mem>>)
      %dma_wait3A_131 = tpu.memref_slice %arg3[%add3A_98] : memref<262144xi32, #tpu.memory_space<hbm>> -> memref<512xi32, #tpu.memory_space<hbm>>
      %dma_wait3A_132 = tpu.memref_slice %arg3[%add3A_98] : memref<262144xi32, #tpu.memory_space<hbm>> -> memref<512xi32, #tpu.memory_space<hbm>>
      tpu.wait_dma2 semaphore(%run_scoped3A : memref<!tpu.dma_semaphore, #tpu.memory_space<semaphore_mem>>) src(%dma_wait3A_132 : memref<512xi32, #tpu.memory_space<hbm>>) dst(%arg5 : memref<512xi32, #tpu.memory_space<vmem>>)
      tpu.yield
    }) : () -> ()
    %dma_start3A_99 = arith.constant 0 : i32
    %dma_start3A_100 = arith.constant 0 : i32
    %dma_start3A_101 = tpu.memref_slice %arg2[%dma_start3A_99, %dma_start3A_100] : memref<65536x128xf32, #tpu.memory_space<hbm>> -> memref<65536x128xf32, #tpu.memory_space<hbm>>
    tpu.enqueue_indirect_dma source(%dma_start3A_101 : memref<65536x128xf32, #tpu.memory_space<hbm>>) target(%arg6 : memref<512x128xf32, #tpu.memory_space<vmem>>) offsets(%arg5 : memref<512xi32, #tpu.memory_space<vmem>>) semaphore(%arg7 : memref<!tpu.dma_semaphore, #tpu.memory_space<semaphore_mem>>)
    %dma_wait3A_102 = arith.constant 0 : i32
    %dma_wait3A_103 = arith.constant 0 : i32
    %dma_wait3A_104 = tpu.memref_slice %arg2[%dma_wait3A_102, %dma_wait3A_103] : memref<65536x128xf32, #tpu.memory_space<hbm>> -> memref<65536x128xf32, #tpu.memory_space<hbm>>
    tpu.wait_indirect_dma semaphore(%arg7 : memref<!tpu.dma_semaphore, #tpu.memory_space<semaphore_mem>>) src(%dma_wait3A_104 : memref<65536x128xf32, #tpu.memory_space<hbm>>) dst(%arg6 : memref<512x128xf32, #tpu.memory_space<vmem>>)
    "tpu.region"() ({
      %run_scoped3A = tpu.sem_alloc : memref<!tpu.dma_semaphore, #tpu.memory_space<semaphore_mem>>
      %dma_start3A_129 = arith.constant 0 : i32
      %dma_start3A_130 = tpu.memref_slice %arg4[%add3A_98, %dma_start3A_129] : memref<262144x128xf32, #tpu.memory_space<hbm>> -> memref<512x128xf32, #tpu.memory_space<hbm>>
      %dma_start3A_131 = arith.constant 0 : i32
      %dma_start3A_132 = tpu.memref_slice %arg4[%add3A_98, %dma_start3A_131] : memref<262144x128xf32, #tpu.memory_space<hbm>> -> memref<512x128xf32, #tpu.memory_space<hbm>>
      tpu.enqueue_dma source(%arg6 : memref<512x128xf32, #tpu.memory_space<vmem>>) target(%dma_start3A_132 : memref<512x128xf32, #tpu.memory_space<hbm>>) target_semaphore(%run_scoped3A : memref<!tpu.dma_semaphore, #tpu.memory_space<semaphore_mem>>)
      %dma_wait3A_133 = arith.constant 0 : i32
      %dma_wait3A_134 = tpu.memref_slice %arg4[%add3A_98, %dma_wait3A_133] : memref<262144x128xf32, #tpu.memory_space<hbm>> -> memref<512x128xf32, #tpu.memory_space<hbm>>
      %dma_wait3A_135 = arith.constant 0 : i32
      %dma_wait3A_136 = tpu.memref_slice %arg4[%add3A_98, %dma_wait3A_135] : memref<262144x128xf32, #tpu.memory_space<hbm>> -> memref<512x128xf32, #tpu.memory_space<hbm>>
      tpu.wait_dma2 semaphore(%run_scoped3A : memref<!tpu.dma_semaphore, #tpu.memory_space<semaphore_mem>>) src(%arg6 : memref<512x128xf32, #tpu.memory_space<vmem>>) dst(%dma_wait3A_136 : memref<512x128xf32, #tpu.memory_space<hbm>>)
      tpu.yield
    }) : () -> ()
    %add3A_105 = arith.constant 6656 : i32
    %add3A_106 = arith.addi %mul3A_2, %add3A_105 : i32
    "tpu.region"() ({
      %run_scoped3A = tpu.sem_alloc : memref<!tpu.dma_semaphore, #tpu.memory_space<semaphore_mem>>
      %dma_start3A_129 = tpu.memref_slice %arg3[%add3A_106] : memref<262144xi32, #tpu.memory_space<hbm>> -> memref<512xi32, #tpu.memory_space<hbm>>
      %dma_start3A_130 = tpu.memref_slice %arg3[%add3A_106] : memref<262144xi32, #tpu.memory_space<hbm>> -> memref<512xi32, #tpu.memory_space<hbm>>
      tpu.enqueue_dma source(%dma_start3A_130 : memref<512xi32, #tpu.memory_space<hbm>>) target(%arg5 : memref<512xi32, #tpu.memory_space<vmem>>) target_semaphore(%run_scoped3A : memref<!tpu.dma_semaphore, #tpu.memory_space<semaphore_mem>>)
      %dma_wait3A_131 = tpu.memref_slice %arg3[%add3A_106] : memref<262144xi32, #tpu.memory_space<hbm>> -> memref<512xi32, #tpu.memory_space<hbm>>
      %dma_wait3A_132 = tpu.memref_slice %arg3[%add3A_106] : memref<262144xi32, #tpu.memory_space<hbm>> -> memref<512xi32, #tpu.memory_space<hbm>>
      tpu.wait_dma2 semaphore(%run_scoped3A : memref<!tpu.dma_semaphore, #tpu.memory_space<semaphore_mem>>) src(%dma_wait3A_132 : memref<512xi32, #tpu.memory_space<hbm>>) dst(%arg5 : memref<512xi32, #tpu.memory_space<vmem>>)
      tpu.yield
    }) : () -> ()
    %dma_start3A_107 = arith.constant 0 : i32
    %dma_start3A_108 = arith.constant 0 : i32
    %dma_start3A_109 = tpu.memref_slice %arg2[%dma_start3A_107, %dma_start3A_108] : memref<65536x128xf32, #tpu.memory_space<hbm>> -> memref<65536x128xf32, #tpu.memory_space<hbm>>
    tpu.enqueue_indirect_dma source(%dma_start3A_109 : memref<65536x128xf32, #tpu.memory_space<hbm>>) target(%arg6 : memref<512x128xf32, #tpu.memory_space<vmem>>) offsets(%arg5 : memref<512xi32, #tpu.memory_space<vmem>>) semaphore(%arg7 : memref<!tpu.dma_semaphore, #tpu.memory_space<semaphore_mem>>)
    %dma_wait3A_110 = arith.constant 0 : i32
    %dma_wait3A_111 = arith.constant 0 : i32
    %dma_wait3A_112 = tpu.memref_slice %arg2[%dma_wait3A_110, %dma_wait3A_111] : memref<65536x128xf32, #tpu.memory_space<hbm>> -> memref<65536x128xf32, #tpu.memory_space<hbm>>
    tpu.wait_indirect_dma semaphore(%arg7 : memref<!tpu.dma_semaphore, #tpu.memory_space<semaphore_mem>>) src(%dma_wait3A_112 : memref<65536x128xf32, #tpu.memory_space<hbm>>) dst(%arg6 : memref<512x128xf32, #tpu.memory_space<vmem>>)
    "tpu.region"() ({
      %run_scoped3A = tpu.sem_alloc : memref<!tpu.dma_semaphore, #tpu.memory_space<semaphore_mem>>
      %dma_start3A_129 = arith.constant 0 : i32
      %dma_start3A_130 = tpu.memref_slice %arg4[%add3A_106, %dma_start3A_129] : memref<262144x128xf32, #tpu.memory_space<hbm>> -> memref<512x128xf32, #tpu.memory_space<hbm>>
      %dma_start3A_131 = arith.constant 0 : i32
      %dma_start3A_132 = tpu.memref_slice %arg4[%add3A_106, %dma_start3A_131] : memref<262144x128xf32, #tpu.memory_space<hbm>> -> memref<512x128xf32, #tpu.memory_space<hbm>>
      tpu.enqueue_dma source(%arg6 : memref<512x128xf32, #tpu.memory_space<vmem>>) target(%dma_start3A_132 : memref<512x128xf32, #tpu.memory_space<hbm>>) target_semaphore(%run_scoped3A : memref<!tpu.dma_semaphore, #tpu.memory_space<semaphore_mem>>)
      %dma_wait3A_133 = arith.constant 0 : i32
      %dma_wait3A_134 = tpu.memref_slice %arg4[%add3A_106, %dma_wait3A_133] : memref<262144x128xf32, #tpu.memory_space<hbm>> -> memref<512x128xf32, #tpu.memory_space<hbm>>
      %dma_wait3A_135 = arith.constant 0 : i32
      %dma_wait3A_136 = tpu.memref_slice %arg4[%add3A_106, %dma_wait3A_135] : memref<262144x128xf32, #tpu.memory_space<hbm>> -> memref<512x128xf32, #tpu.memory_space<hbm>>
      tpu.wait_dma2 semaphore(%run_scoped3A : memref<!tpu.dma_semaphore, #tpu.memory_space<semaphore_mem>>) src(%arg6 : memref<512x128xf32, #tpu.memory_space<vmem>>) dst(%dma_wait3A_136 : memref<512x128xf32, #tpu.memory_space<hbm>>)
      tpu.yield
    }) : () -> ()
    %add3A_113 = arith.constant 7168 : i32
    %add3A_114 = arith.addi %mul3A_2, %add3A_113 : i32
    "tpu.region"() ({
      %run_scoped3A = tpu.sem_alloc : memref<!tpu.dma_semaphore, #tpu.memory_space<semaphore_mem>>
      %dma_start3A_129 = tpu.memref_slice %arg3[%add3A_114] : memref<262144xi32, #tpu.memory_space<hbm>> -> memref<512xi32, #tpu.memory_space<hbm>>
      %dma_start3A_130 = tpu.memref_slice %arg3[%add3A_114] : memref<262144xi32, #tpu.memory_space<hbm>> -> memref<512xi32, #tpu.memory_space<hbm>>
      tpu.enqueue_dma source(%dma_start3A_130 : memref<512xi32, #tpu.memory_space<hbm>>) target(%arg5 : memref<512xi32, #tpu.memory_space<vmem>>) target_semaphore(%run_scoped3A : memref<!tpu.dma_semaphore, #tpu.memory_space<semaphore_mem>>)
      %dma_wait3A_131 = tpu.memref_slice %arg3[%add3A_114] : memref<262144xi32, #tpu.memory_space<hbm>> -> memref<512xi32, #tpu.memory_space<hbm>>
      %dma_wait3A_132 = tpu.memref_slice %arg3[%add3A_114] : memref<262144xi32, #tpu.memory_space<hbm>> -> memref<512xi32, #tpu.memory_space<hbm>>
      tpu.wait_dma2 semaphore(%run_scoped3A : memref<!tpu.dma_semaphore, #tpu.memory_space<semaphore_mem>>) src(%dma_wait3A_132 : memref<512xi32, #tpu.memory_space<hbm>>) dst(%arg5 : memref<512xi32, #tpu.memory_space<vmem>>)
      tpu.yield
    }) : () -> ()
    %dma_start3A_115 = arith.constant 0 : i32
    %dma_start3A_116 = arith.constant 0 : i32
    %dma_start3A_117 = tpu.memref_slice %arg2[%dma_start3A_115, %dma_start3A_116] : memref<65536x128xf32, #tpu.memory_space<hbm>> -> memref<65536x128xf32, #tpu.memory_space<hbm>>
    tpu.enqueue_indirect_dma source(%dma_start3A_117 : memref<65536x128xf32, #tpu.memory_space<hbm>>) target(%arg6 : memref<512x128xf32, #tpu.memory_space<vmem>>) offsets(%arg5 : memref<512xi32, #tpu.memory_space<vmem>>) semaphore(%arg7 : memref<!tpu.dma_semaphore, #tpu.memory_space<semaphore_mem>>)
    %dma_wait3A_118 = arith.constant 0 : i32
    %dma_wait3A_119 = arith.constant 0 : i32
    %dma_wait3A_120 = tpu.memref_slice %arg2[%dma_wait3A_118, %dma_wait3A_119] : memref<65536x128xf32, #tpu.memory_space<hbm>> -> memref<65536x128xf32, #tpu.memory_space<hbm>>
    tpu.wait_indirect_dma semaphore(%arg7 : memref<!tpu.dma_semaphore, #tpu.memory_space<semaphore_mem>>) src(%dma_wait3A_120 : memref<65536x128xf32, #tpu.memory_space<hbm>>) dst(%arg6 : memref<512x128xf32, #tpu.memory_space<vmem>>)
    "tpu.region"() ({
      %run_scoped3A = tpu.sem_alloc : memref<!tpu.dma_semaphore, #tpu.memory_space<semaphore_mem>>
      %dma_start3A_129 = arith.constant 0 : i32
      %dma_start3A_130 = tpu.memref_slice %arg4[%add3A_114, %dma_start3A_129] : memref<262144x128xf32, #tpu.memory_space<hbm>> -> memref<512x128xf32, #tpu.memory_space<hbm>>
      %dma_start3A_131 = arith.constant 0 : i32
      %dma_start3A_132 = tpu.memref_slice %arg4[%add3A_114, %dma_start3A_131] : memref<262144x128xf32, #tpu.memory_space<hbm>> -> memref<512x128xf32, #tpu.memory_space<hbm>>
      tpu.enqueue_dma source(%arg6 : memref<512x128xf32, #tpu.memory_space<vmem>>) target(%dma_start3A_132 : memref<512x128xf32, #tpu.memory_space<hbm>>) target_semaphore(%run_scoped3A : memref<!tpu.dma_semaphore, #tpu.memory_space<semaphore_mem>>)
      %dma_wait3A_133 = arith.constant 0 : i32
      %dma_wait3A_134 = tpu.memref_slice %arg4[%add3A_114, %dma_wait3A_133] : memref<262144x128xf32, #tpu.memory_space<hbm>> -> memref<512x128xf32, #tpu.memory_space<hbm>>
      %dma_wait3A_135 = arith.constant 0 : i32
      %dma_wait3A_136 = tpu.memref_slice %arg4[%add3A_114, %dma_wait3A_135] : memref<262144x128xf32, #tpu.memory_space<hbm>> -> memref<512x128xf32, #tpu.memory_space<hbm>>
      tpu.wait_dma2 semaphore(%run_scoped3A : memref<!tpu.dma_semaphore, #tpu.memory_space<semaphore_mem>>) src(%arg6 : memref<512x128xf32, #tpu.memory_space<vmem>>) dst(%dma_wait3A_136 : memref<512x128xf32, #tpu.memory_space<hbm>>)
      tpu.yield
    }) : () -> ()
    %add3A_121 = arith.constant 7680 : i32
    %add3A_122 = arith.addi %mul3A_2, %add3A_121 : i32
    "tpu.region"() ({
      %run_scoped3A = tpu.sem_alloc : memref<!tpu.dma_semaphore, #tpu.memory_space<semaphore_mem>>
      %dma_start3A_129 = tpu.memref_slice %arg3[%add3A_122] : memref<262144xi32, #tpu.memory_space<hbm>> -> memref<512xi32, #tpu.memory_space<hbm>>
      %dma_start3A_130 = tpu.memref_slice %arg3[%add3A_122] : memref<262144xi32, #tpu.memory_space<hbm>> -> memref<512xi32, #tpu.memory_space<hbm>>
      tpu.enqueue_dma source(%dma_start3A_130 : memref<512xi32, #tpu.memory_space<hbm>>) target(%arg5 : memref<512xi32, #tpu.memory_space<vmem>>) target_semaphore(%run_scoped3A : memref<!tpu.dma_semaphore, #tpu.memory_space<semaphore_mem>>)
      %dma_wait3A_131 = tpu.memref_slice %arg3[%add3A_122] : memref<262144xi32, #tpu.memory_space<hbm>> -> memref<512xi32, #tpu.memory_space<hbm>>
      %dma_wait3A_132 = tpu.memref_slice %arg3[%add3A_122] : memref<262144xi32, #tpu.memory_space<hbm>> -> memref<512xi32, #tpu.memory_space<hbm>>
      tpu.wait_dma2 semaphore(%run_scoped3A : memref<!tpu.dma_semaphore, #tpu.memory_space<semaphore_mem>>) src(%dma_wait3A_132 : memref<512xi32, #tpu.memory_space<hbm>>) dst(%arg5 : memref<512xi32, #tpu.memory_space<vmem>>)
      tpu.yield
    }) : () -> ()
    %dma_start3A_123 = arith.constant 0 : i32
    %dma_start3A_124 = arith.constant 0 : i32
    %dma_start3A_125 = tpu.memref_slice %arg2[%dma_start3A_123, %dma_start3A_124] : memref<65536x128xf32, #tpu.memory_space<hbm>> -> memref<65536x128xf32, #tpu.memory_space<hbm>>
    tpu.enqueue_indirect_dma source(%dma_start3A_125 : memref<65536x128xf32, #tpu.memory_space<hbm>>) target(%arg6 : memref<512x128xf32, #tpu.memory_space<vmem>>) offsets(%arg5 : memref<512xi32, #tpu.memory_space<vmem>>) semaphore(%arg7 : memref<!tpu.dma_semaphore, #tpu.memory_space<semaphore_mem>>)
    %dma_wait3A_126 = arith.constant 0 : i32
    %dma_wait3A_127 = arith.constant 0 : i32
    %dma_wait3A_128 = tpu.memref_slice %arg2[%dma_wait3A_126, %dma_wait3A_127] : memref<65536x128xf32, #tpu.memory_space<hbm>> -> memref<65536x128xf32, #tpu.memory_space<hbm>>
    tpu.wait_indirect_dma semaphore(%arg7 : memref<!tpu.dma_semaphore, #tpu.memory_space<semaphore_mem>>) src(%dma_wait3A_128 : memref<65536x128xf32, #tpu.memory_space<hbm>>) dst(%arg6 : memref<512x128xf32, #tpu.memory_space<vmem>>)
    "tpu.region"() ({
      %run_scoped3A = tpu.sem_alloc : memref<!tpu.dma_semaphore, #tpu.memory_space<semaphore_mem>>
      %dma_start3A_129 = arith.constant 0 : i32
      %dma_start3A_130 = tpu.memref_slice %arg4[%add3A_122, %dma_start3A_129] : memref<262144x128xf32, #tpu.memory_space<hbm>> -> memref<512x128xf32, #tpu.memory_space<hbm>>
      %dma_start3A_131 = arith.constant 0 : i32
      %dma_start3A_132 = tpu.memref_slice %arg4[%add3A_122, %dma_start3A_131] : memref<262144x128xf32, #tpu.memory_space<hbm>> -> memref<512x128xf32, #tpu.memory_space<hbm>>
      tpu.enqueue_dma source(%arg6 : memref<512x128xf32, #tpu.memory_space<vmem>>) target(%dma_start3A_132 : memref<512x128xf32, #tpu.memory_space<hbm>>) target_semaphore(%run_scoped3A : memref<!tpu.dma_semaphore, #tpu.memory_space<semaphore_mem>>)
      %dma_wait3A_133 = arith.constant 0 : i32
      %dma_wait3A_134 = tpu.memref_slice %arg4[%add3A_122, %dma_wait3A_133] : memref<262144x128xf32, #tpu.memory_space<hbm>> -> memref<512x128xf32, #tpu.memory_space<hbm>>
      %dma_wait3A_135 = arith.constant 0 : i32
      %dma_wait3A_136 = tpu.memref_slice %arg4[%add3A_122, %dma_wait3A_135] : memref<262144x128xf32, #tpu.memory_space<hbm>> -> memref<512x128xf32, #tpu.memory_space<hbm>>
      tpu.wait_dma2 semaphore(%run_scoped3A : memref<!tpu.dma_semaphore, #tpu.memory_space<semaphore_mem>>) src(%arg6 : memref<512x128xf32, #tpu.memory_space<vmem>>) dst(%dma_wait3A_136 : memref<512x128xf32, #tpu.memory_space<hbm>>)
      tpu.yield
    }) : () -> ()
    return
  }
}

module attributes {stable_mosaic.version = 14 : i64} {
  func.func @_attn_kernel(%arg0: i32, %arg1: i32, %arg2: memref<1x1x2048x128xf32, #tpu.memory_space<vmem>>, %arg3: memref<1x1x32x64xi32, #tpu.memory_space<vmem>>, %arg4: memref<1x1x32x64xi32, #tpu.memory_space<vmem>>, %arg5: memref<1x1x128x64xi32, #tpu.memory_space<vmem>>, %arg6: memref<1x1x2048x128xf32, #tpu.memory_space<vmem>>) attributes {dimension_semantics = [#tpu.dimension_semantics<arbitrary>, #tpu.dimension_semantics<arbitrary>], iteration_bounds = array<i64: 32, 4>, scalar_prefetch = 0 : i64, scratch_operands = 0 : i64, tpu.core_type = #tpu.core_type<tc>, window_params = [{transform_indices = @transform_0, window_bounds = array<i64: 1, 1, 2048, 128>}, {transform_indices = @transform_1, window_bounds = array<i64: 1, 1, 32, 64>}, {transform_indices = @transform_2, window_bounds = array<i64: 1, 1, 32, 64>}, {transform_indices = @transform_3, window_bounds = array<i64: 1, 1, 128, 64>}, {transform_indices = @transform_4, window_bounds = array<i64: 1, 1, 2048, 128>}]} {
    %get3A = arith.constant 0 : index
    %get3A_0 = arith.constant 0 : index
    %get3A_1 = arith.constant 0 : index
    %get3A_2 = arith.constant 0 : index
    %get3A_3 = vector.load %arg2[%get3A, %get3A_0, %get3A_1, %get3A_2] : memref<1x1x2048x128xf32, #tpu.memory_space<vmem>>, vector<1x1x2048x128xf32>
    %get3A_4 = vector.shape_cast %get3A_3 : vector<1x1x2048x128xf32> to vector<2048x128xf32>
    %slice3A = vector.extract_strided_slice %get3A_4 {offsets = [0, 0], sizes = [2048, 64], strides = [1, 1]} : vector<2048x128xf32> to vector<2048x64xf32>
    %slice3A_5 = vector.extract_strided_slice %get3A_4 {offsets = [0, 64], sizes = [2048, 64], strides = [1, 1]} : vector<2048x128xf32> to vector<2048x64xf32>
    %mul3A = arith.mulf %slice3A, %slice3A : vector<2048x64xf32>
    %reduce_sum3A = arith.constant dense<0.000000e+00> : vector<2048xf32>
    %reduce_sum3A_6 = vector.multi_reduction <add>, %mul3A, %reduce_sum3A [1] : vector<2048x64xf32> to vector<2048xf32>
    %broadcast_in_dim3A = vector.shape_cast %reduce_sum3A_6 : vector<2048xf32> to vector<2048x1xf32>
    %sqrt3A = math.sqrt %broadcast_in_dim3A : vector<2048x1xf32>
    %max3A = arith.constant 9.99999996E-13 : f32
    %max3A_7 = vector.broadcast %max3A : f32 to vector<2048x1xf32>
    %max3A_8 = arith.maximumf %sqrt3A, %max3A_7 : vector<2048x1xf32>
    %div3A = vector.broadcast %max3A_8 : vector<2048x1xf32> to vector<2048x64xf32>
    %div3A_9 = arith.divf %slice3A, %div3A : vector<2048x64xf32>
    %reshape3A = vector.shape_cast %slice3A : vector<2048x64xf32> to vector<32x64x64xf32>
    %reshape3A_10 = vector.shape_cast %slice3A_5 : vector<2048x64xf32> to vector<32x64x64xf32>
    %reshape3A_11 = vector.shape_cast %div3A_9 : vector<2048x64xf32> to vector<32x64x64xf32>
    %slice3A_12 = vector.extract_strided_slice %reshape3A_11 {offsets = [31, 0, 0], sizes = [1, 64, 64], strides = [1, 1, 1]} : vector<32x64x64xf32> to vector<1x64x64xf32>
    %slice3A_13 = vector.extract_strided_slice %reshape3A_11 {offsets = [0, 0, 0], sizes = [31, 64, 64], strides = [1, 1, 1]} : vector<32x64x64xf32> to vector<31x64x64xf32>
    %concatenate3A = tpu.concatenate %slice3A_12, %slice3A_13 in 0 : vector<1x64x64xf32>, vector<31x64x64xf32> -> vector<32x64x64xf32>
    %concatenate3A_14 = tpu.concatenate %concatenate3A, %reshape3A_11 in 1 : vector<32x64x64xf32>, vector<32x64x64xf32> -> vector<32x128x64xf32>
    %slice3A_15 = vector.extract_strided_slice %reshape3A_10 {offsets = [31, 0, 0], sizes = [1, 64, 64], strides = [1, 1, 1]} : vector<32x64x64xf32> to vector<1x64x64xf32>
    %slice3A_16 = vector.extract_strided_slice %reshape3A_10 {offsets = [0, 0, 0], sizes = [31, 64, 64], strides = [1, 1, 1]} : vector<32x64x64xf32> to vector<31x64x64xf32>
    %concatenate3A_17 = tpu.concatenate %slice3A_15, %slice3A_16 in 0 : vector<1x64x64xf32>, vector<31x64x64xf32> -> vector<32x64x64xf32>
    %concatenate3A_18 = tpu.concatenate %concatenate3A_17, %reshape3A_10 in 1 : vector<32x64x64xf32>, vector<32x64x64xf32> -> vector<32x128x64xf32>
    %dot_general3A = arith.constant dense<0.000000e+00> : vector<32x64x128xf32>
    %dot_general3A_19 = tpu.matmul %reshape3A, %concatenate3A_14, %dot_general3A {dimension_numbers = #tpu.dot_dimension_numbers<[2], [2], [1], [1], [0, 0, 0, 1, 1, 1], [0], [0]>, transpose_lhs_hint = false} : vector<32x64x64xf32>, vector<32x128x64xf32>, vector<32x64x128xf32> -> vector<32x64x128xf32>
    %mul3A_20 = arith.constant 1.250000e-01 : f32
    %mul3A_21 = vector.broadcast %mul3A_20 : f32 to vector<32x64x128xf32>
    %mul3A_22 = arith.mulf %dot_general3A_19, %mul3A_21 : vector<32x64x128xf32>
    %get3A_23 = arith.constant 0 : index
    %get3A_24 = arith.constant 0 : index
    %get3A_25 = arith.constant 0 : index
    %get3A_26 = arith.constant 0 : index
    %get3A_27 = vector.load %arg4[%get3A_23, %get3A_24, %get3A_25, %get3A_26] : memref<1x1x32x64xi32, #tpu.memory_space<vmem>>, vector<1x1x32x64xi32>
    %get3A_28 = vector.shape_cast %get3A_27 : vector<1x1x32x64xi32> to vector<32x64xi32>
    %get3A_29 = arith.constant 0 : index
    %get3A_30 = arith.constant 0 : index
    %get3A_31 = arith.constant 0 : index
    %get3A_32 = arith.constant 0 : index
    %get3A_33 = vector.load %arg3[%get3A_29, %get3A_30, %get3A_31, %get3A_32] : memref<1x1x32x64xi32, #tpu.memory_space<vmem>>, vector<1x1x32x64xi32>
    %get3A_34 = vector.shape_cast %get3A_33 : vector<1x1x32x64xi32> to vector<32x64xi32>
    %slice3A_35 = vector.extract_strided_slice %get3A_28 {offsets = [31, 0], sizes = [1, 64], strides = [1, 1]} : vector<32x64xi32> to vector<1x64xi32>
    %slice3A_36 = vector.extract_strided_slice %get3A_28 {offsets = [0, 0], sizes = [31, 64], strides = [1, 1]} : vector<32x64xi32> to vector<31x64xi32>
    %concatenate3A_37 = tpu.concatenate %slice3A_35, %slice3A_36 in 0 : vector<1x64xi32>, vector<31x64xi32> -> vector<32x64xi32>
    %concatenate3A_38 = tpu.concatenate %concatenate3A_37, %get3A_28 in 1 : vector<32x64xi32>, vector<32x64xi32> -> vector<32x128xi32>
    %slice3A_39 = vector.extract_strided_slice %get3A_34 {offsets = [31, 0], sizes = [1, 64], strides = [1, 1]} : vector<32x64xi32> to vector<1x64xi32>
    %slice3A_40 = vector.extract_strided_slice %get3A_34 {offsets = [0, 0], sizes = [31, 64], strides = [1, 1]} : vector<32x64xi32> to vector<31x64xi32>
    %concatenate3A_41 = tpu.concatenate %slice3A_39, %slice3A_40 in 0 : vector<1x64xi32>, vector<31x64xi32> -> vector<32x64xi32>
    %concatenate3A_42 = tpu.concatenate %concatenate3A_41, %get3A_34 in 1 : vector<32x64xi32>, vector<32x64xi32> -> vector<32x128xi32>
    %broadcast_in_dim3A_43 = vector.shape_cast %get3A_28 : vector<32x64xi32> to vector<32x64x1xi32>
    %broadcast_in_dim3A_44 = vector.shape_cast %concatenate3A_38 : vector<32x128xi32> to vector<32x1x128xi32>
    %ne3A = vector.broadcast %broadcast_in_dim3A_43 : vector<32x64x1xi32> to vector<32x64x128xi32>
    %ne3A_45 = vector.broadcast %broadcast_in_dim3A_44 : vector<32x1x128xi32> to vector<32x64x128xi32>
    %ne3A_46 = arith.cmpi ne, %ne3A, %ne3A_45 : vector<32x64x128xi32>
    %jit3A = arith.constant -1.000000e+09 : f32
    %broadcast_in_dim3A_47 = vector.broadcast %jit3A : f32 to vector<32x64x128xf32>
    %select_n3A = arith.select %ne3A_46, %broadcast_in_dim3A_47, %mul3A_22 : vector<32x64x128xi1>, vector<32x64x128xf32>
    %broadcast_in_dim3A_48 = vector.shape_cast %get3A_34 : vector<32x64xi32> to vector<32x64x1xi32>
    %broadcast_in_dim3A_49 = vector.shape_cast %concatenate3A_42 : vector<32x128xi32> to vector<32x1x128xi32>
    %lt3A = vector.broadcast %broadcast_in_dim3A_48 : vector<32x64x1xi32> to vector<32x64x128xi32>
    %lt3A_50 = vector.broadcast %broadcast_in_dim3A_49 : vector<32x1x128xi32> to vector<32x64x128xi32>
    %lt3A_51 = arith.cmpi slt, %lt3A, %lt3A_50 : vector<32x64x128xi32>
    %jit3A_52 = arith.constant -1.000000e+09 : f32
    %broadcast_in_dim3A_53 = vector.broadcast %jit3A_52 : f32 to vector<32x64x128xf32>
    %select_n3A_54 = arith.select %lt3A_51, %broadcast_in_dim3A_53, %select_n3A : vector<32x64x128xi1>, vector<32x64x128xf32>
    %broadcast_in_dim3A_55 = vector.shape_cast %get3A_34 : vector<32x64xi32> to vector<32x64x1xi32>
    %broadcast_in_dim3A_56 = vector.shape_cast %concatenate3A_42 : vector<32x128xi32> to vector<32x1x128xi32>
    %eq3A = vector.broadcast %broadcast_in_dim3A_55 : vector<32x64x1xi32> to vector<32x64x128xi32>
    %eq3A_57 = vector.broadcast %broadcast_in_dim3A_56 : vector<32x1x128xi32> to vector<32x64x128xi32>
    %eq3A_58 = arith.cmpi eq, %eq3A, %eq3A_57 : vector<32x64x128xi32>
    %jit3A_59 = arith.constant -1.000000e+05 : f32
    %broadcast_in_dim3A_60 = vector.broadcast %jit3A_59 : f32 to vector<32x64x128xf32>
    %select_n3A_61 = arith.select %eq3A_58, %broadcast_in_dim3A_60, %select_n3A_54 : vector<32x64x128xi1>, vector<32x64x128xf32>
    %broadcast_in_dim3A_62 = arith.constant 0.000000e+00 : f32
    %broadcast_in_dim3A_63 = vector.broadcast %broadcast_in_dim3A_62 : f32 to vector<32x64x128xf32>
    %get3A_64 = arith.constant 0 : index
    %get3A_65 = arith.constant 0 : index
    %get3A_66 = arith.constant 0 : index
    %get3A_67 = arith.constant 0 : index
    %get3A_68 = vector.load %arg5[%get3A_64, %get3A_65, %get3A_66, %get3A_67] : memref<1x1x128x64xi32, #tpu.memory_space<vmem>>, vector<1x1x32x64xi32>
    %get3A_69 = vector.shape_cast %get3A_68 : vector<1x1x32x64xi32> to vector<32x64xi32>
    %slice3A_70 = vector.extract_strided_slice %get3A_69 {offsets = [31, 0], sizes = [1, 64], strides = [1, 1]} : vector<32x64xi32> to vector<1x64xi32>
    %slice3A_71 = vector.extract_strided_slice %get3A_69 {offsets = [0, 0], sizes = [31, 64], strides = [1, 1]} : vector<32x64xi32> to vector<31x64xi32>
    %concatenate3A_72 = tpu.concatenate %slice3A_70, %slice3A_71 in 0 : vector<1x64xi32>, vector<31x64xi32> -> vector<32x64xi32>
    %concatenate3A_73 = tpu.concatenate %concatenate3A_72, %get3A_69 in 1 : vector<32x64xi32>, vector<32x64xi32> -> vector<32x128xi32>
    %eq3A_74 = arith.constant 0 : i32
    %eq3A_75 = vector.broadcast %eq3A_74 : i32 to vector<32x64xi32>
    %eq3A_76 = arith.cmpi eq, %get3A_69, %eq3A_75 : vector<32x64xi32>
    %sub3A = arith.constant 1 : i32
    %sub3A_77 = vector.broadcast %sub3A : i32 to vector<32x64xi32>
    %sub3A_78 = arith.subi %get3A_69, %sub3A_77 : vector<32x64xi32>
    %jit3A_79 = arith.constant 31 : i32
    %broadcast_in_dim3A_80 = vector.broadcast %jit3A_79 : i32 to vector<32x64xi32>
    %select_n3A_81 = arith.select %eq3A_76, %broadcast_in_dim3A_80, %sub3A_78 : vector<32x64xi1>, vector<32x64xi32>
    %broadcast_in_dim3A_82 = vector.shape_cast %concatenate3A_73 : vector<32x128xi32> to vector<32x1x128xi32>
    %broadcast_in_dim3A_83 = vector.shape_cast %get3A_69 : vector<32x64xi32> to vector<32x64x1xi32>
    %eq3A_84 = vector.broadcast %broadcast_in_dim3A_82 : vector<32x1x128xi32> to vector<32x64x128xi32>
    %eq3A_85 = vector.broadcast %broadcast_in_dim3A_83 : vector<32x64x1xi32> to vector<32x64x128xi32>
    %eq3A_86 = arith.cmpi eq, %eq3A_84, %eq3A_85 : vector<32x64x128xi32>
    %broadcast_in_dim3A_87 = vector.shape_cast %concatenate3A_73 : vector<32x128xi32> to vector<32x1x128xi32>
    %broadcast_in_dim3A_88 = vector.shape_cast %select_n3A_81 : vector<32x64xi32> to vector<32x64x1xi32>
    %eq3A_89 = vector.broadcast %broadcast_in_dim3A_87 : vector<32x1x128xi32> to vector<32x64x128xi32>
    %eq3A_90 = vector.broadcast %broadcast_in_dim3A_88 : vector<32x64x1xi32> to vector<32x64x128xi32>
    %eq3A_91 = arith.cmpi eq, %eq3A_89, %eq3A_90 : vector<32x64x128xi32>
    %or3A = arith.ori %eq3A_86, %eq3A_91 : vector<32x64x128xi1>
    %convert_element_type3A = arith.extui %or3A : vector<32x64x128xi1> to vector<32x64x128xi32>
    %convert_element_type3A_92 = arith.sitofp %convert_element_type3A : vector<32x64x128xi32> to vector<32x64x128xf32>
    %add3A = arith.addf %broadcast_in_dim3A_63, %convert_element_type3A_92 : vector<32x64x128xf32>
    %get3A_93 = arith.constant 0 : index
    %get3A_94 = arith.constant 0 : index
    %get3A_95 = arith.constant 32 : index
    %get3A_96 = arith.constant 0 : index
    %get3A_97 = vector.load %arg5[%get3A_93, %get3A_94, %get3A_95, %get3A_96] : memref<1x1x128x64xi32, #tpu.memory_space<vmem>>, vector<1x1x32x64xi32>
    %get3A_98 = vector.shape_cast %get3A_97 : vector<1x1x32x64xi32> to vector<32x64xi32>
    %slice3A_99 = vector.extract_strided_slice %get3A_98 {offsets = [31, 0], sizes = [1, 64], strides = [1, 1]} : vector<32x64xi32> to vector<1x64xi32>
    %slice3A_100 = vector.extract_strided_slice %get3A_98 {offsets = [0, 0], sizes = [31, 64], strides = [1, 1]} : vector<32x64xi32> to vector<31x64xi32>
    %concatenate3A_101 = tpu.concatenate %slice3A_99, %slice3A_100 in 0 : vector<1x64xi32>, vector<31x64xi32> -> vector<32x64xi32>
    %concatenate3A_102 = tpu.concatenate %concatenate3A_101, %get3A_98 in 1 : vector<32x64xi32>, vector<32x64xi32> -> vector<32x128xi32>
    %eq3A_103 = arith.constant 0 : i32
    %eq3A_104 = vector.broadcast %eq3A_103 : i32 to vector<32x64xi32>
    %eq3A_105 = arith.cmpi eq, %get3A_98, %eq3A_104 : vector<32x64xi32>
    %sub3A_106 = arith.constant 1 : i32
    %sub3A_107 = vector.broadcast %sub3A_106 : i32 to vector<32x64xi32>
    %sub3A_108 = arith.subi %get3A_98, %sub3A_107 : vector<32x64xi32>
    %jit3A_109 = arith.constant 31 : i32
    %broadcast_in_dim3A_110 = vector.broadcast %jit3A_109 : i32 to vector<32x64xi32>
    %select_n3A_111 = arith.select %eq3A_105, %broadcast_in_dim3A_110, %sub3A_108 : vector<32x64xi1>, vector<32x64xi32>
    %broadcast_in_dim3A_112 = vector.shape_cast %concatenate3A_102 : vector<32x128xi32> to vector<32x1x128xi32>
    %broadcast_in_dim3A_113 = vector.shape_cast %get3A_98 : vector<32x64xi32> to vector<32x64x1xi32>
    %eq3A_114 = vector.broadcast %broadcast_in_dim3A_112 : vector<32x1x128xi32> to vector<32x64x128xi32>
    %eq3A_115 = vector.broadcast %broadcast_in_dim3A_113 : vector<32x64x1xi32> to vector<32x64x128xi32>
    %eq3A_116 = arith.cmpi eq, %eq3A_114, %eq3A_115 : vector<32x64x128xi32>
    %broadcast_in_dim3A_117 = vector.shape_cast %concatenate3A_102 : vector<32x128xi32> to vector<32x1x128xi32>
    %broadcast_in_dim3A_118 = vector.shape_cast %select_n3A_111 : vector<32x64xi32> to vector<32x64x1xi32>
    %eq3A_119 = vector.broadcast %broadcast_in_dim3A_117 : vector<32x1x128xi32> to vector<32x64x128xi32>
    %eq3A_120 = vector.broadcast %broadcast_in_dim3A_118 : vector<32x64x1xi32> to vector<32x64x128xi32>
    %eq3A_121 = arith.cmpi eq, %eq3A_119, %eq3A_120 : vector<32x64x128xi32>
    %or3A_122 = arith.ori %eq3A_116, %eq3A_121 : vector<32x64x128xi1>
    %convert_element_type3A_123 = arith.extui %or3A_122 : vector<32x64x128xi1> to vector<32x64x128xi32>
    %convert_element_type3A_124 = arith.sitofp %convert_element_type3A_123 : vector<32x64x128xi32> to vector<32x64x128xf32>
    %add3A_125 = arith.addf %add3A, %convert_element_type3A_124 : vector<32x64x128xf32>
    %get3A_126 = arith.constant 0 : index
    %get3A_127 = arith.constant 0 : index
    %get3A_128 = arith.constant 64 : index
    %get3A_129 = arith.constant 0 : index
    %get3A_130 = vector.load %arg5[%get3A_126, %get3A_127, %get3A_128, %get3A_129] : memref<1x1x128x64xi32, #tpu.memory_space<vmem>>, vector<1x1x32x64xi32>
    %get3A_131 = vector.shape_cast %get3A_130 : vector<1x1x32x64xi32> to vector<32x64xi32>
    %slice3A_132 = vector.extract_strided_slice %get3A_131 {offsets = [31, 0], sizes = [1, 64], strides = [1, 1]} : vector<32x64xi32> to vector<1x64xi32>
    %slice3A_133 = vector.extract_strided_slice %get3A_131 {offsets = [0, 0], sizes = [31, 64], strides = [1, 1]} : vector<32x64xi32> to vector<31x64xi32>
    %concatenate3A_134 = tpu.concatenate %slice3A_132, %slice3A_133 in 0 : vector<1x64xi32>, vector<31x64xi32> -> vector<32x64xi32>
    %concatenate3A_135 = tpu.concatenate %concatenate3A_134, %get3A_131 in 1 : vector<32x64xi32>, vector<32x64xi32> -> vector<32x128xi32>
    %eq3A_136 = arith.constant 0 : i32
    %eq3A_137 = vector.broadcast %eq3A_136 : i32 to vector<32x64xi32>
    %eq3A_138 = arith.cmpi eq, %get3A_131, %eq3A_137 : vector<32x64xi32>
    %sub3A_139 = arith.constant 1 : i32
    %sub3A_140 = vector.broadcast %sub3A_139 : i32 to vector<32x64xi32>
    %sub3A_141 = arith.subi %get3A_131, %sub3A_140 : vector<32x64xi32>
    %jit3A_142 = arith.constant 31 : i32
    %broadcast_in_dim3A_143 = vector.broadcast %jit3A_142 : i32 to vector<32x64xi32>
    %select_n3A_144 = arith.select %eq3A_138, %broadcast_in_dim3A_143, %sub3A_141 : vector<32x64xi1>, vector<32x64xi32>
    %broadcast_in_dim3A_145 = vector.shape_cast %concatenate3A_135 : vector<32x128xi32> to vector<32x1x128xi32>
    %broadcast_in_dim3A_146 = vector.shape_cast %get3A_131 : vector<32x64xi32> to vector<32x64x1xi32>
    %eq3A_147 = vector.broadcast %broadcast_in_dim3A_145 : vector<32x1x128xi32> to vector<32x64x128xi32>
    %eq3A_148 = vector.broadcast %broadcast_in_dim3A_146 : vector<32x64x1xi32> to vector<32x64x128xi32>
    %eq3A_149 = arith.cmpi eq, %eq3A_147, %eq3A_148 : vector<32x64x128xi32>
    %broadcast_in_dim3A_150 = vector.shape_cast %concatenate3A_135 : vector<32x128xi32> to vector<32x1x128xi32>
    %broadcast_in_dim3A_151 = vector.shape_cast %select_n3A_144 : vector<32x64xi32> to vector<32x64x1xi32>
    %eq3A_152 = vector.broadcast %broadcast_in_dim3A_150 : vector<32x1x128xi32> to vector<32x64x128xi32>
    %eq3A_153 = vector.broadcast %broadcast_in_dim3A_151 : vector<32x64x1xi32> to vector<32x64x128xi32>
    %eq3A_154 = arith.cmpi eq, %eq3A_152, %eq3A_153 : vector<32x64x128xi32>
    %or3A_155 = arith.ori %eq3A_149, %eq3A_154 : vector<32x64x128xi1>
    %convert_element_type3A_156 = arith.extui %or3A_155 : vector<32x64x128xi1> to vector<32x64x128xi32>
    %convert_element_type3A_157 = arith.sitofp %convert_element_type3A_156 : vector<32x64x128xi32> to vector<32x64x128xf32>
    %add3A_158 = arith.addf %add3A_125, %convert_element_type3A_157 : vector<32x64x128xf32>
    %get3A_159 = arith.constant 0 : index
    %get3A_160 = arith.constant 0 : index
    %get3A_161 = arith.constant 96 : index
    %get3A_162 = arith.constant 0 : index
    %get3A_163 = vector.load %arg5[%get3A_159, %get3A_160, %get3A_161, %get3A_162] : memref<1x1x128x64xi32, #tpu.memory_space<vmem>>, vector<1x1x32x64xi32>
    %get3A_164 = vector.shape_cast %get3A_163 : vector<1x1x32x64xi32> to vector<32x64xi32>
    %slice3A_165 = vector.extract_strided_slice %get3A_164 {offsets = [31, 0], sizes = [1, 64], strides = [1, 1]} : vector<32x64xi32> to vector<1x64xi32>
    %slice3A_166 = vector.extract_strided_slice %get3A_164 {offsets = [0, 0], sizes = [31, 64], strides = [1, 1]} : vector<32x64xi32> to vector<31x64xi32>
    %concatenate3A_167 = tpu.concatenate %slice3A_165, %slice3A_166 in 0 : vector<1x64xi32>, vector<31x64xi32> -> vector<32x64xi32>
    %concatenate3A_168 = tpu.concatenate %concatenate3A_167, %get3A_164 in 1 : vector<32x64xi32>, vector<32x64xi32> -> vector<32x128xi32>
    %eq3A_169 = arith.constant 0 : i32
    %eq3A_170 = vector.broadcast %eq3A_169 : i32 to vector<32x64xi32>
    %eq3A_171 = arith.cmpi eq, %get3A_164, %eq3A_170 : vector<32x64xi32>
    %sub3A_172 = arith.constant 1 : i32
    %sub3A_173 = vector.broadcast %sub3A_172 : i32 to vector<32x64xi32>
    %sub3A_174 = arith.subi %get3A_164, %sub3A_173 : vector<32x64xi32>
    %jit3A_175 = arith.constant 31 : i32
    %broadcast_in_dim3A_176 = vector.broadcast %jit3A_175 : i32 to vector<32x64xi32>
    %select_n3A_177 = arith.select %eq3A_171, %broadcast_in_dim3A_176, %sub3A_174 : vector<32x64xi1>, vector<32x64xi32>
    %broadcast_in_dim3A_178 = vector.shape_cast %concatenate3A_168 : vector<32x128xi32> to vector<32x1x128xi32>
    %broadcast_in_dim3A_179 = vector.shape_cast %get3A_164 : vector<32x64xi32> to vector<32x64x1xi32>
    %eq3A_180 = vector.broadcast %broadcast_in_dim3A_178 : vector<32x1x128xi32> to vector<32x64x128xi32>
    %eq3A_181 = vector.broadcast %broadcast_in_dim3A_179 : vector<32x64x1xi32> to vector<32x64x128xi32>
    %eq3A_182 = arith.cmpi eq, %eq3A_180, %eq3A_181 : vector<32x64x128xi32>
    %broadcast_in_dim3A_183 = vector.shape_cast %concatenate3A_168 : vector<32x128xi32> to vector<32x1x128xi32>
    %broadcast_in_dim3A_184 = vector.shape_cast %select_n3A_177 : vector<32x64xi32> to vector<32x64x1xi32>
    %eq3A_185 = vector.broadcast %broadcast_in_dim3A_183 : vector<32x1x128xi32> to vector<32x64x128xi32>
    %eq3A_186 = vector.broadcast %broadcast_in_dim3A_184 : vector<32x64x1xi32> to vector<32x64x128xi32>
    %eq3A_187 = arith.cmpi eq, %eq3A_185, %eq3A_186 : vector<32x64x128xi32>
    %or3A_188 = arith.ori %eq3A_182, %eq3A_187 : vector<32x64x128xi1>
    %convert_element_type3A_189 = arith.extui %or3A_188 : vector<32x64x128xi1> to vector<32x64x128xi32>
    %convert_element_type3A_190 = arith.sitofp %convert_element_type3A_189 : vector<32x64x128xi32> to vector<32x64x128xf32>
    %add3A_191 = arith.addf %add3A_158, %convert_element_type3A_190 : vector<32x64x128xf32>
    %reduce_max3A = arith.constant dense<0xFF800000> : vector<32x64xf32>
    %reduce_max3A_192 = vector.multi_reduction <maximumf>, %select_n3A_61, %reduce_max3A [2] : vector<32x64x128xf32> to vector<32x64xf32>
    %broadcast_in_dim3A_193 = vector.shape_cast %reduce_max3A_192 : vector<32x64xf32> to vector<32x64x1xf32>
    %sub3A_194 = vector.broadcast %broadcast_in_dim3A_193 : vector<32x64x1xf32> to vector<32x64x128xf32>
    %sub3A_195 = arith.subf %select_n3A_61, %sub3A_194 : vector<32x64x128xf32>
    %exp3A = math.exp %sub3A_195 : vector<32x64x128xf32>
    %reduce_sum3A_196 = arith.constant dense<0.000000e+00> : vector<32x64xf32>
    %reduce_sum3A_197 = vector.multi_reduction <add>, %exp3A, %reduce_sum3A_196 [2] : vector<32x64x128xf32> to vector<32x64xf32>
    %log3A = math.log %reduce_sum3A_197 : vector<32x64xf32>
    %add3A_198 = arith.addf %reduce_max3A_192, %log3A : vector<32x64xf32>
    %broadcast_in_dim3A_199 = vector.shape_cast %reduce_sum3A_197 : vector<32x64xf32> to vector<32x64x1xf32>
    %mul3A_200 = vector.broadcast %broadcast_in_dim3A_199 : vector<32x64x1xf32> to vector<32x64x128xf32>
    %mul3A_201 = arith.mulf %mul3A_200, %add3A_191 : vector<32x64x128xf32>
    %div3A_202 = arith.divf %exp3A, %mul3A_201 : vector<32x64x128xf32>
    %dot_general3A_203 = arith.constant dense<0.000000e+00> : vector<32x64x64xf32>
    %dot_general3A_204 = tpu.matmul %div3A_202, %concatenate3A_18, %dot_general3A_203 {dimension_numbers = #tpu.dot_dimension_numbers<[2], [1], [1], [2], [0, 0, 0, 1, 1, 2], [0], [0]>, transpose_lhs_hint = false} : vector<32x64x128xf32>, vector<32x128x64xf32>, vector<32x64x64xf32> -> vector<32x64x64xf32>
    %reduce_max3A_205 = vector.shape_cast %add3A_198 : vector<32x64xf32> to vector<1x32x64xf32>
    %reduce_max3A_206 = arith.constant dense<0xFF800000> : vector<1xf32>
    %reduce_max3A_207 = vector.multi_reduction <maximumf>, %reduce_max3A_205, %reduce_max3A_206 [1, 2] : vector<1x32x64xf32> to vector<1xf32>
    %reduce_max3A_208 = vector.shape_cast %reduce_max3A_207 : vector<1xf32> to vector<1x1x1xf32>
    %reduce_max3A_209 = vector.extract %reduce_max3A_208[0, 0, 0] : f32 from vector<1x1x1xf32>
    %broadcast_in_dim3A_210 = vector.broadcast %reduce_max3A_209 : f32 to vector<1x1xf32>
    %sub3A_211 = vector.broadcast %broadcast_in_dim3A_210 : vector<1x1xf32> to vector<32x64xf32>
    %sub3A_212 = arith.subf %add3A_198, %sub3A_211 : vector<32x64xf32>
    %exp3A_213 = math.exp %sub3A_212 : vector<32x64xf32>
    %reduce_sum3A_214 = vector.shape_cast %exp3A_213 : vector<32x64xf32> to vector<1x32x64xf32>
    %reduce_sum3A_215 = arith.constant dense<0.000000e+00> : vector<1xf32>
    %reduce_sum3A_216 = vector.multi_reduction <add>, %reduce_sum3A_214, %reduce_sum3A_215 [1, 2] : vector<1x32x64xf32> to vector<1xf32>
    %reduce_sum3A_217 = vector.shape_cast %reduce_sum3A_216 : vector<1xf32> to vector<1x1x1xf32>
    %reduce_sum3A_218 = vector.extract %reduce_sum3A_217[0, 0, 0] : f32 from vector<1x1x1xf32>
    %broadcast_in_dim3A_219 = vector.broadcast %reduce_sum3A_218 : f32 to vector<1x1xf32>
    %div3A_220 = vector.broadcast %broadcast_in_dim3A_219 : vector<1x1xf32> to vector<32x64xf32>
    %div3A_221 = arith.divf %exp3A_213, %div3A_220 : vector<32x64xf32>
    %broadcast_in_dim3A_222 = vector.shape_cast %div3A_221 : vector<32x64xf32> to vector<32x64x1xf32>
    %mul3A_223 = vector.broadcast %broadcast_in_dim3A_222 : vector<32x64x1xf32> to vector<32x64x64xf32>
    %mul3A_224 = arith.mulf %dot_general3A_204, %mul3A_223 : vector<32x64x64xf32>
    %reshape3A_225 = vector.shape_cast %mul3A_224 : vector<32x64x64xf32> to vector<2048x64xf32>
    %broadcast_in_dim3A_226 = arith.constant 0.000000e+00 : f32
    %broadcast_in_dim3A_227 = vector.broadcast %broadcast_in_dim3A_226 : f32 to vector<2048x64xf32>
    %concatenate3A_228 = tpu.concatenate %reshape3A_225, %broadcast_in_dim3A_227 in 1 : vector<2048x64xf32>, vector<2048x64xf32> -> vector<2048x128xf32>
    %swap3A = arith.constant 0 : index
    %swap3A_229 = arith.constant 0 : index
    %swap3A_230 = arith.constant 0 : index
    %swap3A_231 = arith.constant 0 : index
    %swap3A_232 = vector.load %arg6[%swap3A, %swap3A_229, %swap3A_230, %swap3A_231] : memref<1x1x2048x128xf32, #tpu.memory_space<vmem>>, vector<1x1x2048x128xf32>
    %swap3A_233 = vector.shape_cast %swap3A_232 : vector<1x1x2048x128xf32> to vector<2048x128xf32>
    %swap3A_234 = vector.shape_cast %concatenate3A_228 : vector<2048x128xf32> to vector<1x1x2048x128xf32>
    tpu.vector_store %arg6[%swap3A, %swap3A_229, %swap3A_230, %swap3A_231], %swap3A_234 {strides = array<i32>} : memref<1x1x2048x128xf32, #tpu.memory_space<vmem>>, vector<1x1x2048x128xf32>,
    return
  }
  func.func @transform_0(%arg0: i32, %arg1: i32) -> (i32, i32, i32, i32) {
    %c0_i32 = arith.constant 0 : i32
    %c0_i32_0 = arith.constant 0 : i32
    %c0_i32_1 = arith.constant 0 : i32
    return %arg0, %arg1, %c0_i32, %c0_i32_0 : i32, i32, i32, i32
  }
  func.func @transform_1(%arg0: i32, %arg1: i32) -> (i32, i32, i32, i32) {
    %c0_i32 = arith.constant 0 : i32
    %c0_i32_0 = arith.constant 0 : i32
    %c0_i32_1 = arith.constant 0 : i32
    return %arg0, %arg1, %c0_i32, %c0_i32_0 : i32, i32, i32, i32
  }
  func.func @transform_2(%arg0: i32, %arg1: i32) -> (i32, i32, i32, i32) {
    %c0_i32 = arith.constant 0 : i32
    %c0_i32_0 = arith.constant 0 : i32
    %c0_i32_1 = arith.constant 0 : i32
    return %arg0, %arg1, %c0_i32, %c0_i32_0 : i32, i32, i32, i32
  }
  func.func @transform_3(%arg0: i32, %arg1: i32) -> (i32, i32, i32, i32) {
    %c0_i32 = arith.constant 0 : i32
    %c0_i32_0 = arith.constant 0 : i32
    %c0_i32_1 = arith.constant 0 : i32
    return %arg0, %arg1, %c0_i32, %c0_i32_0 : i32, i32, i32, i32
  }
  func.func @transform_4(%arg0: i32, %arg1: i32) -> (i32, i32, i32, i32) {
    %c0_i32 = arith.constant 0 : i32
    %c0_i32_0 = arith.constant 0 : i32
    %c0_i32_1 = arith.constant 0 : i32
    return %arg0, %arg1, %c0_i32, %c0_i32_0 : i32, i32, i32, i32
  }
}

module attributes {stable_mosaic.version = 14 : i64} {
  func.func @_sum_kernel(%arg0: i32, %arg1: memref<1x4x2048x128xf32, #tpu.memory_space<vmem>>, %arg2: memref<1x2048x64xf32, #tpu.memory_space<vmem>>) attributes {dimension_semantics = [#tpu.dimension_semantics<arbitrary>], iteration_bounds = array<i64: 32>, scalar_prefetch = 0 : i64, scratch_operands = 0 : i64, tpu.core_type = #tpu.core_type<tc>, window_params = [{transform_indices = @transform_0, window_bounds = array<i64: 1, 4, 2048, 128>}, {transform_indices = @transform_1, window_bounds = array<i64: 1, 2048, 64>}]} {
    %get3A = arith.constant 0 : index
    %get3A_0 = arith.constant 0 : index
    %get3A_1 = arith.constant 0 : index
    %get3A_2 = arith.constant 0 : index
    %get3A_3 = vector.load %arg1[%get3A, %get3A_0, %get3A_1, %get3A_2] : memref<1x4x2048x128xf32, #tpu.memory_space<vmem>>, vector<1x4x2048x64xf32>
    %get3A_4 = vector.shape_cast %get3A_3 : vector<1x4x2048x64xf32> to vector<4x2048x64xf32>
    %reduce_sum3A = arith.constant dense<0.000000e+00> : vector<2048x64xf32>
    %reduce_sum3A_5 = vector.multi_reduction <add>, %get3A_4, %reduce_sum3A [0] : vector<4x2048x64xf32> to vector<2048x64xf32>
    %swap3A = arith.constant 0 : index
    %swap3A_6 = arith.constant 0 : index
    %swap3A_7 = arith.constant 0 : index
    %swap3A_8 = vector.load %arg2[%swap3A, %swap3A_6, %swap3A_7] : memref<1x2048x64xf32, #tpu.memory_space<vmem>>, vector<1x2048x64xf32>
    %swap3A_9 = vector.shape_cast %swap3A_8 : vector<1x2048x64xf32> to vector<2048x64xf32>
    %swap3A_10 = vector.shape_cast %reduce_sum3A_5 : vector<2048x64xf32> to vector<1x2048x64xf32>
    tpu.vector_store %arg2[%swap3A, %swap3A_6, %swap3A_7], %swap3A_10 {strides = array<i32>} : memref<1x2048x64xf32, #tpu.memory_space<vmem>>, vector<1x2048x64xf32>,
    return
  }
  func.func @transform_0(%arg0: i32) -> (i32, i32, i32, i32) {
    %c0_i32 = arith.constant 0 : i32
    %c0_i32_0 = arith.constant 0 : i32
    %c0_i32_1 = arith.constant 0 : i32
    %c0_i32_2 = arith.constant 0 : i32
    return %arg0, %c0_i32, %c0_i32_0, %c0_i32_1 : i32, i32, i32, i32
  }
  func.func @transform_1(%arg0: i32) -> (i32, i32, i32) {
    %c0_i32 = arith.constant 0 : i32
    %c0_i32_0 = arith.constant 0 : i32
    %c0_i32_1 = arith.constant 0 : i32
    return %arg0, %c0_i32, %c0_i32_0 : i32, i32, i32
  }
}

</mosaic_0001>

<sc_bundles>
// kernel: gather_offload_async_start
scs
__scs_entry_jumppad:
0x0: {  	(pc) =	sbr.rel $0x88, $3  }
0x1: {  	(tag) =	ssettag $0x0;
	lr =	simm.s32 $0x1  }
0x2: {  	[smem:$0x3F9E] =	sst lr;
	_ =	strace $0xD0000000  }
0x3: {  	_ = 	snop  }
0x4: {  	_ = 	snop  }
0x5: {  	_ = 	snop  }
0x6: {  	_ = 	snop  }
0x7: {  	_ = 	snop  }
__scs_overlays_trampoline_lowered:
0x8: {  	[smem:$0x3FAD] =	sst s0  }
0x9: {  	[smem:$0x3FAE] =	sst s1  }
0xa: {  	[smem:$0x3FAF] =	sst s2  }
0xb: {  	[smem:$0x3FB0] =	sst s3  }
0xc: {  	[smem:$0x3FB1] =	sst s4  }
0xd: {  	[smem:$0x3FB2] =	sst s5  }
0xe: {  	[smem:$0x3FB3] =	sst s6  }
0xf: {  	[smem:$0x3FB4] =	sst s7  }
0x10: {  	[smem:$0x3FB5] =	sst s8  }
0x11: {  	[smem:$0x3FB6] =	sst s9;
	s0 =	simm.s32 @!p0 $0x0  }
0x12: {  	s1 =	sld [smem:$0x3F9C];
	s0 =	simm.s32 @p0 $0x1  }
0x13: {  	[smem:$0x3FB7] =	sst s0;
	s0 =	simm.s32 @!p1 $0x0  }
0x14: {  	s2 =	sld [smem:$0x3F9B];
	s0 =	simm.s32 @p1 $0x1  }
0x15: {  	[smem:$0x3FB8] =	sst s0;
	s0 =	simm.s32 @!p2 $0x0  }
0x16: {  	s3 =	sld [smem:$0x3FDB];
	s0 =	simm.s32 @p2 $0x1  }
0x17: {  	s4 =	simm.s32 $0x1BF5;
	[smem:$0x3FBA] =	sst s0  }
0x18: {  	s0 =	sld [smem:$0x3F9D];
	_ =	swait.ge [sflag:s4], $0x0  }
0x19: {  	s7 =	sld [smem:$0x3F9E]  }
0x1a: {  	s8 =	sadd.s32 $0xFFFFE003, lr  }
0x1b: {  	s9 =	sadd.s32 $0xFFFFFEF7, lr;
	s5 =	simm.s32 $0xFFFFFFFF;
	p2 =	slt.u32 s8, $0xFFFFF086  }
0x1c: {  	p1 =	slt.u32 s9, $0xF7A;
	s5 =	simm.s32 @!p2 $0x0  }
0x1d: {  	s5 =	simm.s32 @p1 $0x1;
	p0 =	seq.s32 s7, s2  }
0x1e: {  	s7 =	smul.u32 @!p0 $0xF7A, s2;
	p2 =	seq.s32 @!p0 s5, $0x0  }
0x1f: {  	s9 =	smul.u32 $0xF7A, s1;
	s8 =	simm.s32 @!p0 $0x1BF5;
	p2 =	por !p2, p0  }
0x20: {  	[sflag:s8] =	ssyncset.s32 @!p0 $0xFFFFF086;
	s6 =	sadd.s32 @!p0 s3, s7;
	s7 =	simm.s32 @!p0 $0x108  }
0x21: {  	s3 =	sadd.s32 s3, s9;
	s6 =	sadd.s32 @!p0 $0x88, s6;
	s7 =	simm.s32 @p2 $0x1082  }
0x22: {  	[simem:s7], [sflag:s8] =	dma.local @!p0 [hbm:s6], $0xF7A  }
0x23: {  	s9 =	sor.u32 $0xD0000000, s2;
	s6 =	simm.s32 $0x108;
	_ =	swait.ge @!p0 [sflag:s8], $0x0  }
0x24: {  	s3 =	sadd.s32 $0x88, s3;
	s6 =	simm.s32 @!p1 $0x1082;
	[sflag:s4] =	ssyncset.s32 $0xFFFFF086  }
0x25: {  	[simem:s6], [sflag:s4] =	dma.local [hbm:s3], $0xF7A  }
0x26: {  	[smem:$0x3F9E] =	sst s1;
	(tag) =	ssettag s2;
	_ =	strace s9  }
0x27: {  	s1 =	sld [smem:$0x3FAE]  }
0x28: {  	s2 =	sld [smem:$0x3FAF]  }
0x29: {  	s4 =	sld [smem:$0x3FB1]  }
0x2a: {  	p0 =	seq.s32 s5, $0x0;
	s5 =	sld [smem:$0x3FB2]  }
0x2b: {  	s6 =	sld [smem:$0x3FB3]  }
0x2c: {  	s7 =	sld [smem:$0x3FB4]  }
0x2d: {  	s3 =	simm.s32 $0x108;
	s8 =	sld [smem:$0x3FB5]  }
0x2e: {  	s3 =	simm.s32 @!p0 $0x1082;
	s9 =	sld [smem:$0x3FB6]  }
0x2f: {  	lr =	sadd.s32 s0, s3;
	s0 =	sld [smem:$0x3FAD]  }
0x30: {  	s3 =	sld [smem:$0x3FB0]  }
0x31: {  	[smem:$0x3FB9] =	sst s10  }
0x32: {  	s10 =	sld [smem:$0x3FB7];
	_ =	sdelay $0x3  }
0x33: {  	p0 =	seq.s32 s10, $0x1;
	s10 =	sld [smem:$0x3FB9];
	_ =	sdelay $0x3  }
0x34: {  	[smem:$0x3FB9] =	sst s10  }
0x35: {  	s10 =	sld [smem:$0x3FB8];
	_ =	sdelay $0x3  }
0x36: {  	p1 =	seq.s32 s10, $0x1;
	s10 =	sld [smem:$0x3FB9];
	_ =	sdelay $0x3  }
0x37: {  	[smem:$0x3FB9] =	sst s10  }
0x38: {  	s10 =	sld [smem:$0x3FBA]  }
0x39: {  	_ = 	snop;
	(pc) =	sbr.ind lr, $3  }
0x3a: {  	_ = 	snop  }
0x3b: {  	_ = 	snop  }
0x3c: {  	p2 =	seq.s32 s10, $0x1;
	s10 =	sld [smem:$0x3FB9]  }
0x3d: {  	_ =	shalt  }
0x3e: {  	_ =	shalt  }
0x3f: {  	_ =	shalt  }
0x40: {  	_ =	shalt  }
0x41: {  	_ =	shalt  }
0x42: {  	_ =	shalt  }
0x43: {  	_ =	shalt  }
0x44: {  	_ =	shalt  }
0x45: {  	_ =	shalt  }
0x46: {  	_ =	shalt  }
0x47: {  	_ =	shalt  }
0x48: {  	_ =	shalt  }
0x49: {  	_ =	shalt  }
0x4a: {  	_ =	shalt  }
0x4b: {  	_ =	shalt  }
0x4c: {  	_ =	shalt  }
0x4d: {  	_ =	shalt  }
0x4e: {  	_ =	shalt  }
0x4f: {  	_ =	shalt  }
0x50: {  	_ =	shalt  }
0x51: {  	_ =	shalt  }
0x52: {  	_ =	shalt  }
0x53: {  	_ =	shalt  }
0x54: {  	_ =	shalt  }
0x55: {  	_ =	shalt  }
0x56: {  	_ =	shalt  }
0x57: {  	_ =	shalt  }
0x58: {  	_ =	shalt  }
0x59: {  	_ =	shalt  }
0x5a: {  	_ =	shalt  }
0x5b: {  	_ =	shalt  }
0x5c: {  	_ =	shalt  }
0x5d: {  	_ =	shalt  }
0x5e: {  	_ =	shalt  }
0x5f: {  	_ =	shalt  }
0x60: {  	_ =	shalt  }
0x61: {  	_ =	shalt  }
0x62: {  	_ =	shalt  }
0x63: {  	_ =	shalt  }
0x64: {  	_ =	shalt  }
0x65: {  	_ =	shalt  }
0x66: {  	_ =	shalt  }
0x67: {  	_ =	shalt  }
0x68: {  	_ =	shalt  }
0x69: {  	_ =	shalt  }
0x6a: {  	_ =	shalt  }
0x6b: {  	_ =	shalt  }
0x6c: {  	_ =	shalt  }
0x6d: {  	_ =	shalt  }
0x6e: {  	_ =	shalt  }
0x6f: {  	_ =	shalt  }
0x70: {  	_ =	shalt  }
0x71: {  	_ =	shalt  }
0x72: {  	_ =	shalt  }
0x73: {  	_ =	shalt  }
0x74: {  	_ =	shalt  }
0x75: {  	_ =	shalt  }
0x76: {  	_ =	shalt  }
0x77: {  	_ =	shalt  }
0x78: {  	_ =	shalt  }
0x79: {  	_ =	shalt  }
0x7a: {  	_ =	shalt  }
0x7b: {  	_ =	shalt  }
0x7c: {  	_ =	shalt  }
0x7d: {  	_ =	shalt  }
0x7e: {  	_ =	shalt  }
0x7f: {  	_ =	shalt  }
0x80: {  	_ =	shalt  }
0x81: {  	_ =	shalt  }
0x82: {  	_ =	shalt  }
0x83: {  	_ =	shalt  }
0x84: {  	_ =	shalt  }
0x85: {  	_ =	shalt  }
0x86: {  	_ =	shalt  }
0x87: {  	_ =	shalt  }
.Lfunc_end0:
.L_simem_size_0:
called_computation.1_lowered:
.L_overlay_start_0:
0x88: {  	s2 =	sld [smem:$0x3FD9]  }
0x89: {  	s3 =	sld [smem:$0x3FFE];
	_ =	sdelay $0x1  }
0x8a: {  	s1 =	srdreg.scid  }
0x8b: {  	s0 =	sand.u32 $0x1, s1  }
0x8c: {  	s17 =	sshll.u32 s0, $0xA;
	s2 =	sadd.s32 s3, s2  }
0x8d: {  	s2 =	sadd.s32 s2, s17  }
0x8e: {  	[smem:$0x3FC5] =	sst s2  }
0x8f: {  	_ = 	snop  }
0x90: {  	s18 =	sld [smem:$0x3FD0];
	(tm) =	ssettm $0x1  }
0x91: {  	s19 =	sld [smem:$0x3FFB];
	_ =	sdelay $0x3  }
0x92: {  	_ =	strace s19  }
0x93: {  	s2 =	sld [smem:$0x3FFC];
	_ =	sdelay $0x3  }
0x94: {  	_ =	strace s2  }
0x95: {  	s2 =	sld [smem:$0x3FFD];
	_ =	sdelay $0x3  }
0x96: {  	_ =	strace s2  }
0x97: {  	_ =	strace $0x8FFFFFFF  }
0x98: {  	s20 =	sld [smem:$0x3FDB];
	_ =	sdelay $0x1  }
0x99: {  	s4 =	simm.s32 $_scs_section_size  }
0x9a: {  	s5 =	simm.s32 $_size__tile_overlayer_lowered;
	s6 =	simm.s32 $_tile_overlayer_lowered  }
0x9b: {  	s7 =	simm.s32 $0x1BFF;
	s21 =	sshll.u32 s6, $0x1;
	s4 =	sadd.s32 s4, s20  }
0x9c: {  	s22 =	simm.s32 $0x0;
	s5 =	sshll.u32 s5, $0x1;
	s6 =	sadd.s32 s21, s4  }
0x9d: {  	[timem:s22], [sflag:s7] =	dma.local [hbm:s6], s5  }
0x9e: {  	_ =	swait.ge [sflag:s7], s5  }
0x9f: {  	s5 =	ssub.s32 $0x0, s5;
	[sflag:s7] =	ssyncset.done $0x0  }
0xa0: {  	[sflag:s7] =	ssyncadd.s32 s5;
	_ =	sdelay $0x1  }
0xa1: {  	s23 =	simm.s32 $0x1B8B  }
0xa2: {  	_ =	swait.ge [sflag:s23], $0x1  }
0xa3: {  	[sflag:s23] =	ssyncset.done $0x0  }
0xa4: {  	[sflag:s23] =	ssyncadd.s32 $0xFFFFFFFF  }
0xa5: {  	s5 =	sld [smem:$0x0]  }
0xa6: {  	s6 =	sand.u32 $0xFFFFFFFE, s1  }
0xa7: {  	p0 =	sne.s32 s1, s6  }
0xa8: {  	s6 =	sshll.u32 @p0 s6, $0xE  }
0xa9: {  	s6 =	sadd.s32 @p0 $0x11B8D, s6;
	s7 =	sshll.u32 @p0 s5, $0x11  }
0xaa: {  	s6 =	sor.u32 @p0 s7, s6  }
0xab: {  	[sflag:s6] =	ssyncadd.remote.s32 @p0 $0x1;
	_ =	sdelay $0x1  }
0xac: {  	s6 =	simm.s32 @p0 $0x1B8D  }
0xad: {  	_ =	swait.eq @p0 [sflag:s6], $0x1  }
0xae: {  	[sflag:s6] =	ssyncadd.s32 @p0 $0xFFFFFFFF  }
0xaf: {  	s7 =	sshll.u32 @!p0 s1, $0xE  }
0xb0: {  	s7 =	sor.u32 @!p0 $0x4000, s7;
	s6 =	simm.s32 @!p0 $0x1B8D  }
0xb1: {  	s5 =	sshll.u32 @!p0 s5, $0x11;
	s7 =	sadd.s32 @!p0 $0x11B8D, s7;
	_ =	swait.eq @!p0 [sflag:s6], $0x1  }
0xb2: {  	s5 =	sor.u32 @!p0 s5, s7;
	[sflag:s6] =	ssyncadd.s32 @!p0 $0xFFFFFFFF  }
0xb3: {  	s25 =	simm.s32 $0x1B8E;
	s24 =	sld [smem:$0x3FFE];
	[sflag:s5] =	ssyncadd.remote.s32 @!p0 $0x1  }
0xb4: {  	s26 =	simm.s32 $execute0_lowered;
	[smem:$0x3FD2] =	sst s25  }
0xb5: {  	s6 =	sshll.u32 s26, $0x1;
	_ =	strace $0x80000049;
	[dreg:$0x1] =	wrdreg $0xFFFFFFFF  }
0xb6: {  	s28 =	simm.s32 $_size_execute0_lowered;
	s4 =	sadd.s32 s4, s6;
	[dreg:$0x0] =	wrdreg $0x0  }
0xb7: {  	s6 =	sshll.u32 s28, $0x1;
	[dreg:$0x2] =	wrdreg s4  }
0xb8: {  	[dreg:$0x3] =	wrdreg s6  }
0xb9: {  	[dreg:$0x4] =	wrdreg $0xC0  }
0xba: {  	_ =	task [dreg:s22], $0x5FFFF  }
0xbb: {  	[dreg:$0x1] =	wrdreg $0xFFFFFFFF  }
0xbc: {  	[dreg:$0x0] =	wrdreg $0x60  }
0xbd: {  	[dreg:$0x2] =	wrdreg s24  }
0xbe: {  	[dreg:$0x3] =	wrdreg s18  }
0xbf: {  	[dreg:$0x4] =	wrdreg $0x9  }
0xc0: {  	_ =	task.clear_ibuf [dreg:s22], $0x5FFFF;
	_ =	strace $0x90000049  }
0xc1: {  	s29 =	simm.s32 $0x9;
	_ =	strace $0x8000004B  }
0xc2: {  	_ =	swait.ge [sflag:s29], $0x1  }
0xc3: {  	[sflag:s29] =	ssyncadd.s32 $0xFFFFFFFF  }
0xc4: {  	_ =	strace $0x9000004B  }
0xc5: {  	_ =	sfence  }
0xc6: {  	s30 =	sld [smem:$0x0];
	_ =	sdelay $0x2  }
0xc7: {  	s31 =	sshll.u32 s1, $0xD;
	s1 =	sshrl.u32 s1, $0x2  }
0xc8: {  	s4 =	sand.u32 $0x4000, s31;
	s1 =	sadd.s32 s1, s30  }
0xc9: {  	s0 =	sor.u32 s4, s0;
	s1 =	sshll.u32 s1, $0x11  }
0xca: {  	s0 =	sor.u32 s1, s0  }
0xcb: {  	s0 =	sadd.s32 $0x8F2B, s0  }
0xcc: {  	[sflag:s0] =	ssyncadd.remote.s32 $0x1  }
0xcd: {  	_ =	sfence.sel $0xFFFF  }
0xce: {  	[dreg:$0x0] =	wrdreg $0xFFFFFFFF;
	(pc) =	sbr.abs _section_cstart, $3  }
0xcf: {  	[dreg:$0x1] =	wrdreg $0xFFFFFFFF  }
0xd0: {  	_ =	task.clear_ibuf [dreg:s22], $0x2FFFF;
	_ =	strace $0x9FFFFFFF  }
0xd1: {  	(tm) =	ssettm $0x7FFFFFFF  }
tec
execute0_lowered:
.L_overlay_start_1:
0x0: {  	(tag) =	ssettag $0x1  }
0x1: {  	s1 =	srdreg.scid;
	s5 =	rddreg [dreg:$0x0]  }
0x2: {  	s0 =	stileid.u32;
	s2 =	rddreg [dreg:$0x1];
	s6 =	simm.s32 $0x1  }
0x3: {  	s9 =	simm.s32 $0x1;
	s10 =	simm.s32 $0x3;
	s1 =	sshll.u32 s1, $0xE  }
0x4: {  	s13 =	simm.s32 $0x0;
	s3 =	sshll.u32 s0, $0xF;
	s4 =	sand.u32 $0x4000, s1  }
0x5: {  	s12 =	simm.s32 $0x0;
	s1 =	rddreg [dreg:$0x2];
	s3 =	sor.u32 s3, s4  }
0x6: {  	_ =	strace $0x8000004A;
	s4 =	sadd.s32 $0x328000, s5;
	s8 =	ssub.s32 $0x100000, s3  }
.Ltmp0:
0x7: {  	s5 =	sadd.s32 $0x220000, s5;
	s7 =	sand.u32 $0x7C000, s8;
	(pc) =	sbr.rel .LBB2_1-.Ltmp0, $4  }
0x8: {  	[sflag:s6] =	ssyncpa.u1 $0x0;
	s11 =	smov.u32 s3;
	p0 =	sne.s32 s7, $0x0  }
0x9: {  	s8 =	sshrl.u32 s8, $0x13;
	s7 =	simm.s32 $0x2;
	s9 =	simm.s32 @!p0 $0x0  }
0xa: {  	[sflag:s7] =	ssyncpa.u1 $0x0;
	p0 =	por $0x0, $0x0;
	s8 =	sadd.s32 s9, s8  }
0xb: {  	vm0 =	vmmov $0xffff;
	[sflag:s10] =	ssyncpa.u1 $0x0;
	s10 =	simm.s32 $0x0;
	s9 =	sadd.s32 $0x1, s8  }
.LBB2_4:
0xc: {  	v3 =	vand.u32 $0x7F, v3;
	v6 =	vshll.u32 v1, $0x14  }
0xd: {  	v4 =	vadd.s32 v5, v4;
	v56 =	vand.u32 $0xFFE00, v1;
	v58 =	vshrl.u32 v1, $0x5  }
0xe: {  	v2 =	vshll.u32 v2, $0x7;
	v59 =	vshrl.u32 v1, $0x7;
	v6 =	vand.u32 $0x1F00000, v6  }
0xf: {  	v3 =	vor.u32 v3, v4;
	v5 =	vand.u32 $0x3, v58;
	v2 =	vand.u32 $0x180, v2  }
0x10: {  	v1 =	vand.u32 $0x3, v59;
	v57 =	vor.u32 v56, v6;
	v5 =	vsel vm1, $0xFFFFFFFF, v5  }
0x11: {  	v1 =	vsel vm1, $0xFFFFFFFF, v1;
	v4 =	vsel vm1, $0xFFEFFE00, v57;
	v60 =	vand.u32 $0xFFFFFE00, v5  }
0x12: {  	v2 =	vor.u32 v2, v3;
	v62 =	vand.u32 $0xFFFFFE00, v1;
	v61 =	vadd.s32 v60, v4  }
0x13: {  	v1 =	vand.u32 $0x7F, v1;
	v63 =	vshll.u32 v5, $0x7;
	v3 =	vadd.s32 v62, v61  }
0x14: {  	v4 =	vand.u32 $0x180, v63;
	v1 =	vor.u32 v1, v3  }
0x15: {  	v1 =	vor.u32 v4, v1  }
0x16: {  	[tilespmem:s15], [sflag:$0x1] =	stream.indirect_vreg.gather [hbm4b:s4+s10], $0x1, v0, vm0, $0x4038;
	[tilespmem:$0x10000] =	vst v63  }
0x17: {  	(ifvalue) =	ssetifvalue $0x7FFFFFFF;
	s29 =	sadd.s32 $0x10, s15  }
0x18: {  	[tilespmem:s29], [sflag:$0x1] =	stream.indirect_vreg.gather [hbm4b:s4+s10], $0x1, v2, vm0, $0x4038;
	[tilespmem:$0x10000] =	vst v63  }
0x19: {  	s15 =	sadd.s32 $0x10, s29;
	(ifvalue) =	ssetifvalue $0x7FFFFFFF  }
0x1a: {  	[tilespmem:s15], [sflag:$0x1] =	stream.indirect_vreg.gather [hbm4b:s4+s10], $0x1, v1, vm0, $0x4038;
	[tilespmem:$0x10000] =	vst v63  }
0x1b: {  	_ =	swait.ge [sflag:s6], $0x4000  }
0x1c: {  	s30 =	sshrl.u32 s13, $0x3;
	[sflag:s6] =	ssyncset.done $0x0  }
0x1d: {  	s31 =	sand.u32 $0x7, s13;
	s15 =	sadd.s32 s5, s30;
	[sflag:s6] =	ssyncadd.s32 $0xFFFFC000  }
0x1e: {  	[hbm4b:s15+s31] =	stream.linear.scatter [tilespmem:s14], [sflag:$0x3], $0x4000, $0x38;
	[tilespmem:$0x10000] =	vst v63  }
.LBB2_5:
0x1f: {  	s15 =	sadd.s32 $0x80000, s11  }
0x20: {  	p2 =	sgt.s32 s15, $0xFFFFF  }
0x21: {  	s15 =	smov.u32 @p2 s3;
	p2 =	sne.s32 s12, s9  }
.Ltmp1:
0x22: {  	p1 =	slt.u32 s12, $0x2;
	(pc) =	sbr.rel @!p2 .LBB2_6-.Ltmp1, $4  }
0x23: {  	s14 =	simm.s32 @!p1 $0x3  }
0x24: {  	s16 =	sadd.s32 $0x1, s12;
	_ =	swait.ge @!p1 [sflag:s14], $0x4000  }
0x25: {  	s13 =	smov.u32 s11;
	p0 =	por !p0, !p0;
	[sflag:s14] =	ssyncset.done @!p1 $0x0  }
0x26: {  	s12 =	smov.u32 s16;
	s11 =	smov.u32 s15;
	[sflag:s14] =	ssyncadd.s32 @!p1 $0xFFFFC000  }
.LBB2_1:
0x27: {  	p1 =	sge.u32 s12, s8  }
0x28: {  	s14 =	sxor.u32 @!p1 $0xFFFFFFFF, s12  }
0x29: {  	s31 =	sadd.s32 $0xFFFFFFFF, s12;
	s15 =	sshrl.u32 @!p1 s11, $0x3;
	s14 =	sshll.u32 @!p1 s14, $0xE  }
0x2a: {  	s16 =	sand.u32 @!p1 $0x7, s11;
	s15 =	sadd.s32 @!p1 s2, s15;
	s14 =	sand.u32 @!p1 $0x4000, s14  }
0x2b: {  	[tilespmem:s14], [sflag:$0x2] =	stream.linear.gather @!p1 [hbm4b:s15+s16], $0x4000, $0x38;
	[tilespmem:$0x10000] =	vst v63  }
0x2c: {  	p1 =	sge.u32 s31, s8  }
.Ltmp2:
0x2d: {  	_ = 	snop;
	(pc) =	sbr.rel @p1 .LBB2_5-.Ltmp2, $1  }
0x2e: {  	_ =	sdelay $0x3  }
0x2f: {  	s14 =	simm.s32 $0x1  }
0x30: {  	_ =	swait.ge [sflag:s7], $0x4000;
	s14 =	simm.s32 @!p0 $0x0  }
0x31: {  	[sflag:s7] =	ssyncset.done $0x0;
	s14 =	sshll.u32 s14, $0xE  }
0x32: {  	[sflag:s7] =	ssyncadd.s32 $0xFFFFC000;
	(ifvalue) =	ssetifvalue $0x7FFFFFFF;
	v0 =	vld.msk [tilespmem:s14+$0x0 ss:$0x1], $0xffff;
	_ =	sdelay $0x3  }
0x33: {  	s15 =	sadd.s32 $0x10, s14  }
0x34: {  	v2 =	vld.msk [tilespmem:s15+$0x0 ss:$0x1], $0xffff;
	vm1 =	veq.s32 v0, $0x80000000  }
0x35: {  	v1 =	vshrl.u32 v0, $0x7;
	v3 =	vshrl.u32 v0, $0x5;
	v4 =	vshll.u32 v0, $0x14  }
0x36: {  	v0 =	vand.u32 $0xFFE00, v0;
	v3 =	vand.u32 $0x3, v3;
	v4 =	vand.u32 $0x1F00000, v4  }
0x37: {  	v1 =	vand.u32 $0x3, v1;
	v3 =	vsel vm1, $0xFFFFFFFF, v3;
	v0 =	vor.u32 v0, v4  }
0x38: {  	v1 =	vsel vm1, $0xFFFFFFFF, v1;
	v0 =	vsel vm1, $0xFFEFFE00, v0;
	v4 =	vand.u32 $0xFFFFFE00, v3  }
0x39: {  	v6 =	vshll.u32 v2, $0x14;
	v0 =	vadd.s32 v4, v0;
	v4 =	vand.u32 $0xFFFFFE00, v1  }
0x3a: {  	s17 =	sadd.s32 $0x10, s15;
	v5 =	vand.u32 $0x7F, v1;
	v3 =	vshll.u32 v3, $0x7;
	v0 =	vadd.s32 v4, v0  }
0x3b: {  	v6 =	vand.u32 $0x1F00000, v6;
	v1 =	vld.msk [tilespmem:s17+$0x0 ss:$0x1], $0xffff;
	v3 =	vand.u32 $0x180, v3;
	v0 =	vor.u32 v5, v0  }
0x3c: {  	vm1 =	veq.s32 v2, $0x80000000;
	v5 =	vshrl.u32 v2, $0x5;
	v0 =	vor.u32 v3, v0  }
0x3d: {  	s31 =	sshll.u32 s12, $0xE;
	v4 =	vshrl.u32 v2, $0x7;
	v3 =	vand.u32 $0x3, v5;
	v5 =	vand.u32 $0xFFE00, v2  }
0x3e: {  	s16 =	sand.u32 $0x4000, s31;
	v2 =	vsel vm1, $0xFFFFFFFF, v3;
	v3 =	vand.u32 $0x3, v4;
	v4 =	vor.u32 v5, v6  }
0x3f: {  	s15 =	sor.u32 $0x8000, s14;
	s14 =	sor.u32 $0x8000, s16;
	v3 =	vsel vm1, $0xFFFFFFFF, v3;
	v4 =	vsel vm1, $0xFFEFFE00, v4;
	v5 =	vand.u32 $0xFFFFFE00, v2  }
0x40: {  	s16 =	simm.s32 $0x20;
	s17 =	sadd.s32 $0x10, s17;
	(ifvalue) =	ssetifvalue $0x7FFFFFFF;
	vm1 =	veq.s32 v1, $0x80000000;
	v4 =	vadd.s32 v5, v4;
	v5 =	vand.u32 $0xFFFFFE00, v3  }
.LBB2_3:
0x41: {  	v6 =	vld.msk [tilespmem:s17+$0x0 ss:$0x1], $0xffff;
	[tilespmem:s15], [sflag:$0x1] =	stream.indirect_vreg.gather [hbm4b:s4+s10], $0x1, v0, vm0, $0x4038  }
0x42: {  	v3 =	vand.u32 $0x7F, v3;
	v4 =	vadd.s32 v5, v4;
	v2 =	vshll.u32 v2, $0x7;
	s16 =	sadd.s32 $0x10, s16  }
0x43: {  	v5 =	vshrl.u32 v1, $0x7;
	v0 =	vand.u32 $0x180, v2;
	v2 =	vor.u32 v3, v4;
	p1 =	slt.u32 s16, $0x3FF0  }
.Ltmp3:
0x44: {  	v3 =	vshrl.u32 v1, $0x5;
	v4 =	vshll.u32 v1, $0x14;
	v0 =	vor.u32 v0, v2;
	(pc) =	sbr.rel @p1 .LBB2_3-.Ltmp3, $4  }
0x45: {  	v1 =	vand.u32 $0xFFE00, v1;
	v2 =	vand.u32 $0x3, v3;
	v3 =	vand.u32 $0x1F00000, v4  }
0x46: {  	v4 =	vand.u32 $0x3, v5;
	v2 =	vsel vm1, $0xFFFFFFFF, v2;
	v8 =	vor.u32 v1, v3  }
0x47: {  	v3 =	vsel vm1, $0xFFFFFFFF, v4;
	v7 =	vsel vm1, $0xFFEFFE00, v8;
	v4 =	vand.u32 $0xFFFFFE00, v2  }
0x48: {  	s17 =	sadd.s32 $0x10, s17;
	s15 =	sadd.s32 $0x10, s15;
	v5 =	vand.u32 $0xFFFFFE00, v3;
	vm1 =	veq.s32 v6, $0x80000000;
	v4 =	vadd.s32 v4, v7;
	v1 =	vmovc v6;
	(ifvalue) =	ssetifvalue $0x7FFFFFFF  }
.Ltmp4:
0x49: {  	_ = 	snop;
	(pc) =	sbr.rel .LBB2_4-.Ltmp4, $1  }
0x4a: {  	_ =	sdelay $0x3  }
.LBB2_6:
0x4b: {  	_ =	sfence.sel $0x180000  }
0x4c: {  	s2 =	simm.s32 $0x2;
	[bflag:$0x0] =	sbarrier.arrive $0xFFFF  }
0x4d: {  	s30 =	simm.s32 $0x3;
	[sflag:s2] =	ssyncpa.u1 $0x1  }
0x4e: {  	s31 =	simm.s32 $0x1;
	[sflag:s30] =	ssyncpa.u1 $0x1  }
0x4f: {  	[sflag:s31] =	ssyncpa.u1 $0x1  }
0x50: {  	p0 =	sne.s32 s0, $0x0;
	_ =	strace $0x9000004A  }
0x51: {  	s0 =	sadd.s32 @!p0 $0x100000, s1;
	[bflag:$0x2] =	sbarrier.arrive $0xFFFF  }
0x52: {  	[sflag:s0] =	ssyncadd.tile.s32 @!p0 $0x1;
	_ =	shalt  }
.Lfunc_end2:
_tile_overlayer_lowered:
.L_overlay_start_2:
0x53: {  	(tag) =	ssettag $0x2  }
0x54: {  	s0 =	rddreg [dreg:$0x0];
	s2 =	stileid.u32  }
0x55: {  	s1 =	rddreg [dreg:$0x1];
	p0 =	sne.s32 s2, $0x0  }
0x56: {  	s3 =	rddreg [dreg:$0x2];
	[bflag:$0x3] =	sbarrier.arrive $0xFFFF;
	s2 =	simm.s32 @!p0 $0x1C01  }
0x57: {  	[timem:s3], [sflag:s2] =	dma.local @!p0 [hbm:s0], s1  }
0x58: {  	s0 =	simm.s32 @!p0 $0x1  }
0x59: {  	_ =	swait.ge @!p0 [sflag:s0], s1  }
0x5a: {  	s1 =	ssub.s32 @!p0 $0x0, s1;
	[sflag:s0] =	ssyncset.done @!p0 $0x0  }
0x5b: {  	[sflag:s0] =	ssyncadd.s32 @!p0 s1  }
0x5c: {  	[bflag:$0x3] =	sbarrier.arrive $0xFFFF  }
0x5d: {  	_ =	shalt  }

// kernel: kernel.6.cloned.1.call-start
scs
__scs_entry_jumppad:
0x0: {  	(pc) =	sbr.rel $0x88, $3  }
0x1: {  	(tag) =	ssettag $0x0;
	lr =	simm.s32 $0x1  }
0x2: {  	[smem:$0x3F9E] =	sst lr;
	_ =	strace $0xD0000000  }
0x3: {  	_ = 	snop  }
0x4: {  	_ = 	snop  }
0x5: {  	_ = 	snop  }
0x6: {  	_ = 	snop  }
0x7: {  	_ = 	snop  }
__scs_overlays_trampoline_lowered:
0x8: {  	[smem:$0x3FAD] =	sst s0  }
0x9: {  	[smem:$0x3FAE] =	sst s1  }
0xa: {  	[smem:$0x3FAF] =	sst s2  }
0xb: {  	[smem:$0x3FB0] =	sst s3  }
0xc: {  	[smem:$0x3FB1] =	sst s4  }
0xd: {  	[smem:$0x3FB2] =	sst s5  }
0xe: {  	[smem:$0x3FB3] =	sst s6  }
0xf: {  	[smem:$0x3FB4] =	sst s7  }
0x10: {  	[smem:$0x3FB5] =	sst s8  }
0x11: {  	[smem:$0x3FB6] =	sst s9;
	s0 =	simm.s32 @!p0 $0x0  }
0x12: {  	s1 =	sld [smem:$0x3F9C];
	s0 =	simm.s32 @p0 $0x1  }
0x13: {  	[smem:$0x3FB7] =	sst s0;
	s0 =	simm.s32 @!p1 $0x0  }
0x14: {  	s2 =	sld [smem:$0x3F9B];
	s0 =	simm.s32 @p1 $0x1  }
0x15: {  	[smem:$0x3FB8] =	sst s0;
	s0 =	simm.s32 @!p2 $0x0  }
0x16: {  	s3 =	sld [smem:$0x3FDB];
	s0 =	simm.s32 @p2 $0x1  }
0x17: {  	s4 =	simm.s32 $0x1BF5;
	[smem:$0x3FBA] =	sst s0  }
0x18: {  	s0 =	sld [smem:$0x3F9D];
	_ =	swait.ge [sflag:s4], $0x0  }
0x19: {  	s7 =	sld [smem:$0x3F9E]  }
0x1a: {  	s8 =	sadd.s32 $0xFFFFE003, lr  }
0x1b: {  	s9 =	sadd.s32 $0xFFFFFEF7, lr;
	s5 =	simm.s32 $0xFFFFFFFF;
	p2 =	slt.u32 s8, $0xFFFFF086  }
0x1c: {  	p1 =	slt.u32 s9, $0xF7A;
	s5 =	simm.s32 @!p2 $0x0  }
0x1d: {  	s5 =	simm.s32 @p1 $0x1;
	p0 =	seq.s32 s7, s2  }
0x1e: {  	s7 =	smul.u32 @!p0 $0xF7A, s2;
	p2 =	seq.s32 @!p0 s5, $0x0  }
0x1f: {  	s9 =	smul.u32 $0xF7A, s1;
	s8 =	simm.s32 @!p0 $0x1BF5;
	p2 =	por !p2, p0  }
0x20: {  	[sflag:s8] =	ssyncset.s32 @!p0 $0xFFFFF086;
	s6 =	sadd.s32 @!p0 s3, s7;
	s7 =	simm.s32 @!p0 $0x108  }
0x21: {  	s3 =	sadd.s32 s3, s9;
	s6 =	sadd.s32 @!p0 $0x88, s6;
	s7 =	simm.s32 @p2 $0x1082  }
0x22: {  	[simem:s7], [sflag:s8] =	dma.local @!p0 [hbm:s6], $0xF7A  }
0x23: {  	s9 =	sor.u32 $0xD0000000, s2;
	s6 =	simm.s32 $0x108;
	_ =	swait.ge @!p0 [sflag:s8], $0x0  }
0x24: {  	s3 =	sadd.s32 $0x88, s3;
	s6 =	simm.s32 @!p1 $0x1082;
	[sflag:s4] =	ssyncset.s32 $0xFFFFF086  }
0x25: {  	[simem:s6], [sflag:s4] =	dma.local [hbm:s3], $0xF7A  }
0x26: {  	[smem:$0x3F9E] =	sst s1;
	(tag) =	ssettag s2;
	_ =	strace s9  }
0x27: {  	s1 =	sld [smem:$0x3FAE]  }
0x28: {  	s2 =	sld [smem:$0x3FAF]  }
0x29: {  	s4 =	sld [smem:$0x3FB1]  }
0x2a: {  	p0 =	seq.s32 s5, $0x0;
	s5 =	sld [smem:$0x3FB2]  }
0x2b: {  	s6 =	sld [smem:$0x3FB3]  }
0x2c: {  	s7 =	sld [smem:$0x3FB4]  }
0x2d: {  	s3 =	simm.s32 $0x108;
	s8 =	sld [smem:$0x3FB5]  }
0x2e: {  	s3 =	simm.s32 @!p0 $0x1082;
	s9 =	sld [smem:$0x3FB6]  }
0x2f: {  	lr =	sadd.s32 s0, s3;
	s0 =	sld [smem:$0x3FAD]  }
0x30: {  	s3 =	sld [smem:$0x3FB0]  }
0x31: {  	[smem:$0x3FB9] =	sst s10  }
0x32: {  	s10 =	sld [smem:$0x3FB7];
	_ =	sdelay $0x3  }
0x33: {  	p0 =	seq.s32 s10, $0x1;
	s10 =	sld [smem:$0x3FB9];
	_ =	sdelay $0x3  }
0x34: {  	[smem:$0x3FB9] =	sst s10  }
0x35: {  	s10 =	sld [smem:$0x3FB8];
	_ =	sdelay $0x3  }
0x36: {  	p1 =	seq.s32 s10, $0x1;
	s10 =	sld [smem:$0x3FB9];
	_ =	sdelay $0x3  }
0x37: {  	[smem:$0x3FB9] =	sst s10  }
0x38: {  	s10 =	sld [smem:$0x3FBA]  }
0x39: {  	_ = 	snop;
	(pc) =	sbr.ind lr, $3  }
0x3a: {  	_ = 	snop  }
0x3b: {  	_ = 	snop  }
0x3c: {  	p2 =	seq.s32 s10, $0x1;
	s10 =	sld [smem:$0x3FB9]  }
0x3d: {  	_ =	shalt  }
0x3e: {  	_ =	shalt  }
0x3f: {  	_ =	shalt  }
0x40: {  	_ =	shalt  }
0x41: {  	_ =	shalt  }
0x42: {  	_ =	shalt  }
0x43: {  	_ =	shalt  }
0x44: {  	_ =	shalt  }
0x45: {  	_ =	shalt  }
0x46: {  	_ =	shalt  }
0x47: {  	_ =	shalt  }
0x48: {  	_ =	shalt  }
0x49: {  	_ =	shalt  }
0x4a: {  	_ =	shalt  }
0x4b: {  	_ =	shalt  }
0x4c: {  	_ =	shalt  }
0x4d: {  	_ =	shalt  }
0x4e: {  	_ =	shalt  }
0x4f: {  	_ =	shalt  }
0x50: {  	_ =	shalt  }
0x51: {  	_ =	shalt  }
0x52: {  	_ =	shalt  }
0x53: {  	_ =	shalt  }
0x54: {  	_ =	shalt  }
0x55: {  	_ =	shalt  }
0x56: {  	_ =	shalt  }
0x57: {  	_ =	shalt  }
0x58: {  	_ =	shalt  }
0x59: {  	_ =	shalt  }
0x5a: {  	_ =	shalt  }
0x5b: {  	_ =	shalt  }
0x5c: {  	_ =	shalt  }
0x5d: {  	_ =	shalt  }
0x5e: {  	_ =	shalt  }
0x5f: {  	_ =	shalt  }
0x60: {  	_ =	shalt  }
0x61: {  	_ =	shalt  }
0x62: {  	_ =	shalt  }
0x63: {  	_ =	shalt  }
0x64: {  	_ =	shalt  }
0x65: {  	_ =	shalt  }
0x66: {  	_ =	shalt  }
0x67: {  	_ =	shalt  }
0x68: {  	_ =	shalt  }
0x69: {  	_ =	shalt  }
0x6a: {  	_ =	shalt  }
0x6b: {  	_ =	shalt  }
0x6c: {  	_ =	shalt  }
0x6d: {  	_ =	shalt  }
0x6e: {  	_ =	shalt  }
0x6f: {  	_ =	shalt  }
0x70: {  	_ =	shalt  }
0x71: {  	_ =	shalt  }
0x72: {  	_ =	shalt  }
0x73: {  	_ =	shalt  }
0x74: {  	_ =	shalt  }
0x75: {  	_ =	shalt  }
0x76: {  	_ =	shalt  }
0x77: {  	_ =	shalt  }
0x78: {  	_ =	shalt  }
0x79: {  	_ =	shalt  }
0x7a: {  	_ =	shalt  }
0x7b: {  	_ =	shalt  }
0x7c: {  	_ =	shalt  }
0x7d: {  	_ =	shalt  }
0x7e: {  	_ =	shalt  }
0x7f: {  	_ =	shalt  }
0x80: {  	_ =	shalt  }
0x81: {  	_ =	shalt  }
0x82: {  	_ =	shalt  }
0x83: {  	_ =	shalt  }
0x84: {  	_ =	shalt  }
0x85: {  	_ =	shalt  }
0x86: {  	_ =	shalt  }
0x87: {  	_ =	shalt  }
.Lfunc_end0:
.L_simem_size_0:
called_computation.2_lowered:
.L_overlay_start_0:
0x88: {  	s2 =	sld [smem:$0x3FD9]  }
0x89: {  	s3 =	sld [smem:$0x3FFE];
	_ =	sdelay $0x1  }
0x8a: {  	s1 =	srdreg.scid  }
0x8b: {  	s0 =	sand.u32 $0x1, s1  }
0x8c: {  	s17 =	sshll.u32 s0, $0xA;
	s2 =	sadd.s32 s3, s2  }
0x8d: {  	s2 =	sadd.s32 s2, s17  }
0x8e: {  	[smem:$0x3FC5] =	sst s2  }
0x8f: {  	_ = 	snop  }
0x90: {  	(tm) =	ssettm $0x1  }
0x91: {  	s18 =	sld [smem:$0x3FFB];
	_ =	sdelay $0x3  }
0x92: {  	_ =	strace s18  }
0x93: {  	s2 =	sld [smem:$0x3FFC];
	_ =	sdelay $0x3  }
0x94: {  	_ =	strace s2  }
0x95: {  	s2 =	sld [smem:$0x3FFD];
	_ =	sdelay $0x3  }
0x96: {  	_ =	strace s2  }
0x97: {  	_ =	strace $0x8FFFFFFF  }
0x98: {  	s19 =	sld [smem:$0x3FDB];
	_ =	sdelay $0x1  }
0x99: {  	s20 =	simm.s32 $_scs_section_size  }
0x9a: {  	s4 =	simm.s32 $_size__tile_overlayer_lowered;
	s5 =	simm.s32 $_tile_overlayer_lowered  }
0x9b: {  	s6 =	simm.s32 $0x1BFF;
	s21 =	sshll.u32 s5, $0x1;
	s3 =	sadd.s32 s20, s19  }
0x9c: {  	s22 =	simm.s32 $0x0;
	s4 =	sshll.u32 s4, $0x1;
	s5 =	sadd.s32 s21, s3  }
0x9d: {  	[timem:s22], [sflag:s6] =	dma.local [hbm:s5], s4  }
0x9e: {  	_ =	swait.ge [sflag:s6], s4  }
0x9f: {  	s4 =	ssub.s32 $0x0, s4;
	[sflag:s6] =	ssyncset.done $0x0  }
0xa0: {  	[sflag:s6] =	ssyncadd.s32 s4;
	_ =	sdelay $0x1  }
0xa1: {  	s23 =	simm.s32 $0x1B8B  }
0xa2: {  	_ =	swait.ge [sflag:s23], $0x1  }
0xa3: {  	[sflag:s23] =	ssyncset.done $0x0  }
0xa4: {  	[sflag:s23] =	ssyncadd.s32 $0xFFFFFFFF  }
0xa5: {  	s4 =	sld [smem:$0x0]  }
0xa6: {  	s5 =	sand.u32 $0xFFFFFFFE, s1  }
0xa7: {  	p0 =	sne.s32 s1, s5  }
0xa8: {  	s5 =	sshll.u32 @p0 s5, $0xE  }
0xa9: {  	s5 =	sadd.s32 @p0 $0x11B8D, s5;
	s6 =	sshll.u32 @p0 s4, $0x11  }
0xaa: {  	s5 =	sor.u32 @p0 s6, s5  }
0xab: {  	[sflag:s5] =	ssyncadd.remote.s32 @p0 $0x1;
	_ =	sdelay $0x1  }
0xac: {  	s5 =	simm.s32 @p0 $0x1B8D  }
0xad: {  	_ =	swait.eq @p0 [sflag:s5], $0x1  }
0xae: {  	[sflag:s5] =	ssyncadd.s32 @p0 $0xFFFFFFFF  }
0xaf: {  	s6 =	sshll.u32 @!p0 s1, $0xE  }
0xb0: {  	s6 =	sor.u32 @!p0 $0x4000, s6;
	s5 =	simm.s32 @!p0 $0x1B8D  }
0xb1: {  	s4 =	sshll.u32 @!p0 s4, $0x11;
	s6 =	sadd.s32 @!p0 $0x11B8D, s6;
	_ =	swait.eq @!p0 [sflag:s5], $0x1  }
0xb2: {  	s4 =	sor.u32 @!p0 s4, s6;
	[sflag:s5] =	ssyncadd.s32 @!p0 $0xFFFFFFFF  }
0xb3: {  	s25 =	simm.s32 $0x1B8E;
	s24 =	sld [smem:$0x3FFE];
	[sflag:s4] =	ssyncadd.remote.s32 @!p0 $0x1  }
0xb4: {  	s26 =	simm.s32 $execute0_lowered;
	[smem:$0x3FD2] =	sst s25  }
0xb5: {  	s5 =	sshll.u32 s26, $0x1;
	_ =	strace $0x8000004C;
	[dreg:$0x1] =	wrdreg $0xFFFFFFFF  }
0xb6: {  	s28 =	simm.s32 $_size_execute0_lowered;
	s3 =	sadd.s32 s3, s5;
	[dreg:$0x0] =	wrdreg $0x0  }
0xb7: {  	s5 =	sshll.u32 s28, $0x1;
	[dreg:$0x2] =	wrdreg s3  }
0xb8: {  	[dreg:$0x3] =	wrdreg s5  }
0xb9: {  	[dreg:$0x4] =	wrdreg $0xC0  }
0xba: {  	_ =	task [dreg:s22], $0x5FFFF  }
0xbb: {  	[dreg:$0x1] =	wrdreg $0xFFFFFFFF  }
0xbc: {  	[dreg:$0x0] =	wrdreg $0x60  }
0xbd: {  	[dreg:$0x2] =	wrdreg s24  }
0xbe: {  	[dreg:$0x3] =	wrdreg $0xA  }
0xbf: {  	_ =	task.clear_ibuf [dreg:s22], $0x4FFFF;
	_ =	strace $0x9000004C  }
0xc0: {  	s29 =	simm.s32 $0xA;
	_ =	strace $0x8000004E  }
0xc1: {  	_ =	swait.ge [sflag:s29], $0x1  }
0xc2: {  	[sflag:s29] =	ssyncadd.s32 $0xFFFFFFFF  }
0xc3: {  	_ =	strace $0x9000004E  }
0xc4: {  	_ =	sfence  }
0xc5: {  	s30 =	sld [smem:$0x0];
	_ =	sdelay $0x2  }
0xc6: {  	s31 =	sshll.u32 s1, $0xD;
	s1 =	sshrl.u32 s1, $0x2  }
0xc7: {  	s4 =	sand.u32 $0x4000, s31;
	s1 =	sadd.s32 s1, s30  }
0xc8: {  	s0 =	sor.u32 s4, s0;
	s1 =	sshll.u32 s1, $0x11  }
0xc9: {  	s0 =	sor.u32 s1, s0  }
0xca: {  	s0 =	sadd.s32 $0x8F2B, s0  }
0xcb: {  	[sflag:s0] =	ssyncadd.remote.s32 $0x1  }
0xcc: {  	_ =	sfence.sel $0xFFFF  }
0xcd: {  	[dreg:$0x0] =	wrdreg $0xFFFFFFFF;
	(pc) =	sbr.abs _section_cstart, $3  }
0xce: {  	[dreg:$0x1] =	wrdreg $0xFFFFFFFF  }
0xcf: {  	_ =	task.clear_ibuf [dreg:s22], $0x2FFFF;
	_ =	strace $0x9FFFFFFF  }
0xd0: {  	(tm) =	ssettm $0x7FFFFFFF  }
0xd1: {  	_ =	shalt  }
tec
execute0_lowered:
.L_overlay_start_1:
0x0: {  	(tag) =	ssettag $0x1  }
0x1: {  	s4 =	rddreg [dreg:$0x0];
	s0 =	srdreg.scid  }
0x2: {  	s1 =	stileid.u32;
	s2 =	simm.s32 $0x0;
	s31 =	sand.u32 $0x1, s0  }
0x3: {  	s1 =	sshll.u32 s1, $0xE;
	[smem:$0x7FF] =	sst s2;
	s3 =	sshll.u32 s31, $0xD  }
0x4: {  	s30 =	sadd.s32 $0x320000, s4;
	s0 =	sadd.s32 $0x728000, s4;
	s1 =	sor.u32 s3, s1  }
0x5: {  	_ =	strace $0x8000004D;
	s3 =	sshrl.u32 s1, $0x3;
	s5 =	sshll.u32 s1, $0x4  }
0x6: {  	s9 =	sor.u32 $0x200, s1;
	s6 =	sor.u32 $0x400, s1;
	s3 =	sadd.s32 s30, s3  }
0x7: {  	s8 =	sadd.s32 s0, s5;
	s10 =	sshrl.u32 s9, $0x3;
	[dreg:$0x2] =	wrdreg s3  }
0x8: {  	s5 =	sshll.u32 s9, $0x4;
	[dreg:$0x3] =	wrdreg s8;
	s3 =	sadd.s32 s30, s10  }
0x9: {  	s12 =	sshrl.u32 s6, $0x3;
	s11 =	sadd.s32 s0, s5;
	[dreg:$0x4] =	wrdreg s3  }
0xa: {  	s14 =	sshll.u32 s6, $0x4;
	s13 =	sadd.s32 s30, s12;
	[dreg:$0x5] =	wrdreg s11  }
0xb: {  	s16 =	sor.u32 $0x600, s1;
	s15 =	sadd.s32 s0, s14;
	[dreg:$0x6] =	wrdreg s13  }
0xc: {  	s17 =	sshrl.u32 s16, $0x3;
	[dreg:$0x7] =	wrdreg s15  }
0xd: {  	s5 =	sshll.u32 s16, $0x4;
	s3 =	sadd.s32 s30, s17;
	s18 =	rddreg [dreg:$0x2]  }
0xe: {  	s19 =	sadd.s32 s0, s5;
	[dreg:$0x8] =	wrdreg s3  }
0xf: {  	[dreg:$0x9] =	wrdreg s19;
	s3 =	simm.s32 $0x2  }
0x10: {  	[tilespmem:s2], [sflag:$0x2] =	stream.linear.gather [hbm4b:s18+s2], $0x200, $0x38;
	[tilespmem:$0x10200] =	vst v63  }
0x11: {  	_ =	swait.ge [sflag:s3], $0x200  }
0x12: {  	s4 =	sadd.s32 $0x100000, s4;
	[sflag:s3] =	ssyncset.done $0x0  }
0x13: {  	s6 =	simm.s32 $0x1;
	s5 =	simm.s32 $0x200;
	[sflag:s3] =	ssyncadd.s32 $0xFFFFFE00  }
0x14: {  	[tilespmem:s5], [sflag:$0x1] =	stream.indirect.gather [hbm4b:s4+s5], $0x80, s2, s5, $0xb8;
	[tilespmem:$0x10200] =	vst v63  }
0x15: {  	_ =	swait.ge [sflag:s6], $0x10000  }
0x16: {  	[sflag:s6] =	ssyncset.done $0x0  }
0x17: {  	s7 =	rddreg [dreg:$0x3];
	[sflag:s6] =	ssyncadd.s32 $0xFFFF0000  }
0x18: {  	[hbm4b:s7+s2] =	stream.linear.scatter [tilespmem:s5], [sflag:$0x2], $0x10000, $0x38;
	[tilespmem:$0x10200] =	vst v63  }
0x19: {  	_ =	swait.ge [sflag:s3], $0x10000  }
0x1a: {  	[sflag:s3] =	ssyncset.done $0x0  }
0x1b: {  	s20 =	rddreg [dreg:$0x4];
	[sflag:s3] =	ssyncadd.s32 $0xFFFF0000  }
0x1c: {  	[tilespmem:s2], [sflag:$0x2] =	stream.linear.gather [hbm4b:s20+s2], $0x200, $0x38;
	[tilespmem:$0x10200] =	vst v63  }
0x1d: {  	_ =	swait.ge [sflag:s3], $0x200  }
0x1e: {  	[sflag:s3] =	ssyncset.done $0x0  }
0x1f: {  	[sflag:s3] =	ssyncadd.s32 $0xFFFFFE00  }
0x20: {  	[tilespmem:s5], [sflag:$0x1] =	stream.indirect.gather [hbm4b:s4+s5], $0x80, s2, s5, $0xb8;
	[tilespmem:$0x10200] =	vst v63  }
0x21: {  	_ =	swait.ge [sflag:s6], $0x10000  }
0x22: {  	[sflag:s6] =	ssyncset.done $0x0  }
0x23: {  	s21 =	rddreg [dreg:$0x5];
	[sflag:s6] =	ssyncadd.s32 $0xFFFF0000  }
0x24: {  	[hbm4b:s21+s2] =	stream.linear.scatter [tilespmem:s5], [sflag:$0x2], $0x10000, $0x38;
	[tilespmem:$0x10200] =	vst v63  }
0x25: {  	_ =	swait.ge [sflag:s3], $0x10000  }
0x26: {  	[sflag:s3] =	ssyncset.done $0x0  }
0x27: {  	s22 =	rddreg [dreg:$0x6];
	[sflag:s3] =	ssyncadd.s32 $0xFFFF0000  }
0x28: {  	[tilespmem:s2], [sflag:$0x2] =	stream.linear.gather [hbm4b:s22+s2], $0x200, $0x38;
	[tilespmem:$0x10200] =	vst v63  }
0x29: {  	_ =	swait.ge [sflag:s3], $0x200  }
0x2a: {  	[sflag:s3] =	ssyncset.done $0x0  }
0x2b: {  	[sflag:s3] =	ssyncadd.s32 $0xFFFFFE00  }
0x2c: {  	[tilespmem:s5], [sflag:$0x1] =	stream.indirect.gather [hbm4b:s4+s5], $0x80, s2, s5, $0xb8;
	[tilespmem:$0x10200] =	vst v63  }
0x2d: {  	_ =	swait.ge [sflag:s6], $0x10000  }
0x2e: {  	[sflag:s6] =	ssyncset.done $0x0  }
0x2f: {  	s23 =	rddreg [dreg:$0x7];
	[sflag:s6] =	ssyncadd.s32 $0xFFFF0000  }
0x30: {  	[hbm4b:s23+s2] =	stream.linear.scatter [tilespmem:s5], [sflag:$0x2], $0x10000, $0x38;
	[tilespmem:$0x10200] =	vst v63  }
0x31: {  	_ =	swait.ge [sflag:s3], $0x10000  }
0x32: {  	[sflag:s3] =	ssyncset.done $0x0  }
0x33: {  	s24 =	rddreg [dreg:$0x8];
	[sflag:s3] =	ssyncadd.s32 $0xFFFF0000  }
0x34: {  	[tilespmem:s2], [sflag:$0x2] =	stream.linear.gather [hbm4b:s24+s2], $0x200, $0x38;
	[tilespmem:$0x10200] =	vst v63  }
0x35: {  	_ =	swait.ge [sflag:s3], $0x200  }
0x36: {  	[sflag:s3] =	ssyncset.done $0x0  }
0x37: {  	[sflag:s3] =	ssyncadd.s32 $0xFFFFFE00  }
0x38: {  	[tilespmem:s5], [sflag:$0x1] =	stream.indirect.gather [hbm4b:s4+s5], $0x80, s2, s5, $0xb8;
	[tilespmem:$0x10200] =	vst v63  }
0x39: {  	_ =	swait.ge [sflag:s6], $0x10000  }
0x3a: {  	[sflag:s6] =	ssyncset.done $0x0  }
0x3b: {  	s25 =	rddreg [dreg:$0x9];
	[sflag:s6] =	ssyncadd.s32 $0xFFFF0000  }
0x3c: {  	[hbm4b:s25+s2] =	stream.linear.scatter [tilespmem:s5], [sflag:$0x2], $0x10000, $0x38;
	[tilespmem:$0x10200] =	vst v63  }
0x3d: {  	s8 =	sor.u32 $0x800, s1;
	_ =	swait.ge [sflag:s3], $0x10000  }
0x3e: {  	s26 =	sshrl.u32 s8, $0x3;
	[sflag:s3] =	ssyncset.done $0x0  }
0x3f: {  	s7 =	sadd.s32 s30, s26;
	[sflag:s3] =	ssyncadd.s32 $0xFFFF0000  }
0x40: {  	[tilespmem:s2], [sflag:$0x2] =	stream.linear.gather [hbm4b:s7+s2], $0x200, $0x38;
	[tilespmem:$0x10200] =	vst v63  }
0x41: {  	_ =	swait.ge [sflag:s3], $0x200  }
0x42: {  	[sflag:s3] =	ssyncset.done $0x0  }
0x43: {  	[sflag:s3] =	ssyncadd.s32 $0xFFFFFE00  }
0x44: {  	[tilespmem:s5], [sflag:$0x1] =	stream.indirect.gather [hbm4b:s4+s5], $0x80, s2, s5, $0xb8;
	[tilespmem:$0x10200] =	vst v63  }
0x45: {  	_ =	swait.ge [sflag:s6], $0x10000  }
0x46: {  	s8 =	sshll.u32 s8, $0x4;
	[sflag:s6] =	ssyncset.done $0x0  }
0x47: {  	s8 =	sadd.s32 s0, s8;
	[sflag:s6] =	ssyncadd.s32 $0xFFFF0000  }
0x48: {  	[hbm4b:s8+s2] =	stream.linear.scatter [tilespmem:s5], [sflag:$0x2], $0x10000, $0x38;
	[tilespmem:$0x10200] =	vst v63  }
0x49: {  	s10 =	sor.u32 $0xA00, s1;
	_ =	swait.ge [sflag:s3], $0x10000  }
0x4a: {  	s9 =	sshrl.u32 s10, $0x3;
	[sflag:s3] =	ssyncset.done $0x0  }
0x4b: {  	s9 =	sadd.s32 s30, s9;
	[sflag:s3] =	ssyncadd.s32 $0xFFFF0000  }
0x4c: {  	[tilespmem:s2], [sflag:$0x2] =	stream.linear.gather [hbm4b:s9+s2], $0x200, $0x38;
	[tilespmem:$0x10200] =	vst v63  }
0x4d: {  	_ =	swait.ge [sflag:s3], $0x200  }
0x4e: {  	[sflag:s3] =	ssyncset.done $0x0  }
0x4f: {  	[sflag:s3] =	ssyncadd.s32 $0xFFFFFE00  }
0x50: {  	[tilespmem:s5], [sflag:$0x1] =	stream.indirect.gather [hbm4b:s4+s5], $0x80, s2, s5, $0xb8;
	[tilespmem:$0x10200] =	vst v63  }
0x51: {  	_ =	swait.ge [sflag:s6], $0x10000  }
0x52: {  	s10 =	sshll.u32 s10, $0x4;
	[sflag:s6] =	ssyncset.done $0x0  }
0x53: {  	s10 =	sadd.s32 s0, s10;
	[sflag:s6] =	ssyncadd.s32 $0xFFFF0000  }
0x54: {  	[hbm4b:s10+s2] =	stream.linear.scatter [tilespmem:s5], [sflag:$0x2], $0x10000, $0x38;
	[tilespmem:$0x10200] =	vst v63  }
0x55: {  	s12 =	sor.u32 $0xC00, s1;
	_ =	swait.ge [sflag:s3], $0x10000  }
0x56: {  	s11 =	sshrl.u32 s12, $0x3;
	[sflag:s3] =	ssyncset.done $0x0  }
0x57: {  	s11 =	sadd.s32 s30, s11;
	[sflag:s3] =	ssyncadd.s32 $0xFFFF0000  }
0x58: {  	[tilespmem:s2], [sflag:$0x2] =	stream.linear.gather [hbm4b:s11+s2], $0x200, $0x38;
	[tilespmem:$0x10200] =	vst v63  }
0x59: {  	_ =	swait.ge [sflag:s3], $0x200  }
0x5a: {  	[sflag:s3] =	ssyncset.done $0x0  }
0x5b: {  	[sflag:s3] =	ssyncadd.s32 $0xFFFFFE00  }
0x5c: {  	[tilespmem:s5], [sflag:$0x1] =	stream.indirect.gather [hbm4b:s4+s5], $0x80, s2, s5, $0xb8;
	[tilespmem:$0x10200] =	vst v63  }
0x5d: {  	_ =	swait.ge [sflag:s6], $0x10000  }
0x5e: {  	s12 =	sshll.u32 s12, $0x4;
	[sflag:s6] =	ssyncset.done $0x0  }
0x5f: {  	s12 =	sadd.s32 s0, s12;
	[sflag:s6] =	ssyncadd.s32 $0xFFFF0000  }
0x60: {  	[hbm4b:s12+s2] =	stream.linear.scatter [tilespmem:s5], [sflag:$0x2], $0x10000, $0x38;
	[tilespmem:$0x10200] =	vst v63  }
0x61: {  	s14 =	sor.u32 $0xE00, s1;
	_ =	swait.ge [sflag:s3], $0x10000  }
0x62: {  	s13 =	sshrl.u32 s14, $0x3;
	[sflag:s3] =	ssyncset.done $0x0  }
0x63: {  	s13 =	sadd.s32 s30, s13;
	[sflag:s3] =	ssyncadd.s32 $0xFFFF0000  }
0x64: {  	[tilespmem:s2], [sflag:$0x2] =	stream.linear.gather [hbm4b:s13+s2], $0x200, $0x38;
	[tilespmem:$0x10200] =	vst v63  }
0x65: {  	_ =	swait.ge [sflag:s3], $0x200  }
0x66: {  	[sflag:s3] =	ssyncset.done $0x0  }
0x67: {  	[sflag:s3] =	ssyncadd.s32 $0xFFFFFE00  }
0x68: {  	[tilespmem:s5], [sflag:$0x1] =	stream.indirect.gather [hbm4b:s4+s5], $0x80, s2, s5, $0xb8;
	[tilespmem:$0x10200] =	vst v63  }
0x69: {  	_ =	swait.ge [sflag:s6], $0x10000  }
0x6a: {  	s14 =	sshll.u32 s14, $0x4;
	[sflag:s6] =	ssyncset.done $0x0  }
0x6b: {  	s14 =	sadd.s32 s0, s14;
	[sflag:s6] =	ssyncadd.s32 $0xFFFF0000  }
0x6c: {  	[hbm4b:s14+s2] =	stream.linear.scatter [tilespmem:s5], [sflag:$0x2], $0x10000, $0x38;
	[tilespmem:$0x10200] =	vst v63  }
0x6d: {  	s16 =	sor.u32 $0x1000, s1;
	_ =	swait.ge [sflag:s3], $0x10000  }
0x6e: {  	s15 =	sshrl.u32 s16, $0x3;
	[sflag:s3] =	ssyncset.done $0x0  }
0x6f: {  	s15 =	sadd.s32 s30, s15;
	[sflag:s3] =	ssyncadd.s32 $0xFFFF0000  }
0x70: {  	[tilespmem:s2], [sflag:$0x2] =	stream.linear.gather [hbm4b:s15+s2], $0x200, $0x38;
	[tilespmem:$0x10200] =	vst v63  }
0x71: {  	_ =	swait.ge [sflag:s3], $0x200  }
0x72: {  	[sflag:s3] =	ssyncset.done $0x0  }
0x73: {  	[sflag:s3] =	ssyncadd.s32 $0xFFFFFE00  }
0x74: {  	[tilespmem:s5], [sflag:$0x1] =	stream.indirect.gather [hbm4b:s4+s5], $0x80, s2, s5, $0xb8;
	[tilespmem:$0x10200] =	vst v63  }
0x75: {  	_ =	swait.ge [sflag:s6], $0x10000  }
0x76: {  	s16 =	sshll.u32 s16, $0x4;
	[sflag:s6] =	ssyncset.done $0x0  }
0x77: {  	s16 =	sadd.s32 s0, s16;
	[sflag:s6] =	ssyncadd.s32 $0xFFFF0000  }
0x78: {  	[hbm4b:s16+s2] =	stream.linear.scatter [tilespmem:s5], [sflag:$0x2], $0x10000, $0x38;
	[tilespmem:$0x10200] =	vst v63  }
0x79: {  	s18 =	sor.u32 $0x1200, s1;
	_ =	swait.ge [sflag:s3], $0x10000  }
0x7a: {  	s17 =	sshrl.u32 s18, $0x3;
	[sflag:s3] =	ssyncset.done $0x0  }
0x7b: {  	s17 =	sadd.s32 s30, s17;
	[sflag:s3] =	ssyncadd.s32 $0xFFFF0000  }
0x7c: {  	[tilespmem:s2], [sflag:$0x2] =	stream.linear.gather [hbm4b:s17+s2], $0x200, $0x38;
	[tilespmem:$0x10200] =	vst v63  }
0x7d: {  	_ =	swait.ge [sflag:s3], $0x200  }
0x7e: {  	[sflag:s3] =	ssyncset.done $0x0  }
0x7f: {  	[sflag:s3] =	ssyncadd.s32 $0xFFFFFE00  }
0x80: {  	[tilespmem:s5], [sflag:$0x1] =	stream.indirect.gather [hbm4b:s4+s5], $0x80, s2, s5, $0xb8;
	[tilespmem:$0x10200] =	vst v63  }
0x81: {  	_ =	swait.ge [sflag:s6], $0x10000  }
0x82: {  	s18 =	sshll.u32 s18, $0x4;
	[sflag:s6] =	ssyncset.done $0x0  }
0x83: {  	s18 =	sadd.s32 s0, s18;
	[sflag:s6] =	ssyncadd.s32 $0xFFFF0000  }
0x84: {  	[hbm4b:s18+s2] =	stream.linear.scatter [tilespmem:s5], [sflag:$0x2], $0x10000, $0x38;
	[tilespmem:$0x10200] =	vst v63  }
0x85: {  	s20 =	sor.u32 $0x1400, s1;
	_ =	swait.ge [sflag:s3], $0x10000  }
0x86: {  	s19 =	sshrl.u32 s20, $0x3;
	[sflag:s3] =	ssyncset.done $0x0  }
0x87: {  	s19 =	sadd.s32 s30, s19;
	[sflag:s3] =	ssyncadd.s32 $0xFFFF0000  }
0x88: {  	[tilespmem:s2], [sflag:$0x2] =	stream.linear.gather [hbm4b:s19+s2], $0x200, $0x38;
	[tilespmem:$0x10200] =	vst v63  }
0x89: {  	_ =	swait.ge [sflag:s3], $0x200  }
0x8a: {  	[sflag:s3] =	ssyncset.done $0x0  }
0x8b: {  	[sflag:s3] =	ssyncadd.s32 $0xFFFFFE00  }
0x8c: {  	[tilespmem:s5], [sflag:$0x1] =	stream.indirect.gather [hbm4b:s4+s5], $0x80, s2, s5, $0xb8;
	[tilespmem:$0x10200] =	vst v63  }
0x8d: {  	_ =	swait.ge [sflag:s6], $0x10000  }
0x8e: {  	s20 =	sshll.u32 s20, $0x4;
	[sflag:s6] =	ssyncset.done $0x0  }
0x8f: {  	s20 =	sadd.s32 s0, s20;
	[sflag:s6] =	ssyncadd.s32 $0xFFFF0000  }
0x90: {  	[hbm4b:s20+s2] =	stream.linear.scatter [tilespmem:s5], [sflag:$0x2], $0x10000, $0x38;
	[tilespmem:$0x10200] =	vst v63  }
0x91: {  	s22 =	sor.u32 $0x1600, s1;
	_ =	swait.ge [sflag:s3], $0x10000  }
0x92: {  	s21 =	sshrl.u32 s22, $0x3;
	[sflag:s3] =	ssyncset.done $0x0  }
0x93: {  	s21 =	sadd.s32 s30, s21;
	[sflag:s3] =	ssyncadd.s32 $0xFFFF0000  }
0x94: {  	[tilespmem:s2], [sflag:$0x2] =	stream.linear.gather [hbm4b:s21+s2], $0x200, $0x38;
	[tilespmem:$0x10200] =	vst v63  }
0x95: {  	_ =	swait.ge [sflag:s3], $0x200  }
0x96: {  	[sflag:s3] =	ssyncset.done $0x0  }
0x97: {  	[sflag:s3] =	ssyncadd.s32 $0xFFFFFE00  }
0x98: {  	[tilespmem:s5], [sflag:$0x1] =	stream.indirect.gather [hbm4b:s4+s5], $0x80, s2, s5, $0xb8;
	[tilespmem:$0x10200] =	vst v63  }
0x99: {  	_ =	swait.ge [sflag:s6], $0x10000  }
0x9a: {  	s22 =	sshll.u32 s22, $0x4;
	[sflag:s6] =	ssyncset.done $0x0  }
0x9b: {  	s22 =	sadd.s32 s0, s22;
	[sflag:s6] =	ssyncadd.s32 $0xFFFF0000  }
0x9c: {  	[hbm4b:s22+s2] =	stream.linear.scatter [tilespmem:s5], [sflag:$0x2], $0x10000, $0x38;
	[tilespmem:$0x10200] =	vst v63  }
0x9d: {  	s24 =	sor.u32 $0x1800, s1;
	_ =	swait.ge [sflag:s3], $0x10000  }
0x9e: {  	s23 =	sshrl.u32 s24, $0x3;
	[sflag:s3] =	ssyncset.done $0x0  }
0x9f: {  	s23 =	sadd.s32 s30, s23;
	[sflag:s3] =	ssyncadd.s32 $0xFFFF0000  }
0xa0: {  	[tilespmem:s2], [sflag:$0x2] =	stream.linear.gather [hbm4b:s23+s2], $0x200, $0x38;
	[tilespmem:$0x10200] =	vst v63  }
0xa1: {  	_ =	swait.ge [sflag:s3], $0x200  }
0xa2: {  	[sflag:s3] =	ssyncset.done $0x0  }
0xa3: {  	[sflag:s3] =	ssyncadd.s32 $0xFFFFFE00  }
0xa4: {  	[tilespmem:s5], [sflag:$0x1] =	stream.indirect.gather [hbm4b:s4+s5], $0x80, s2, s5, $0xb8;
	[tilespmem:$0x10200] =	vst v63  }
0xa5: {  	_ =	swait.ge [sflag:s6], $0x10000  }
0xa6: {  	s24 =	sshll.u32 s24, $0x4;
	[sflag:s6] =	ssyncset.done $0x0  }
0xa7: {  	s24 =	sadd.s32 s0, s24;
	[sflag:s6] =	ssyncadd.s32 $0xFFFF0000  }
0xa8: {  	[hbm4b:s24+s2] =	stream.linear.scatter [tilespmem:s5], [sflag:$0x2], $0x10000, $0x38;
	[tilespmem:$0x10200] =	vst v63  }
0xa9: {  	s26 =	sor.u32 $0x1A00, s1;
	_ =	swait.ge [sflag:s3], $0x10000  }
0xaa: {  	s25 =	sshrl.u32 s26, $0x3;
	[sflag:s3] =	ssyncset.done $0x0  }
0xab: {  	s25 =	sadd.s32 s30, s25;
	[sflag:s3] =	ssyncadd.s32 $0xFFFF0000  }
0xac: {  	[tilespmem:s2], [sflag:$0x2] =	stream.linear.gather [hbm4b:s25+s2], $0x200, $0x38;
	[tilespmem:$0x10200] =	vst v63  }
0xad: {  	_ =	swait.ge [sflag:s3], $0x200  }
0xae: {  	[sflag:s3] =	ssyncset.done $0x0  }
0xaf: {  	[sflag:s3] =	ssyncadd.s32 $0xFFFFFE00  }
0xb0: {  	[tilespmem:s5], [sflag:$0x1] =	stream.indirect.gather [hbm4b:s4+s5], $0x80, s2, s5, $0xb8;
	[tilespmem:$0x10200] =	vst v63  }
0xb1: {  	_ =	swait.ge [sflag:s6], $0x10000  }
0xb2: {  	s26 =	sshll.u32 s26, $0x4;
	[sflag:s6] =	ssyncset.done $0x0  }
0xb3: {  	s26 =	sadd.s32 s0, s26;
	[dreg:$0xa] =	wrdreg s0;
	[sflag:s6] =	ssyncadd.s32 $0xFFFF0000  }
0xb4: {  	[hbm4b:s26+s2] =	stream.linear.scatter [tilespmem:s5], [sflag:$0x2], $0x10000, $0x38;
	[tilespmem:$0x10200] =	vst v63  }
0xb5: {  	s29 =	sor.u32 $0x1C00, s1;
	_ =	swait.ge [sflag:s3], $0x10000  }
0xb6: {  	s28 =	sshrl.u32 s29, $0x3;
	[sflag:s3] =	ssyncset.done $0x0  }
0xb7: {  	s28 =	sadd.s32 s30, s28;
	[sflag:s3] =	ssyncadd.s32 $0xFFFF0000  }
0xb8: {  	[tilespmem:s2], [sflag:$0x2] =	stream.linear.gather [hbm4b:s28+s2], $0x200, $0x38;
	[tilespmem:$0x10200] =	vst v63  }
0xb9: {  	_ =	swait.ge [sflag:s3], $0x200  }
0xba: {  	[sflag:s3] =	ssyncset.done $0x0  }
0xbb: {  	[sflag:s3] =	ssyncadd.s32 $0xFFFFFE00  }
0xbc: {  	[tilespmem:s5], [sflag:$0x1] =	stream.indirect.gather [hbm4b:s4+s5], $0x80, s2, s5, $0xb8;
	[tilespmem:$0x10200] =	vst v63  }
0xbd: {  	_ =	swait.ge [sflag:s6], $0x10000  }
0xbe: {  	s29 =	sshll.u32 s29, $0x4;
	[sflag:s6] =	ssyncset.done $0x0  }
0xbf: {  	s29 =	sadd.s32 s0, s29;
	s1 =	sor.u32 $0x1E00, s1;
	[sflag:s6] =	ssyncadd.s32 $0xFFFF0000  }
0xc0: {  	[hbm4b:s29+s2] =	stream.linear.scatter [tilespmem:s5], [sflag:$0x2], $0x10000, $0x38;
	[tilespmem:$0x10200] =	vst v63  }
0xc1: {  	s0 =	sshrl.u32 s1, $0x3;
	_ =	swait.ge [sflag:s3], $0x10000  }
0xc2: {  	s30 =	sadd.s32 s30, s0;
	s0 =	ssub.s32 $0x2, s31;
	[sflag:s3] =	ssyncset.done $0x0  }
0xc3: {  	s31 =	sshrl.u32 s0, $0x1;
	[sflag:s3] =	ssyncadd.s32 $0xFFFF0000  }
0xc4: {  	[tilespmem:s2], [sflag:$0x2] =	stream.linear.gather [hbm4b:s30+s2], $0x200, $0x38;
	[tilespmem:$0x10200] =	vst v63  }
0xc5: {  	s0 =	ssub.s32 s0, s31;
	_ =	swait.ge [sflag:s3], $0x200  }
0xc6: {  	s0 =	smax.u32 s0, $0x1;
	[sflag:s3] =	ssyncset.done $0x0  }
0xc7: {  	p0 =	sne.s32 s0, $0x1;
	[sflag:s3] =	ssyncadd.s32 $0xFFFFFE00  }
0xc8: {  	[tilespmem:s5], [sflag:$0x1] =	stream.indirect.gather [hbm4b:s4+s5], $0x80, s2, s5, $0xb8;
	[tilespmem:$0x10200] =	vst v63  }
.Ltmp0:
0xc9: {  	_ =	swait.ge [sflag:s6], $0x10000;
	(pc) =	sbr.rel @!p0 .LBB2_2-.Ltmp0, $4  }
0xca: {  	s1 =	sshll.u32 s1, $0x4;
	[sflag:s6] =	ssyncset.done $0x0;
	s31 =	rddreg [dreg:$0xa]  }
0xcb: {  	s31 =	sadd.s32 s31, s1;
	[sflag:s6] =	ssyncadd.s32 $0xFFFF0000  }
0xcc: {  	[hbm4b:s31+s2] =	stream.linear.scatter [tilespmem:s5], [sflag:$0x2], $0x10000, $0x38;
	[tilespmem:$0x10200] =	vst v63  }
0xcd: {  	s0 =	sadd.s32 $0xFFFFFFFF, s0;
	_ =	swait.ge [sflag:s3], $0x10000  }
.LBB2_1:
0xce: {  	[sflag:s3] =	ssyncset.done $0x0  }
0xcf: {  	s1 =	rddreg [dreg:$0x2];
	[sflag:s3] =	ssyncadd.s32 $0xFFFF0000  }
0xd0: {  	[tilespmem:s2], [sflag:$0x2] =	stream.linear.gather [hbm4b:s1+s2], $0x200, $0x38;
	[tilespmem:$0x10200] =	vst v63  }
0xd1: {  	_ =	swait.ge [sflag:s3], $0x200  }
0xd2: {  	[sflag:s3] =	ssyncset.done $0x0  }
0xd3: {  	[sflag:s3] =	ssyncadd.s32 $0xFFFFFE00  }
0xd4: {  	[tilespmem:s5], [sflag:$0x1] =	stream.indirect.gather [hbm4b:s4+s5], $0x80, s2, s5, $0xb8;
	[tilespmem:$0x10200] =	vst v63  }
0xd5: {  	_ =	swait.ge [sflag:s6], $0x10000  }
0xd6: {  	[sflag:s6] =	ssyncset.done $0x0  }
0xd7: {  	s1 =	rddreg [dreg:$0x3];
	[sflag:s6] =	ssyncadd.s32 $0xFFFF0000  }
0xd8: {  	[hbm4b:s1+s2] =	stream.linear.scatter [tilespmem:s5], [sflag:$0x2], $0x10000, $0x38;
	[tilespmem:$0x10200] =	vst v63  }
0xd9: {  	_ =	swait.ge [sflag:s3], $0x10000  }
0xda: {  	[sflag:s3] =	ssyncset.done $0x0  }
0xdb: {  	s1 =	rddreg [dreg:$0x4];
	[sflag:s3] =	ssyncadd.s32 $0xFFFF0000  }
0xdc: {  	[tilespmem:s2], [sflag:$0x2] =	stream.linear.gather [hbm4b:s1+s2], $0x200, $0x38;
	[tilespmem:$0x10200] =	vst v63  }
0xdd: {  	_ =	swait.ge [sflag:s3], $0x200  }
0xde: {  	[sflag:s3] =	ssyncset.done $0x0  }
0xdf: {  	[sflag:s3] =	ssyncadd.s32 $0xFFFFFE00  }
0xe0: {  	[tilespmem:s5], [sflag:$0x1] =	stream.indirect.gather [hbm4b:s4+s5], $0x80, s2, s5, $0xb8;
	[tilespmem:$0x10200] =	vst v63  }
0xe1: {  	_ =	swait.ge [sflag:s6], $0x10000  }
0xe2: {  	[sflag:s6] =	ssyncset.done $0x0  }
0xe3: {  	s1 =	rddreg [dreg:$0x5];
	[sflag:s6] =	ssyncadd.s32 $0xFFFF0000  }
0xe4: {  	[hbm4b:s1+s2] =	stream.linear.scatter [tilespmem:s5], [sflag:$0x2], $0x10000, $0x38;
	[tilespmem:$0x10200] =	vst v63  }
0xe5: {  	_ =	swait.ge [sflag:s3], $0x10000  }
0xe6: {  	[sflag:s3] =	ssyncset.done $0x0  }
0xe7: {  	s1 =	rddreg [dreg:$0x6];
	[sflag:s3] =	ssyncadd.s32 $0xFFFF0000  }
0xe8: {  	[tilespmem:s2], [sflag:$0x2] =	stream.linear.gather [hbm4b:s1+s2], $0x200, $0x38;
	[tilespmem:$0x10200] =	vst v63  }
0xe9: {  	_ =	swait.ge [sflag:s3], $0x200  }
0xea: {  	[sflag:s3] =	ssyncset.done $0x0  }
0xeb: {  	[sflag:s3] =	ssyncadd.s32 $0xFFFFFE00  }
0xec: {  	[tilespmem:s5], [sflag:$0x1] =	stream.indirect.gather [hbm4b:s4+s5], $0x80, s2, s5, $0xb8;
	[tilespmem:$0x10200] =	vst v63  }
0xed: {  	_ =	swait.ge [sflag:s6], $0x10000  }
0xee: {  	[sflag:s6] =	ssyncset.done $0x0  }
0xef: {  	s1 =	rddreg [dreg:$0x7];
	[sflag:s6] =	ssyncadd.s32 $0xFFFF0000  }
0xf0: {  	[hbm4b:s1+s2] =	stream.linear.scatter [tilespmem:s5], [sflag:$0x2], $0x10000, $0x38;
	[tilespmem:$0x10200] =	vst v63  }
0xf1: {  	_ =	swait.ge [sflag:s3], $0x10000  }
0xf2: {  	[sflag:s3] =	ssyncset.done $0x0  }
0xf3: {  	s1 =	rddreg [dreg:$0x8];
	[sflag:s3] =	ssyncadd.s32 $0xFFFF0000  }
0xf4: {  	[tilespmem:s2], [sflag:$0x2] =	stream.linear.gather [hbm4b:s1+s2], $0x200, $0x38;
	[tilespmem:$0x10200] =	vst v63  }
0xf5: {  	_ =	swait.ge [sflag:s3], $0x200  }
0xf6: {  	[sflag:s3] =	ssyncset.done $0x0  }
0xf7: {  	[sflag:s3] =	ssyncadd.s32 $0xFFFFFE00  }
0xf8: {  	[tilespmem:s5], [sflag:$0x1] =	stream.indirect.gather [hbm4b:s4+s5], $0x80, s2, s5, $0xb8;
	[tilespmem:$0x10200] =	vst v63  }
0xf9: {  	_ =	swait.ge [sflag:s6], $0x10000  }
0xfa: {  	[sflag:s6] =	ssyncset.done $0x0  }
0xfb: {  	s1 =	rddreg [dreg:$0x9];
	[sflag:s6] =	ssyncadd.s32 $0xFFFF0000  }
0xfc: {  	[hbm4b:s1+s2] =	stream.linear.scatter [tilespmem:s5], [sflag:$0x2], $0x10000, $0x38;
	[tilespmem:$0x10200] =	vst v63  }
0xfd: {  	_ =	swait.ge [sflag:s3], $0x10000  }
0xfe: {  	[sflag:s3] =	ssyncset.done $0x0  }
0xff: {  	[sflag:s3] =	ssyncadd.s32 $0xFFFF0000  }
0x100: {  	[tilespmem:s2], [sflag:$0x2] =	stream.linear.gather [hbm4b:s7+s2], $0x200, $0x38;
	[tilespmem:$0x10200] =	vst v63  }
0x101: {  	_ =	swait.ge [sflag:s3], $0x200  }
0x102: {  	[sflag:s3] =	ssyncset.done $0x0  }
0x103: {  	[sflag:s3] =	ssyncadd.s32 $0xFFFFFE00  }
0x104: {  	[tilespmem:s5], [sflag:$0x1] =	stream.indirect.gather [hbm4b:s4+s5], $0x80, s2, s5, $0xb8;
	[tilespmem:$0x10200] =	vst v63  }
0x105: {  	_ =	swait.ge [sflag:s6], $0x10000  }
0x106: {  	[sflag:s6] =	ssyncset.done $0x0  }
0x107: {  	[sflag:s6] =	ssyncadd.s32 $0xFFFF0000  }
0x108: {  	[hbm4b:s8+s2] =	stream.linear.scatter [tilespmem:s5], [sflag:$0x2], $0x10000, $0x38;
	[tilespmem:$0x10200] =	vst v63  }
0x109: {  	_ =	swait.ge [sflag:s3], $0x10000  }
0x10a: {  	[sflag:s3] =	ssyncset.done $0x0  }
0x10b: {  	[sflag:s3] =	ssyncadd.s32 $0xFFFF0000  }
0x10c: {  	[tilespmem:s2], [sflag:$0x2] =	stream.linear.gather [hbm4b:s9+s2], $0x200, $0x38;
	[tilespmem:$0x10200] =	vst v63  }
0x10d: {  	_ =	swait.ge [sflag:s3], $0x200  }
0x10e: {  	[sflag:s3] =	ssyncset.done $0x0  }
0x10f: {  	[sflag:s3] =	ssyncadd.s32 $0xFFFFFE00  }
0x110: {  	[tilespmem:s5], [sflag:$0x1] =	stream.indirect.gather [hbm4b:s4+s5], $0x80, s2, s5, $0xb8;
	[tilespmem:$0x10200] =	vst v63  }
0x111: {  	_ =	swait.ge [sflag:s6], $0x10000  }
0x112: {  	[sflag:s6] =	ssyncset.done $0x0  }
0x113: {  	[sflag:s6] =	ssyncadd.s32 $0xFFFF0000  }
0x114: {  	[hbm4b:s10+s2] =	stream.linear.scatter [tilespmem:s5], [sflag:$0x2], $0x10000, $0x38;
	[tilespmem:$0x10200] =	vst v63  }
0x115: {  	_ =	swait.ge [sflag:s3], $0x10000  }
0x116: {  	[sflag:s3] =	ssyncset.done $0x0  }
0x117: {  	[sflag:s3] =	ssyncadd.s32 $0xFFFF0000  }
0x118: {  	[tilespmem:s2], [sflag:$0x2] =	stream.linear.gather [hbm4b:s11+s2], $0x200, $0x38;
	[tilespmem:$0x10200] =	vst v63  }
0x119: {  	_ =	swait.ge [sflag:s3], $0x200  }
0x11a: {  	[sflag:s3] =	ssyncset.done $0x0  }
0x11b: {  	[sflag:s3] =	ssyncadd.s32 $0xFFFFFE00  }
0x11c: {  	[tilespmem:s5], [sflag:$0x1] =	stream.indirect.gather [hbm4b:s4+s5], $0x80, s2, s5, $0xb8;
	[tilespmem:$0x10200] =	vst v63  }
0x11d: {  	_ =	swait.ge [sflag:s6], $0x10000  }
0x11e: {  	[sflag:s6] =	ssyncset.done $0x0  }
0x11f: {  	[sflag:s6] =	ssyncadd.s32 $0xFFFF0000  }
0x120: {  	[hbm4b:s12+s2] =	stream.linear.scatter [tilespmem:s5], [sflag:$0x2], $0x10000, $0x38;
	[tilespmem:$0x10200] =	vst v63  }
0x121: {  	_ =	swait.ge [sflag:s3], $0x10000  }
0x122: {  	[sflag:s3] =	ssyncset.done $0x0  }
0x123: {  	[sflag:s3] =	ssyncadd.s32 $0xFFFF0000  }
0x124: {  	[tilespmem:s2], [sflag:$0x2] =	stream.linear.gather [hbm4b:s13+s2], $0x200, $0x38;
	[tilespmem:$0x10200] =	vst v63  }
0x125: {  	_ =	swait.ge [sflag:s3], $0x200  }
0x126: {  	[sflag:s3] =	ssyncset.done $0x0  }
0x127: {  	[sflag:s3] =	ssyncadd.s32 $0xFFFFFE00  }
0x128: {  	[tilespmem:s5], [sflag:$0x1] =	stream.indirect.gather [hbm4b:s4+s5], $0x80, s2, s5, $0xb8;
	[tilespmem:$0x10200] =	vst v63  }
0x129: {  	_ =	swait.ge [sflag:s6], $0x10000  }
0x12a: {  	[sflag:s6] =	ssyncset.done $0x0  }
0x12b: {  	[sflag:s6] =	ssyncadd.s32 $0xFFFF0000  }
0x12c: {  	[hbm4b:s14+s2] =	stream.linear.scatter [tilespmem:s5], [sflag:$0x2], $0x10000, $0x38;
	[tilespmem:$0x10200] =	vst v63  }
0x12d: {  	_ =	swait.ge [sflag:s3], $0x10000  }
0x12e: {  	[sflag:s3] =	ssyncset.done $0x0  }
0x12f: {  	[sflag:s3] =	ssyncadd.s32 $0xFFFF0000  }
0x130: {  	[tilespmem:s2], [sflag:$0x2] =	stream.linear.gather [hbm4b:s15+s2], $0x200, $0x38;
	[tilespmem:$0x10200] =	vst v63  }
0x131: {  	_ =	swait.ge [sflag:s3], $0x200  }
0x132: {  	[sflag:s3] =	ssyncset.done $0x0  }
0x133: {  	[sflag:s3] =	ssyncadd.s32 $0xFFFFFE00  }
0x134: {  	[tilespmem:s5], [sflag:$0x1] =	stream.indirect.gather [hbm4b:s4+s5], $0x80, s2, s5, $0xb8;
	[tilespmem:$0x10200] =	vst v63  }
0x135: {  	_ =	swait.ge [sflag:s6], $0x10000  }
0x136: {  	[sflag:s6] =	ssyncset.done $0x0  }
0x137: {  	[sflag:s6] =	ssyncadd.s32 $0xFFFF0000  }
0x138: {  	[hbm4b:s16+s2] =	stream.linear.scatter [tilespmem:s5], [sflag:$0x2], $0x10000, $0x38;
	[tilespmem:$0x10200] =	vst v63  }
0x139: {  	_ =	swait.ge [sflag:s3], $0x10000  }
0x13a: {  	[sflag:s3] =	ssyncset.done $0x0  }
0x13b: {  	[sflag:s3] =	ssyncadd.s32 $0xFFFF0000  }
0x13c: {  	[tilespmem:s2], [sflag:$0x2] =	stream.linear.gather [hbm4b:s17+s2], $0x200, $0x38;
	[tilespmem:$0x10200] =	vst v63  }
0x13d: {  	_ =	swait.ge [sflag:s3], $0x200  }
0x13e: {  	[sflag:s3] =	ssyncset.done $0x0  }
0x13f: {  	[sflag:s3] =	ssyncadd.s32 $0xFFFFFE00  }
0x140: {  	[tilespmem:s5], [sflag:$0x1] =	stream.indirect.gather [hbm4b:s4+s5], $0x80, s2, s5, $0xb8;
	[tilespmem:$0x10200] =	vst v63  }
0x141: {  	_ =	swait.ge [sflag:s6], $0x10000  }
0x142: {  	[sflag:s6] =	ssyncset.done $0x0  }
0x143: {  	[sflag:s6] =	ssyncadd.s32 $0xFFFF0000  }
0x144: {  	[hbm4b:s18+s2] =	stream.linear.scatter [tilespmem:s5], [sflag:$0x2], $0x10000, $0x38;
	[tilespmem:$0x10200] =	vst v63  }
0x145: {  	_ =	swait.ge [sflag:s3], $0x10000  }
0x146: {  	[sflag:s3] =	ssyncset.done $0x0  }
0x147: {  	[sflag:s3] =	ssyncadd.s32 $0xFFFF0000  }
0x148: {  	[tilespmem:s2], [sflag:$0x2] =	stream.linear.gather [hbm4b:s19+s2], $0x200, $0x38;
	[tilespmem:$0x10200] =	vst v63  }
0x149: {  	_ =	swait.ge [sflag:s3], $0x200  }
0x14a: {  	[sflag:s3] =	ssyncset.done $0x0  }
0x14b: {  	[sflag:s3] =	ssyncadd.s32 $0xFFFFFE00  }
0x14c: {  	[tilespmem:s5], [sflag:$0x1] =	stream.indirect.gather [hbm4b:s4+s5], $0x80, s2, s5, $0xb8;
	[tilespmem:$0x10200] =	vst v63  }
0x14d: {  	_ =	swait.ge [sflag:s6], $0x10000  }
0x14e: {  	[sflag:s6] =	ssyncset.done $0x0  }
0x14f: {  	[sflag:s6] =	ssyncadd.s32 $0xFFFF0000  }
0x150: {  	[hbm4b:s20+s2] =	stream.linear.scatter [tilespmem:s5], [sflag:$0x2], $0x10000, $0x38;
	[tilespmem:$0x10200] =	vst v63  }
0x151: {  	_ =	swait.ge [sflag:s3], $0x10000  }
0x152: {  	[sflag:s3] =	ssyncset.done $0x0  }
0x153: {  	[sflag:s3] =	ssyncadd.s32 $0xFFFF0000  }
0x154: {  	[tilespmem:s2], [sflag:$0x2] =	stream.linear.gather [hbm4b:s21+s2], $0x200, $0x38;
	[tilespmem:$0x10200] =	vst v63  }
0x155: {  	_ =	swait.ge [sflag:s3], $0x200  }
0x156: {  	[sflag:s3] =	ssyncset.done $0x0  }
0x157: {  	[sflag:s3] =	ssyncadd.s32 $0xFFFFFE00  }
0x158: {  	[tilespmem:s5], [sflag:$0x1] =	stream.indirect.gather [hbm4b:s4+s5], $0x80, s2, s5, $0xb8;
	[tilespmem:$0x10200] =	vst v63  }
0x159: {  	_ =	swait.ge [sflag:s6], $0x10000  }
0x15a: {  	[sflag:s6] =	ssyncset.done $0x0  }
0x15b: {  	[sflag:s6] =	ssyncadd.s32 $0xFFFF0000  }
0x15c: {  	[hbm4b:s22+s2] =	stream.linear.scatter [tilespmem:s5], [sflag:$0x2], $0x10000, $0x38;
	[tilespmem:$0x10200] =	vst v63  }
0x15d: {  	_ =	swait.ge [sflag:s3], $0x10000  }
0x15e: {  	[sflag:s3] =	ssyncset.done $0x0  }
0x15f: {  	[sflag:s3] =	ssyncadd.s32 $0xFFFF0000  }
0x160: {  	[tilespmem:s2], [sflag:$0x2] =	stream.linear.gather [hbm4b:s23+s2], $0x200, $0x38;
	[tilespmem:$0x10200] =	vst v63  }
0x161: {  	_ =	swait.ge [sflag:s3], $0x200  }
0x162: {  	[sflag:s3] =	ssyncset.done $0x0  }
0x163: {  	[sflag:s3] =	ssyncadd.s32 $0xFFFFFE00  }
0x164: {  	[tilespmem:s5], [sflag:$0x1] =	stream.indirect.gather [hbm4b:s4+s5], $0x80, s2, s5, $0xb8;
	[tilespmem:$0x10200] =	vst v63  }
0x165: {  	_ =	swait.ge [sflag:s6], $0x10000  }
0x166: {  	[sflag:s6] =	ssyncset.done $0x0  }
0x167: {  	[sflag:s6] =	ssyncadd.s32 $0xFFFF0000  }
0x168: {  	[hbm4b:s24+s2] =	stream.linear.scatter [tilespmem:s5], [sflag:$0x2], $0x10000, $0x38;
	[tilespmem:$0x10200] =	vst v63  }
0x169: {  	_ =	swait.ge [sflag:s3], $0x10000  }
0x16a: {  	[sflag:s3] =	ssyncset.done $0x0  }
0x16b: {  	[sflag:s3] =	ssyncadd.s32 $0xFFFF0000  }
0x16c: {  	[tilespmem:s2], [sflag:$0x2] =	stream.linear.gather [hbm4b:s25+s2], $0x200, $0x38;
	[tilespmem:$0x10200] =	vst v63  }
0x16d: {  	_ =	swait.ge [sflag:s3], $0x200  }
0x16e: {  	[sflag:s3] =	ssyncset.done $0x0  }
0x16f: {  	[sflag:s3] =	ssyncadd.s32 $0xFFFFFE00  }
0x170: {  	[tilespmem:s5], [sflag:$0x1] =	stream.indirect.gather [hbm4b:s4+s5], $0x80, s2, s5, $0xb8;
	[tilespmem:$0x10200] =	vst v63  }
0x171: {  	_ =	swait.ge [sflag:s6], $0x10000  }
0x172: {  	[sflag:s6] =	ssyncset.done $0x0  }
0x173: {  	[sflag:s6] =	ssyncadd.s32 $0xFFFF0000  }
0x174: {  	[hbm4b:s26+s2] =	stream.linear.scatter [tilespmem:s5], [sflag:$0x2], $0x10000, $0x38;
	[tilespmem:$0x10200] =	vst v63  }
0x175: {  	_ =	swait.ge [sflag:s3], $0x10000  }
0x176: {  	[sflag:s3] =	ssyncset.done $0x0  }
0x177: {  	[sflag:s3] =	ssyncadd.s32 $0xFFFF0000  }
0x178: {  	[tilespmem:s2], [sflag:$0x2] =	stream.linear.gather [hbm4b:s28+s2], $0x200, $0x38;
	[tilespmem:$0x10200] =	vst v63  }
0x179: {  	_ =	swait.ge [sflag:s3], $0x200  }
0x17a: {  	[sflag:s3] =	ssyncset.done $0x0  }
0x17b: {  	[sflag:s3] =	ssyncadd.s32 $0xFFFFFE00  }
0x17c: {  	[tilespmem:s5], [sflag:$0x1] =	stream.indirect.gather [hbm4b:s4+s5], $0x80, s2, s5, $0xb8;
	[tilespmem:$0x10200] =	vst v63  }
0x17d: {  	_ =	swait.ge [sflag:s6], $0x10000  }
0x17e: {  	[sflag:s6] =	ssyncset.done $0x0  }
0x17f: {  	[sflag:s6] =	ssyncadd.s32 $0xFFFF0000  }
0x180: {  	[hbm4b:s29+s2] =	stream.linear.scatter [tilespmem:s5], [sflag:$0x2], $0x10000, $0x38;
	[tilespmem:$0x10200] =	vst v63  }
0x181: {  	_ =	swait.ge [sflag:s3], $0x10000  }
0x182: {  	[sflag:s3] =	ssyncset.done $0x0  }
0x183: {  	[sflag:s3] =	ssyncadd.s32 $0xFFFF0000  }
0x184: {  	[tilespmem:s2], [sflag:$0x2] =	stream.linear.gather [hbm4b:s30+s2], $0x200, $0x38;
	[tilespmem:$0x10200] =	vst v63  }
0x185: {  	_ =	swait.ge [sflag:s3], $0x200  }
0x186: {  	[sflag:s3] =	ssyncset.done $0x0  }
0x187: {  	p0 =	sne.s32 s0, $0x1;
	[sflag:s3] =	ssyncadd.s32 $0xFFFFFE00  }
0x188: {  	[tilespmem:s5], [sflag:$0x1] =	stream.indirect.gather [hbm4b:s4+s5], $0x80, s2, s5, $0xb8;
	[tilespmem:$0x10200] =	vst v63  }
.Ltmp1:
0x189: {  	_ =	swait.ge [sflag:s6], $0x10000;
	(pc) =	sbr.rel @p0 .LBB2_1-.Ltmp1, $4  }
0x18a: {  	[sflag:s6] =	ssyncset.done $0x0  }
0x18b: {  	[sflag:s6] =	ssyncadd.s32 $0xFFFF0000  }
0x18c: {  	[hbm4b:s31+s2] =	stream.linear.scatter [tilespmem:s5], [sflag:$0x2], $0x10000, $0x38;
	[tilespmem:$0x10200] =	vst v63  }
0x18d: {  	s0 =	sadd.s32 $0xFFFFFFFF, s0;
	_ =	swait.ge [sflag:s3], $0x10000  }
.LBB2_2:
0x18e: {  	[sflag:s3] =	ssyncset.done $0x0  }
0x18f: {  	[sflag:s3] =	ssyncadd.s32 $0xFFFF0000  }
0x190: {  	_ =	sfence.sel $0x180000  }
0x191: {  	[bflag:$0x0] =	sbarrier.arrive $0xFFFF  }
0x192: {  	_ =	strace $0x9000004D  }
0x193: {  	s0 =	stileid.u32;
	[bflag:$0x2] =	sbarrier.arrive $0xFFFF  }
0x194: {  	p0 =	sne.s32 s0, $0x0;
	s0 =	rddreg [dreg:$0x1]  }
0x195: {  	s0 =	sadd.s32 @!p0 $0x100000, s0  }
0x196: {  	[sflag:s0] =	ssyncadd.tile.s32 @!p0 $0x1;
	_ =	shalt  }
.Lfunc_end2:
_tile_overlayer_lowered:
.L_overlay_start_2:
0x197: {  	(tag) =	ssettag $0x2  }
0x198: {  	s0 =	rddreg [dreg:$0x0];
	s2 =	stileid.u32  }
0x199: {  	s1 =	rddreg [dreg:$0x1];
	p0 =	sne.s32 s2, $0x0  }
0x19a: {  	s3 =	rddreg [dreg:$0x2];
	[bflag:$0x3] =	sbarrier.arrive $0xFFFF;
	s2 =	simm.s32 @!p0 $0x1C02  }
0x19b: {  	[timem:s3], [sflag:s2] =	dma.local @!p0 [hbm:s0], s1  }
0x19c: {  	s0 =	simm.s32 @!p0 $0x2  }
0x19d: {  	_ =	swait.ge @!p0 [sflag:s0], s1  }
0x19e: {  	s1 =	ssub.s32 @!p0 $0x0, s1;
	[sflag:s0] =	ssyncset.done @!p0 $0x0  }
0x19f: {  	[sflag:s0] =	ssyncadd.s32 @!p0 s1  }
0x1a0: {  	[bflag:$0x3] =	sbarrier.arrive $0xFFFF  }
0x1a1: {  	_ =	shalt  }

// kernel: kernel.9.cloned.1.call-start
scs
__scs_entry_jumppad:
0x0: {  	(pc) =	sbr.rel $0x88, $3  }
0x1: {  	(tag) =	ssettag $0x0;
	lr =	simm.s32 $0x1  }
0x2: {  	[smem:$0x3F9E] =	sst lr;
	_ =	strace $0xD0000000  }
0x3: {  	_ = 	snop  }
0x4: {  	_ = 	snop  }
0x5: {  	_ = 	snop  }
0x6: {  	_ = 	snop  }
0x7: {  	_ = 	snop  }
__scs_overlays_trampoline_lowered:
0x8: {  	[smem:$0x3FAD] =	sst s0  }
0x9: {  	[smem:$0x3FAE] =	sst s1  }
0xa: {  	[smem:$0x3FAF] =	sst s2  }
0xb: {  	[smem:$0x3FB0] =	sst s3  }
0xc: {  	[smem:$0x3FB1] =	sst s4  }
0xd: {  	[smem:$0x3FB2] =	sst s5  }
0xe: {  	[smem:$0x3FB3] =	sst s6  }
0xf: {  	[smem:$0x3FB4] =	sst s7  }
0x10: {  	[smem:$0x3FB5] =	sst s8  }
0x11: {  	[smem:$0x3FB6] =	sst s9;
	s0 =	simm.s32 @!p0 $0x0  }
0x12: {  	s1 =	sld [smem:$0x3F9C];
	s0 =	simm.s32 @p0 $0x1  }
0x13: {  	[smem:$0x3FB7] =	sst s0;
	s0 =	simm.s32 @!p1 $0x0  }
0x14: {  	s2 =	sld [smem:$0x3F9B];
	s0 =	simm.s32 @p1 $0x1  }
0x15: {  	[smem:$0x3FB8] =	sst s0;
	s0 =	simm.s32 @!p2 $0x0  }
0x16: {  	s3 =	sld [smem:$0x3FDB];
	s0 =	simm.s32 @p2 $0x1  }
0x17: {  	s4 =	simm.s32 $0x1BF5;
	[smem:$0x3FBA] =	sst s0  }
0x18: {  	s0 =	sld [smem:$0x3F9D];
	_ =	swait.ge [sflag:s4], $0x0  }
0x19: {  	s7 =	sld [smem:$0x3F9E]  }
0x1a: {  	s8 =	sadd.s32 $0xFFFFE003, lr  }
0x1b: {  	s9 =	sadd.s32 $0xFFFFFEF7, lr;
	s5 =	simm.s32 $0xFFFFFFFF;
	p2 =	slt.u32 s8, $0xFFFFF086  }
0x1c: {  	p1 =	slt.u32 s9, $0xF7A;
	s5 =	simm.s32 @!p2 $0x0  }
0x1d: {  	s5 =	simm.s32 @p1 $0x1;
	p0 =	seq.s32 s7, s2  }
0x1e: {  	s7 =	smul.u32 @!p0 $0xF7A, s2;
	p2 =	seq.s32 @!p0 s5, $0x0  }
0x1f: {  	s9 =	smul.u32 $0xF7A, s1;
	s8 =	simm.s32 @!p0 $0x1BF5;
	p2 =	por !p2, p0  }
0x20: {  	[sflag:s8] =	ssyncset.s32 @!p0 $0xFFFFF086;
	s6 =	sadd.s32 @!p0 s3, s7;
	s7 =	simm.s32 @!p0 $0x108  }
0x21: {  	s3 =	sadd.s32 s3, s9;
	s6 =	sadd.s32 @!p0 $0x88, s6;
	s7 =	simm.s32 @p2 $0x1082  }
0x22: {  	[simem:s7], [sflag:s8] =	dma.local @!p0 [hbm:s6], $0xF7A  }
0x23: {  	s9 =	sor.u32 $0xD0000000, s2;
	s6 =	simm.s32 $0x108;
	_ =	swait.ge @!p0 [sflag:s8], $0x0  }
0x24: {  	s3 =	sadd.s32 $0x88, s3;
	s6 =	simm.s32 @!p1 $0x1082;
	[sflag:s4] =	ssyncset.s32 $0xFFFFF086  }
0x25: {  	[simem:s6], [sflag:s4] =	dma.local [hbm:s3], $0xF7A  }
0x26: {  	[smem:$0x3F9E] =	sst s1;
	(tag) =	ssettag s2;
	_ =	strace s9  }
0x27: {  	s1 =	sld [smem:$0x3FAE]  }
0x28: {  	s2 =	sld [smem:$0x3FAF]  }
0x29: {  	s4 =	sld [smem:$0x3FB1]  }
0x2a: {  	p0 =	seq.s32 s5, $0x0;
	s5 =	sld [smem:$0x3FB2]  }
0x2b: {  	s6 =	sld [smem:$0x3FB3]  }
0x2c: {  	s7 =	sld [smem:$0x3FB4]  }
0x2d: {  	s3 =	simm.s32 $0x108;
	s8 =	sld [smem:$0x3FB5]  }
0x2e: {  	s3 =	simm.s32 @!p0 $0x1082;
	s9 =	sld [smem:$0x3FB6]  }
0x2f: {  	lr =	sadd.s32 s0, s3;
	s0 =	sld [smem:$0x3FAD]  }
0x30: {  	s3 =	sld [smem:$0x3FB0]  }
0x31: {  	[smem:$0x3FB9] =	sst s10  }
0x32: {  	s10 =	sld [smem:$0x3FB7];
	_ =	sdelay $0x3  }
0x33: {  	p0 =	seq.s32 s10, $0x1;
	s10 =	sld [smem:$0x3FB9];
	_ =	sdelay $0x3  }
0x34: {  	[smem:$0x3FB9] =	sst s10  }
0x35: {  	s10 =	sld [smem:$0x3FB8];
	_ =	sdelay $0x3  }
0x36: {  	p1 =	seq.s32 s10, $0x1;
	s10 =	sld [smem:$0x3FB9];
	_ =	sdelay $0x3  }
0x37: {  	[smem:$0x3FB9] =	sst s10  }
0x38: {  	s10 =	sld [smem:$0x3FBA]  }
0x39: {  	_ = 	snop;
	(pc) =	sbr.ind lr, $3  }
0x3a: {  	_ = 	snop  }
0x3b: {  	_ = 	snop  }
0x3c: {  	p2 =	seq.s32 s10, $0x1;
	s10 =	sld [smem:$0x3FB9]  }
0x3d: {  	_ =	shalt  }
0x3e: {  	_ =	shalt  }
0x3f: {  	_ =	shalt  }
0x40: {  	_ =	shalt  }
0x41: {  	_ =	shalt  }
0x42: {  	_ =	shalt  }
0x43: {  	_ =	shalt  }
0x44: {  	_ =	shalt  }
0x45: {  	_ =	shalt  }
0x46: {  	_ =	shalt  }
0x47: {  	_ =	shalt  }
0x48: {  	_ =	shalt  }
0x49: {  	_ =	shalt  }
0x4a: {  	_ =	shalt  }
0x4b: {  	_ =	shalt  }
0x4c: {  	_ =	shalt  }
0x4d: {  	_ =	shalt  }
0x4e: {  	_ =	shalt  }
0x4f: {  	_ =	shalt  }
0x50: {  	_ =	shalt  }
0x51: {  	_ =	shalt  }
0x52: {  	_ =	shalt  }
0x53: {  	_ =	shalt  }
0x54: {  	_ =	shalt  }
0x55: {  	_ =	shalt  }
0x56: {  	_ =	shalt  }
0x57: {  	_ =	shalt  }
0x58: {  	_ =	shalt  }
0x59: {  	_ =	shalt  }
0x5a: {  	_ =	shalt  }
0x5b: {  	_ =	shalt  }
0x5c: {  	_ =	shalt  }
0x5d: {  	_ =	shalt  }
0x5e: {  	_ =	shalt  }
0x5f: {  	_ =	shalt  }
0x60: {  	_ =	shalt  }
0x61: {  	_ =	shalt  }
0x62: {  	_ =	shalt  }
0x63: {  	_ =	shalt  }
0x64: {  	_ =	shalt  }
0x65: {  	_ =	shalt  }
0x66: {  	_ =	shalt  }
0x67: {  	_ =	shalt  }
0x68: {  	_ =	shalt  }
0x69: {  	_ =	shalt  }
0x6a: {  	_ =	shalt  }
0x6b: {  	_ =	shalt  }
0x6c: {  	_ =	shalt  }
0x6d: {  	_ =	shalt  }
0x6e: {  	_ =	shalt  }
0x6f: {  	_ =	shalt  }
0x70: {  	_ =	shalt  }
0x71: {  	_ =	shalt  }
0x72: {  	_ =	shalt  }
0x73: {  	_ =	shalt  }
0x74: {  	_ =	shalt  }
0x75: {  	_ =	shalt  }
0x76: {  	_ =	shalt  }
0x77: {  	_ =	shalt  }
0x78: {  	_ =	shalt  }
0x79: {  	_ =	shalt  }
0x7a: {  	_ =	shalt  }
0x7b: {  	_ =	shalt  }
0x7c: {  	_ =	shalt  }
0x7d: {  	_ =	shalt  }
0x7e: {  	_ =	shalt  }
0x7f: {  	_ =	shalt  }
0x80: {  	_ =	shalt  }
0x81: {  	_ =	shalt  }
0x82: {  	_ =	shalt  }
0x83: {  	_ =	shalt  }
0x84: {  	_ =	shalt  }
0x85: {  	_ =	shalt  }
0x86: {  	_ =	shalt  }
0x87: {  	_ =	shalt  }
.Lfunc_end0:
.L_simem_size_0:
called_computation.3_lowered:
.L_overlay_start_0:
0x88: {  	s2 =	sld [smem:$0x3FD9]  }
0x89: {  	s3 =	sld [smem:$0x3FFE];
	_ =	sdelay $0x1  }
0x8a: {  	s1 =	srdreg.scid  }
0x8b: {  	s0 =	sand.u32 $0x1, s1  }
0x8c: {  	s16 =	sshll.u32 s0, $0xA;
	s2 =	sadd.s32 s3, s2  }
0x8d: {  	s2 =	sadd.s32 s2, s16  }
0x8e: {  	[smem:$0x3FC5] =	sst s2  }
0x8f: {  	_ = 	snop  }
0x90: {  	(tm) =	ssettm $0x1  }
0x91: {  	s17 =	sld [smem:$0x3FFB];
	_ =	sdelay $0x3  }
0x92: {  	_ =	strace s17  }
0x93: {  	s2 =	sld [smem:$0x3FFC];
	_ =	sdelay $0x3  }
0x94: {  	_ =	strace s2  }
0x95: {  	s2 =	sld [smem:$0x3FFD];
	_ =	sdelay $0x3  }
0x96: {  	_ =	strace s2  }
0x97: {  	_ =	strace $0x8FFFFFFF  }
0x98: {  	s18 =	sld [smem:$0x3FDB];
	_ =	sdelay $0x1  }
0x99: {  	s19 =	simm.s32 $_scs_section_size  }
0x9a: {  	s4 =	simm.s32 $_size__tile_overlayer_lowered;
	s5 =	simm.s32 $_tile_overlayer_lowered  }
0x9b: {  	s22 =	simm.s32 $0x1BFF;
	s21 =	sshll.u32 s5, $0x1;
	s2 =	sadd.s32 s19, s18  }
0x9c: {  	s6 =	simm.s32 $0x0;
	s20 =	sshll.u32 s4, $0x1;
	s4 =	sadd.s32 s21, s2  }
0x9d: {  	[timem:s6], [sflag:s22] =	dma.local [hbm:s4], s20  }
0x9e: {  	_ =	swait.ge [sflag:s22], s20  }
0x9f: {  	s3 =	ssub.s32 $0x0, s20;
	[sflag:s22] =	ssyncset.done $0x0  }
0xa0: {  	[sflag:s22] =	ssyncadd.s32 s3;
	_ =	sdelay $0x1  }
0xa1: {  	s23 =	simm.s32 $0x1B8B  }
0xa2: {  	_ =	swait.ge [sflag:s23], $0x1  }
0xa3: {  	[sflag:s23] =	ssyncset.done $0x0  }
0xa4: {  	s25 =	simm.s32 $0x1B8E;
	s24 =	sld [smem:$0x3FFE];
	[sflag:s23] =	ssyncadd.s32 $0xFFFFFFFF  }
0xa5: {  	s26 =	simm.s32 $execute0_lowered;
	[smem:$0x3FD2] =	sst s25  }
0xa6: {  	s4 =	sshll.u32 s26, $0x1;
	_ =	strace $0x8000004F;
	[dreg:$0x1] =	wrdreg $0xFFFFFFFF  }
0xa7: {  	s28 =	simm.s32 $_size_execute0_lowered;
	s2 =	sadd.s32 s2, s4;
	[dreg:$0x0] =	wrdreg $0x0  }
0xa8: {  	s4 =	sshll.u32 s28, $0x1;
	[dreg:$0x2] =	wrdreg s2  }
0xa9: {  	[dreg:$0x3] =	wrdreg s4  }
0xaa: {  	[dreg:$0x4] =	wrdreg $0xC0  }
0xab: {  	_ =	task [dreg:s6], $0x5FFFF  }
0xac: {  	[dreg:$0x1] =	wrdreg $0xFFFFFFFF  }
0xad: {  	[dreg:$0x0] =	wrdreg $0x60  }
0xae: {  	[dreg:$0x2] =	wrdreg s24  }
0xaf: {  	[dreg:$0x3] =	wrdreg $0x9  }
0xb0: {  	_ =	task.clear_ibuf [dreg:s6], $0x4FFFF;
	_ =	strace $0x9000004F  }
0xb1: {  	s29 =	simm.s32 $0x9;
	_ =	strace $0x80000051  }
0xb2: {  	_ =	swait.ge [sflag:s29], $0x1  }
0xb3: {  	[sflag:s29] =	ssyncadd.s32 $0xFFFFFFFF  }
0xb4: {  	_ =	strace $0x90000051  }
0xb5: {  	_ =	sfence  }
0xb6: {  	s30 =	sld [smem:$0x0];
	_ =	sdelay $0x2  }
0xb7: {  	s31 =	sshll.u32 s1, $0xD;
	s1 =	sshrl.u32 s1, $0x2  }
0xb8: {  	s3 =	sand.u32 $0x4000, s31;
	s1 =	sadd.s32 s1, s30  }
0xb9: {  	s0 =	sor.u32 s3, s0;
	s1 =	sshll.u32 s1, $0x11  }
0xba: {  	s0 =	sor.u32 s1, s0  }
0xbb: {  	s0 =	sadd.s32 $0x8F2B, s0  }
0xbc: {  	[sflag:s0] =	ssyncadd.remote.s32 $0x1  }
0xbd: {  	_ =	sfence.sel $0xFFFF  }
0xbe: {  	[dreg:$0x0] =	wrdreg $0xFFFFFFFF;
	(pc) =	sbr.abs _section_cstart, $3  }
0xbf: {  	[dreg:$0x1] =	wrdreg $0xFFFFFFFF  }
0xc0: {  	_ =	task.clear_ibuf [dreg:s6], $0x2FFFF;
	_ =	strace $0x9FFFFFFF  }
0xc1: {  	(tm) =	ssettm $0x7FFFFFFF  }
tec
execute0_lowered:
.L_overlay_start_1:
0x0: {  	(tag) =	ssettag $0x1  }
0x1: {  	s4 =	rddreg [dreg:$0x0];
	s0 =	srdreg.scid  }
0x2: {  	s1 =	stileid.u32;
	s2 =	simm.s32 $0x0;
	s31 =	sand.u32 $0x1, s0  }
0x3: {  	s1 =	sshll.u32 s1, $0xE;
	[smem:$0x7FF] =	sst s2;
	s3 =	sshll.u32 s31, $0xD  }
0x4: {  	s30 =	sadd.s32 $0x210000, s4;
	s0 =	sadd.s32 $0x618000, s4;
	s1 =	sor.u32 s3, s1  }
0x5: {  	_ =	strace $0x80000050;
	s3 =	sshrl.u32 s1, $0x3;
	s5 =	sshll.u32 s1, $0x4  }
0x6: {  	s9 =	sor.u32 $0x200, s1;
	s6 =	sor.u32 $0x400, s1;
	s3 =	sadd.s32 s30, s3  }
0x7: {  	s8 =	sadd.s32 s0, s5;
	s10 =	sshrl.u32 s9, $0x3;
	[dreg:$0x2] =	wrdreg s3  }
0x8: {  	s5 =	sshll.u32 s9, $0x4;
	[dreg:$0x3] =	wrdreg s8;
	s3 =	sadd.s32 s30, s10  }
0x9: {  	s12 =	sshrl.u32 s6, $0x3;
	s11 =	sadd.s32 s0, s5;
	[dreg:$0x4] =	wrdreg s3  }
0xa: {  	s14 =	sshll.u32 s6, $0x4;
	s13 =	sadd.s32 s30, s12;
	[dreg:$0x5] =	wrdreg s11  }
0xb: {  	s16 =	sor.u32 $0x600, s1;
	s15 =	sadd.s32 s0, s14;
	[dreg:$0x6] =	wrdreg s13  }
0xc: {  	s17 =	sshrl.u32 s16, $0x3;
	[dreg:$0x7] =	wrdreg s15  }
0xd: {  	s5 =	sshll.u32 s16, $0x4;
	s3 =	sadd.s32 s30, s17;
	s18 =	rddreg [dreg:$0x2]  }
0xe: {  	s19 =	sadd.s32 s0, s5;
	[dreg:$0x8] =	wrdreg s3  }
0xf: {  	[dreg:$0x9] =	wrdreg s19;
	s3 =	simm.s32 $0x2  }
0x10: {  	[tilespmem:s2], [sflag:$0x2] =	stream.linear.gather [hbm4b:s18+s2], $0x200, $0x38;
	[tilespmem:$0x10200] =	vst v63  }
0x11: {  	_ =	swait.ge [sflag:s3], $0x200  }
0x12: {  	s4 =	sadd.s32 $0x218000, s4;
	[sflag:s3] =	ssyncset.done $0x0  }
0x13: {  	s6 =	simm.s32 $0x1;
	s5 =	simm.s32 $0x200;
	[sflag:s3] =	ssyncadd.s32 $0xFFFFFE00  }
0x14: {  	[tilespmem:s5], [sflag:$0x1] =	stream.indirect.gather [hbm4b:s4+s5], $0x80, s2, s5, $0xb8;
	[tilespmem:$0x10200] =	vst v63  }
0x15: {  	_ =	swait.ge [sflag:s6], $0x10000  }
0x16: {  	[sflag:s6] =	ssyncset.done $0x0  }
0x17: {  	s7 =	rddreg [dreg:$0x3];
	[sflag:s6] =	ssyncadd.s32 $0xFFFF0000  }
0x18: {  	[hbm4b:s7+s2] =	stream.linear.scatter [tilespmem:s5], [sflag:$0x2], $0x10000, $0x38;
	[tilespmem:$0x10200] =	vst v63  }
0x19: {  	_ =	swait.ge [sflag:s3], $0x10000  }
0x1a: {  	[sflag:s3] =	ssyncset.done $0x0  }
0x1b: {  	s20 =	rddreg [dreg:$0x4];
	[sflag:s3] =	ssyncadd.s32 $0xFFFF0000  }
0x1c: {  	[tilespmem:s2], [sflag:$0x2] =	stream.linear.gather [hbm4b:s20+s2], $0x200, $0x38;
	[tilespmem:$0x10200] =	vst v63  }
0x1d: {  	_ =	swait.ge [sflag:s3], $0x200  }
0x1e: {  	[sflag:s3] =	ssyncset.done $0x0  }
0x1f: {  	[sflag:s3] =	ssyncadd.s32 $0xFFFFFE00  }
0x20: {  	[tilespmem:s5], [sflag:$0x1] =	stream.indirect.gather [hbm4b:s4+s5], $0x80, s2, s5, $0xb8;
	[tilespmem:$0x10200] =	vst v63  }
0x21: {  	_ =	swait.ge [sflag:s6], $0x10000  }
0x22: {  	[sflag:s6] =	ssyncset.done $0x0  }
0x23: {  	s21 =	rddreg [dreg:$0x5];
	[sflag:s6] =	ssyncadd.s32 $0xFFFF0000  }
0x24: {  	[hbm4b:s21+s2] =	stream.linear.scatter [tilespmem:s5], [sflag:$0x2], $0x10000, $0x38;
	[tilespmem:$0x10200] =	vst v63  }
0x25: {  	_ =	swait.ge [sflag:s3], $0x10000  }
0x26: {  	[sflag:s3] =	ssyncset.done $0x0  }
0x27: {  	s22 =	rddreg [dreg:$0x6];
	[sflag:s3] =	ssyncadd.s32 $0xFFFF0000  }
0x28: {  	[tilespmem:s2], [sflag:$0x2] =	stream.linear.gather [hbm4b:s22+s2], $0x200, $0x38;
	[tilespmem:$0x10200] =	vst v63  }
0x29: {  	_ =	swait.ge [sflag:s3], $0x200  }
0x2a: {  	[sflag:s3] =	ssyncset.done $0x0  }
0x2b: {  	[sflag:s3] =	ssyncadd.s32 $0xFFFFFE00  }
0x2c: {  	[tilespmem:s5], [sflag:$0x1] =	stream.indirect.gather [hbm4b:s4+s5], $0x80, s2, s5, $0xb8;
	[tilespmem:$0x10200] =	vst v63  }
0x2d: {  	_ =	swait.ge [sflag:s6], $0x10000  }
0x2e: {  	[sflag:s6] =	ssyncset.done $0x0  }
0x2f: {  	s23 =	rddreg [dreg:$0x7];
	[sflag:s6] =	ssyncadd.s32 $0xFFFF0000  }
0x30: {  	[hbm4b:s23+s2] =	stream.linear.scatter [tilespmem:s5], [sflag:$0x2], $0x10000, $0x38;
	[tilespmem:$0x10200] =	vst v63  }
0x31: {  	_ =	swait.ge [sflag:s3], $0x10000  }
0x32: {  	[sflag:s3] =	ssyncset.done $0x0  }
0x33: {  	s24 =	rddreg [dreg:$0x8];
	[sflag:s3] =	ssyncadd.s32 $0xFFFF0000  }
0x34: {  	[tilespmem:s2], [sflag:$0x2] =	stream.linear.gather [hbm4b:s24+s2], $0x200, $0x38;
	[tilespmem:$0x10200] =	vst v63  }
0x35: {  	_ =	swait.ge [sflag:s3], $0x200  }
0x36: {  	[sflag:s3] =	ssyncset.done $0x0  }
0x37: {  	[sflag:s3] =	ssyncadd.s32 $0xFFFFFE00  }
0x38: {  	[tilespmem:s5], [sflag:$0x1] =	stream.indirect.gather [hbm4b:s4+s5], $0x80, s2, s5, $0xb8;
	[tilespmem:$0x10200] =	vst v63  }
0x39: {  	_ =	swait.ge [sflag:s6], $0x10000  }
0x3a: {  	[sflag:s6] =	ssyncset.done $0x0  }
0x3b: {  	s25 =	rddreg [dreg:$0x9];
	[sflag:s6] =	ssyncadd.s32 $0xFFFF0000  }
0x3c: {  	[hbm4b:s25+s2] =	stream.linear.scatter [tilespmem:s5], [sflag:$0x2], $0x10000, $0x38;
	[tilespmem:$0x10200] =	vst v63  }
0x3d: {  	s8 =	sor.u32 $0x800, s1;
	_ =	swait.ge [sflag:s3], $0x10000  }
0x3e: {  	s26 =	sshrl.u32 s8, $0x3;
	[sflag:s3] =	ssyncset.done $0x0  }
0x3f: {  	s7 =	sadd.s32 s30, s26;
	[sflag:s3] =	ssyncadd.s32 $0xFFFF0000  }
0x40: {  	[tilespmem:s2], [sflag:$0x2] =	stream.linear.gather [hbm4b:s7+s2], $0x200, $0x38;
	[tilespmem:$0x10200] =	vst v63  }
0x41: {  	_ =	swait.ge [sflag:s3], $0x200  }
0x42: {  	[sflag:s3] =	ssyncset.done $0x0  }
0x43: {  	[sflag:s3] =	ssyncadd.s32 $0xFFFFFE00  }
0x44: {  	[tilespmem:s5], [sflag:$0x1] =	stream.indirect.gather [hbm4b:s4+s5], $0x80, s2, s5, $0xb8;
	[tilespmem:$0x10200] =	vst v63  }
0x45: {  	_ =	swait.ge [sflag:s6], $0x10000  }
0x46: {  	s8 =	sshll.u32 s8, $0x4;
	[sflag:s6] =	ssyncset.done $0x0  }
0x47: {  	s8 =	sadd.s32 s0, s8;
	[sflag:s6] =	ssyncadd.s32 $0xFFFF0000  }
0x48: {  	[hbm4b:s8+s2] =	stream.linear.scatter [tilespmem:s5], [sflag:$0x2], $0x10000, $0x38;
	[tilespmem:$0x10200] =	vst v63  }
0x49: {  	s10 =	sor.u32 $0xA00, s1;
	_ =	swait.ge [sflag:s3], $0x10000  }
0x4a: {  	s9 =	sshrl.u32 s10, $0x3;
	[sflag:s3] =	ssyncset.done $0x0  }
0x4b: {  	s9 =	sadd.s32 s30, s9;
	[sflag:s3] =	ssyncadd.s32 $0xFFFF0000  }
0x4c: {  	[tilespmem:s2], [sflag:$0x2] =	stream.linear.gather [hbm4b:s9+s2], $0x200, $0x38;
	[tilespmem:$0x10200] =	vst v63  }
0x4d: {  	_ =	swait.ge [sflag:s3], $0x200  }
0x4e: {  	[sflag:s3] =	ssyncset.done $0x0  }
0x4f: {  	[sflag:s3] =	ssyncadd.s32 $0xFFFFFE00  }
0x50: {  	[tilespmem:s5], [sflag:$0x1] =	stream.indirect.gather [hbm4b:s4+s5], $0x80, s2, s5, $0xb8;
	[tilespmem:$0x10200] =	vst v63  }
0x51: {  	_ =	swait.ge [sflag:s6], $0x10000  }
0x52: {  	s10 =	sshll.u32 s10, $0x4;
	[sflag:s6] =	ssyncset.done $0x0  }
0x53: {  	s10 =	sadd.s32 s0, s10;
	[sflag:s6] =	ssyncadd.s32 $0xFFFF0000  }
0x54: {  	[hbm4b:s10+s2] =	stream.linear.scatter [tilespmem:s5], [sflag:$0x2], $0x10000, $0x38;
	[tilespmem:$0x10200] =	vst v63  }
0x55: {  	s12 =	sor.u32 $0xC00, s1;
	_ =	swait.ge [sflag:s3], $0x10000  }
0x56: {  	s11 =	sshrl.u32 s12, $0x3;
	[sflag:s3] =	ssyncset.done $0x0  }
0x57: {  	s11 =	sadd.s32 s30, s11;
	[sflag:s3] =	ssyncadd.s32 $0xFFFF0000  }
0x58: {  	[tilespmem:s2], [sflag:$0x2] =	stream.linear.gather [hbm4b:s11+s2], $0x200, $0x38;
	[tilespmem:$0x10200] =	vst v63  }
0x59: {  	_ =	swait.ge [sflag:s3], $0x200  }
0x5a: {  	[sflag:s3] =	ssyncset.done $0x0  }
0x5b: {  	[sflag:s3] =	ssyncadd.s32 $0xFFFFFE00  }
0x5c: {  	[tilespmem:s5], [sflag:$0x1] =	stream.indirect.gather [hbm4b:s4+s5], $0x80, s2, s5, $0xb8;
	[tilespmem:$0x10200] =	vst v63  }
0x5d: {  	_ =	swait.ge [sflag:s6], $0x10000  }
0x5e: {  	s12 =	sshll.u32 s12, $0x4;
	[sflag:s6] =	ssyncset.done $0x0  }
0x5f: {  	s12 =	sadd.s32 s0, s12;
	[sflag:s6] =	ssyncadd.s32 $0xFFFF0000  }
0x60: {  	[hbm4b:s12+s2] =	stream.linear.scatter [tilespmem:s5], [sflag:$0x2], $0x10000, $0x38;
	[tilespmem:$0x10200] =	vst v63  }
0x61: {  	s14 =	sor.u32 $0xE00, s1;
	_ =	swait.ge [sflag:s3], $0x10000  }
0x62: {  	s13 =	sshrl.u32 s14, $0x3;
	[sflag:s3] =	ssyncset.done $0x0  }
0x63: {  	s13 =	sadd.s32 s30, s13;
	[sflag:s3] =	ssyncadd.s32 $0xFFFF0000  }
0x64: {  	[tilespmem:s2], [sflag:$0x2] =	stream.linear.gather [hbm4b:s13+s2], $0x200, $0x38;
	[tilespmem:$0x10200] =	vst v63  }
0x65: {  	_ =	swait.ge [sflag:s3], $0x200  }
0x66: {  	[sflag:s3] =	ssyncset.done $0x0  }
0x67: {  	[sflag:s3] =	ssyncadd.s32 $0xFFFFFE00  }
0x68: {  	[tilespmem:s5], [sflag:$0x1] =	stream.indirect.gather [hbm4b:s4+s5], $0x80, s2, s5, $0xb8;
	[tilespmem:$0x10200] =	vst v63  }
0x69: {  	_ =	swait.ge [sflag:s6], $0x10000  }
0x6a: {  	s14 =	sshll.u32 s14, $0x4;
	[sflag:s6] =	ssyncset.done $0x0  }
0x6b: {  	s14 =	sadd.s32 s0, s14;
	[sflag:s6] =	ssyncadd.s32 $0xFFFF0000  }
0x6c: {  	[hbm4b:s14+s2] =	stream.linear.scatter [tilespmem:s5], [sflag:$0x2], $0x10000, $0x38;
	[tilespmem:$0x10200] =	vst v63  }
0x6d: {  	s16 =	sor.u32 $0x1000, s1;
	_ =	swait.ge [sflag:s3], $0x10000  }
0x6e: {  	s15 =	sshrl.u32 s16, $0x3;
	[sflag:s3] =	ssyncset.done $0x0  }
0x6f: {  	s15 =	sadd.s32 s30, s15;
	[sflag:s3] =	ssyncadd.s32 $0xFFFF0000  }
0x70: {  	[tilespmem:s2], [sflag:$0x2] =	stream.linear.gather [hbm4b:s15+s2], $0x200, $0x38;
	[tilespmem:$0x10200] =	vst v63  }
0x71: {  	_ =	swait.ge [sflag:s3], $0x200  }
0x72: {  	[sflag:s3] =	ssyncset.done $0x0  }
0x73: {  	[sflag:s3] =	ssyncadd.s32 $0xFFFFFE00  }
0x74: {  	[tilespmem:s5], [sflag:$0x1] =	stream.indirect.gather [hbm4b:s4+s5], $0x80, s2, s5, $0xb8;
	[tilespmem:$0x10200] =	vst v63  }
0x75: {  	_ =	swait.ge [sflag:s6], $0x10000  }
0x76: {  	s16 =	sshll.u32 s16, $0x4;
	[sflag:s6] =	ssyncset.done $0x0  }
0x77: {  	s16 =	sadd.s32 s0, s16;
	[sflag:s6] =	ssyncadd.s32 $0xFFFF0000  }
0x78: {  	[hbm4b:s16+s2] =	stream.linear.scatter [tilespmem:s5], [sflag:$0x2], $0x10000, $0x38;
	[tilespmem:$0x10200] =	vst v63  }
0x79: {  	s18 =	sor.u32 $0x1200, s1;
	_ =	swait.ge [sflag:s3], $0x10000  }
0x7a: {  	s17 =	sshrl.u32 s18, $0x3;
	[sflag:s3] =	ssyncset.done $0x0  }
0x7b: {  	s17 =	sadd.s32 s30, s17;
	[sflag:s3] =	ssyncadd.s32 $0xFFFF0000  }
0x7c: {  	[tilespmem:s2], [sflag:$0x2] =	stream.linear.gather [hbm4b:s17+s2], $0x200, $0x38;
	[tilespmem:$0x10200] =	vst v63  }
0x7d: {  	_ =	swait.ge [sflag:s3], $0x200  }
0x7e: {  	[sflag:s3] =	ssyncset.done $0x0  }
0x7f: {  	[sflag:s3] =	ssyncadd.s32 $0xFFFFFE00  }
0x80: {  	[tilespmem:s5], [sflag:$0x1] =	stream.indirect.gather [hbm4b:s4+s5], $0x80, s2, s5, $0xb8;
	[tilespmem:$0x10200] =	vst v63  }
0x81: {  	_ =	swait.ge [sflag:s6], $0x10000  }
0x82: {  	s18 =	sshll.u32 s18, $0x4;
	[sflag:s6] =	ssyncset.done $0x0  }
0x83: {  	s18 =	sadd.s32 s0, s18;
	[sflag:s6] =	ssyncadd.s32 $0xFFFF0000  }
0x84: {  	[hbm4b:s18+s2] =	stream.linear.scatter [tilespmem:s5], [sflag:$0x2], $0x10000, $0x38;
	[tilespmem:$0x10200] =	vst v63  }
0x85: {  	s20 =	sor.u32 $0x1400, s1;
	_ =	swait.ge [sflag:s3], $0x10000  }
0x86: {  	s19 =	sshrl.u32 s20, $0x3;
	[sflag:s3] =	ssyncset.done $0x0  }
0x87: {  	s19 =	sadd.s32 s30, s19;
	[sflag:s3] =	ssyncadd.s32 $0xFFFF0000  }
0x88: {  	[tilespmem:s2], [sflag:$0x2] =	stream.linear.gather [hbm4b:s19+s2], $0x200, $0x38;
	[tilespmem:$0x10200] =	vst v63  }
0x89: {  	_ =	swait.ge [sflag:s3], $0x200  }
0x8a: {  	[sflag:s3] =	ssyncset.done $0x0  }
0x8b: {  	[sflag:s3] =	ssyncadd.s32 $0xFFFFFE00  }
0x8c: {  	[tilespmem:s5], [sflag:$0x1] =	stream.indirect.gather [hbm4b:s4+s5], $0x80, s2, s5, $0xb8;
	[tilespmem:$0x10200] =	vst v63  }
0x8d: {  	_ =	swait.ge [sflag:s6], $0x10000  }
0x8e: {  	s20 =	sshll.u32 s20, $0x4;
	[sflag:s6] =	ssyncset.done $0x0  }
0x8f: {  	s20 =	sadd.s32 s0, s20;
	[sflag:s6] =	ssyncadd.s32 $0xFFFF0000  }
0x90: {  	[hbm4b:s20+s2] =	stream.linear.scatter [tilespmem:s5], [sflag:$0x2], $0x10000, $0x38;
	[tilespmem:$0x10200] =	vst v63  }
0x91: {  	s22 =	sor.u32 $0x1600, s1;
	_ =	swait.ge [sflag:s3], $0x10000  }
0x92: {  	s21 =	sshrl.u32 s22, $0x3;
	[sflag:s3] =	ssyncset.done $0x0  }
0x93: {  	s21 =	sadd.s32 s30, s21;
	[sflag:s3] =	ssyncadd.s32 $0xFFFF0000  }
0x94: {  	[tilespmem:s2], [sflag:$0x2] =	stream.linear.gather [hbm4b:s21+s2], $0x200, $0x38;
	[tilespmem:$0x10200] =	vst v63  }
0x95: {  	_ =	swait.ge [sflag:s3], $0x200  }
0x96: {  	[sflag:s3] =	ssyncset.done $0x0  }
0x97: {  	[sflag:s3] =	ssyncadd.s32 $0xFFFFFE00  }
0x98: {  	[tilespmem:s5], [sflag:$0x1] =	stream.indirect.gather [hbm4b:s4+s5], $0x80, s2, s5, $0xb8;
	[tilespmem:$0x10200] =	vst v63  }
0x99: {  	_ =	swait.ge [sflag:s6], $0x10000  }
0x9a: {  	s22 =	sshll.u32 s22, $0x4;
	[sflag:s6] =	ssyncset.done $0x0  }
0x9b: {  	s22 =	sadd.s32 s0, s22;
	[sflag:s6] =	ssyncadd.s32 $0xFFFF0000  }
0x9c: {  	[hbm4b:s22+s2] =	stream.linear.scatter [tilespmem:s5], [sflag:$0x2], $0x10000, $0x38;
	[tilespmem:$0x10200] =	vst v63  }
0x9d: {  	s24 =	sor.u32 $0x1800, s1;
	_ =	swait.ge [sflag:s3], $0x10000  }
0x9e: {  	s23 =	sshrl.u32 s24, $0x3;
	[sflag:s3] =	ssyncset.done $0x0  }
0x9f: {  	s23 =	sadd.s32 s30, s23;
	[sflag:s3] =	ssyncadd.s32 $0xFFFF0000  }
0xa0: {  	[tilespmem:s2], [sflag:$0x2] =	stream.linear.gather [hbm4b:s23+s2], $0x200, $0x38;
	[tilespmem:$0x10200] =	vst v63  }
0xa1: {  	_ =	swait.ge [sflag:s3], $0x200  }
0xa2: {  	[sflag:s3] =	ssyncset.done $0x0  }
0xa3: {  	[sflag:s3] =	ssyncadd.s32 $0xFFFFFE00  }
0xa4: {  	[tilespmem:s5], [sflag:$0x1] =	stream.indirect.gather [hbm4b:s4+s5], $0x80, s2, s5, $0xb8;
	[tilespmem:$0x10200] =	vst v63  }
0xa5: {  	_ =	swait.ge [sflag:s6], $0x10000  }
0xa6: {  	s24 =	sshll.u32 s24, $0x4;
	[sflag:s6] =	ssyncset.done $0x0  }
0xa7: {  	s24 =	sadd.s32 s0, s24;
	[sflag:s6] =	ssyncadd.s32 $0xFFFF0000  }
0xa8: {  	[hbm4b:s24+s2] =	stream.linear.scatter [tilespmem:s5], [sflag:$0x2], $0x10000, $0x38;
	[tilespmem:$0x10200] =	vst v63  }
0xa9: {  	s26 =	sor.u32 $0x1A00, s1;
	_ =	swait.ge [sflag:s3], $0x10000  }
0xaa: {  	s25 =	sshrl.u32 s26, $0x3;
	[sflag:s3] =	ssyncset.done $0x0  }
0xab: {  	s25 =	sadd.s32 s30, s25;
	[sflag:s3] =	ssyncadd.s32 $0xFFFF0000  }
0xac: {  	[tilespmem:s2], [sflag:$0x2] =	stream.linear.gather [hbm4b:s25+s2], $0x200, $0x38;
	[tilespmem:$0x10200] =	vst v63  }
0xad: {  	_ =	swait.ge [sflag:s3], $0x200  }
0xae: {  	[sflag:s3] =	ssyncset.done $0x0  }
0xaf: {  	[sflag:s3] =	ssyncadd.s32 $0xFFFFFE00  }
0xb0: {  	[tilespmem:s5], [sflag:$0x1] =	stream.indirect.gather [hbm4b:s4+s5], $0x80, s2, s5, $0xb8;
	[tilespmem:$0x10200] =	vst v63  }
0xb1: {  	_ =	swait.ge [sflag:s6], $0x10000  }
0xb2: {  	s26 =	sshll.u32 s26, $0x4;
	[sflag:s6] =	ssyncset.done $0x0  }
0xb3: {  	s26 =	sadd.s32 s0, s26;
	[dreg:$0xa] =	wrdreg s0;
	[sflag:s6] =	ssyncadd.s32 $0xFFFF0000  }
0xb4: {  	[hbm4b:s26+s2] =	stream.linear.scatter [tilespmem:s5], [sflag:$0x2], $0x10000, $0x38;
	[tilespmem:$0x10200] =	vst v63  }
0xb5: {  	s29 =	sor.u32 $0x1C00, s1;
	_ =	swait.ge [sflag:s3], $0x10000  }
0xb6: {  	s28 =	sshrl.u32 s29, $0x3;
	[sflag:s3] =	ssyncset.done $0x0  }
0xb7: {  	s28 =	sadd.s32 s30, s28;
	[sflag:s3] =	ssyncadd.s32 $0xFFFF0000  }
0xb8: {  	[tilespmem:s2], [sflag:$0x2] =	stream.linear.gather [hbm4b:s28+s2], $0x200, $0x38;
	[tilespmem:$0x10200] =	vst v63  }
0xb9: {  	_ =	swait.ge [sflag:s3], $0x200  }
0xba: {  	[sflag:s3] =	ssyncset.done $0x0  }
0xbb: {  	[sflag:s3] =	ssyncadd.s32 $0xFFFFFE00  }
0xbc: {  	[tilespmem:s5], [sflag:$0x1] =	stream.indirect.gather [hbm4b:s4+s5], $0x80, s2, s5, $0xb8;
	[tilespmem:$0x10200] =	vst v63  }
0xbd: {  	_ =	swait.ge [sflag:s6], $0x10000  }
0xbe: {  	s29 =	sshll.u32 s29, $0x4;
	[sflag:s6] =	ssyncset.done $0x0  }
0xbf: {  	s29 =	sadd.s32 s0, s29;
	s1 =	sor.u32 $0x1E00, s1;
	[sflag:s6] =	ssyncadd.s32 $0xFFFF0000  }
0xc0: {  	[hbm4b:s29+s2] =	stream.linear.scatter [tilespmem:s5], [sflag:$0x2], $0x10000, $0x38;
	[tilespmem:$0x10200] =	vst v63  }
0xc1: {  	s0 =	sshrl.u32 s1, $0x3;
	_ =	swait.ge [sflag:s3], $0x10000  }
0xc2: {  	s30 =	sadd.s32 s30, s0;
	s0 =	ssub.s32 $0x2, s31;
	[sflag:s3] =	ssyncset.done $0x0  }
0xc3: {  	s31 =	sshrl.u32 s0, $0x1;
	[sflag:s3] =	ssyncadd.s32 $0xFFFF0000  }
0xc4: {  	[tilespmem:s2], [sflag:$0x2] =	stream.linear.gather [hbm4b:s30+s2], $0x200, $0x38;
	[tilespmem:$0x10200] =	vst v63  }
0xc5: {  	s0 =	ssub.s32 s0, s31;
	_ =	swait.ge [sflag:s3], $0x200  }
0xc6: {  	s0 =	smax.u32 s0, $0x1;
	[sflag:s3] =	ssyncset.done $0x0  }
0xc7: {  	p0 =	sne.s32 s0, $0x1;
	[sflag:s3] =	ssyncadd.s32 $0xFFFFFE00  }
0xc8: {  	[tilespmem:s5], [sflag:$0x1] =	stream.indirect.gather [hbm4b:s4+s5], $0x80, s2, s5, $0xb8;
	[tilespmem:$0x10200] =	vst v63  }
.Ltmp0:
0xc9: {  	_ =	swait.ge [sflag:s6], $0x10000;
	(pc) =	sbr.rel @!p0 .LBB2_2-.Ltmp0, $4  }
0xca: {  	s1 =	sshll.u32 s1, $0x4;
	[sflag:s6] =	ssyncset.done $0x0;
	s31 =	rddreg [dreg:$0xa]  }
0xcb: {  	s31 =	sadd.s32 s31, s1;
	[sflag:s6] =	ssyncadd.s32 $0xFFFF0000  }
0xcc: {  	[hbm4b:s31+s2] =	stream.linear.scatter [tilespmem:s5], [sflag:$0x2], $0x10000, $0x38;
	[tilespmem:$0x10200] =	vst v63  }
0xcd: {  	s0 =	sadd.s32 $0xFFFFFFFF, s0;
	_ =	swait.ge [sflag:s3], $0x10000  }
.LBB2_1:
0xce: {  	[sflag:s3] =	ssyncset.done $0x0  }
0xcf: {  	s1 =	rddreg [dreg:$0x2];
	[sflag:s3] =	ssyncadd.s32 $0xFFFF0000  }
0xd0: {  	[tilespmem:s2], [sflag:$0x2] =	stream.linear.gather [hbm4b:s1+s2], $0x200, $0x38;
	[tilespmem:$0x10200] =	vst v63  }
0xd1: {  	_ =	swait.ge [sflag:s3], $0x200  }
0xd2: {  	[sflag:s3] =	ssyncset.done $0x0  }
0xd3: {  	[sflag:s3] =	ssyncadd.s32 $0xFFFFFE00  }
0xd4: {  	[tilespmem:s5], [sflag:$0x1] =	stream.indirect.gather [hbm4b:s4+s5], $0x80, s2, s5, $0xb8;
	[tilespmem:$0x10200] =	vst v63  }
0xd5: {  	_ =	swait.ge [sflag:s6], $0x10000  }
0xd6: {  	[sflag:s6] =	ssyncset.done $0x0  }
0xd7: {  	s1 =	rddreg [dreg:$0x3];
	[sflag:s6] =	ssyncadd.s32 $0xFFFF0000  }
0xd8: {  	[hbm4b:s1+s2] =	stream.linear.scatter [tilespmem:s5], [sflag:$0x2], $0x10000, $0x38;
	[tilespmem:$0x10200] =	vst v63  }
0xd9: {  	_ =	swait.ge [sflag:s3], $0x10000  }
0xda: {  	[sflag:s3] =	ssyncset.done $0x0  }
0xdb: {  	s1 =	rddreg [dreg:$0x4];
	[sflag:s3] =	ssyncadd.s32 $0xFFFF0000  }
0xdc: {  	[tilespmem:s2], [sflag:$0x2] =	stream.linear.gather [hbm4b:s1+s2], $0x200, $0x38;
	[tilespmem:$0x10200] =	vst v63  }
0xdd: {  	_ =	swait.ge [sflag:s3], $0x200  }
0xde: {  	[sflag:s3] =	ssyncset.done $0x0  }
0xdf: {  	[sflag:s3] =	ssyncadd.s32 $0xFFFFFE00  }
0xe0: {  	[tilespmem:s5], [sflag:$0x1] =	stream.indirect.gather [hbm4b:s4+s5], $0x80, s2, s5, $0xb8;
	[tilespmem:$0x10200] =	vst v63  }
0xe1: {  	_ =	swait.ge [sflag:s6], $0x10000  }
0xe2: {  	[sflag:s6] =	ssyncset.done $0x0  }
0xe3: {  	s1 =	rddreg [dreg:$0x5];
	[sflag:s6] =	ssyncadd.s32 $0xFFFF0000  }
0xe4: {  	[hbm4b:s1+s2] =	stream.linear.scatter [tilespmem:s5], [sflag:$0x2], $0x10000, $0x38;
	[tilespmem:$0x10200] =	vst v63  }
0xe5: {  	_ =	swait.ge [sflag:s3], $0x10000  }
0xe6: {  	[sflag:s3] =	ssyncset.done $0x0  }
0xe7: {  	s1 =	rddreg [dreg:$0x6];
	[sflag:s3] =	ssyncadd.s32 $0xFFFF0000  }
0xe8: {  	[tilespmem:s2], [sflag:$0x2] =	stream.linear.gather [hbm4b:s1+s2], $0x200, $0x38;
	[tilespmem:$0x10200] =	vst v63  }
0xe9: {  	_ =	swait.ge [sflag:s3], $0x200  }
0xea: {  	[sflag:s3] =	ssyncset.done $0x0  }
0xeb: {  	[sflag:s3] =	ssyncadd.s32 $0xFFFFFE00  }
0xec: {  	[tilespmem:s5], [sflag:$0x1] =	stream.indirect.gather [hbm4b:s4+s5], $0x80, s2, s5, $0xb8;
	[tilespmem:$0x10200] =	vst v63  }
0xed: {  	_ =	swait.ge [sflag:s6], $0x10000  }
0xee: {  	[sflag:s6] =	ssyncset.done $0x0  }
0xef: {  	s1 =	rddreg [dreg:$0x7];
	[sflag:s6] =	ssyncadd.s32 $0xFFFF0000  }
0xf0: {  	[hbm4b:s1+s2] =	stream.linear.scatter [tilespmem:s5], [sflag:$0x2], $0x10000, $0x38;
	[tilespmem:$0x10200] =	vst v63  }
0xf1: {  	_ =	swait.ge [sflag:s3], $0x10000  }
0xf2: {  	[sflag:s3] =	ssyncset.done $0x0  }
0xf3: {  	s1 =	rddreg [dreg:$0x8];
	[sflag:s3] =	ssyncadd.s32 $0xFFFF0000  }
0xf4: {  	[tilespmem:s2], [sflag:$0x2] =	stream.linear.gather [hbm4b:s1+s2], $0x200, $0x38;
	[tilespmem:$0x10200] =	vst v63  }
0xf5: {  	_ =	swait.ge [sflag:s3], $0x200  }
0xf6: {  	[sflag:s3] =	ssyncset.done $0x0  }
0xf7: {  	[sflag:s3] =	ssyncadd.s32 $0xFFFFFE00  }
0xf8: {  	[tilespmem:s5], [sflag:$0x1] =	stream.indirect.gather [hbm4b:s4+s5], $0x80, s2, s5, $0xb8;
	[tilespmem:$0x10200] =	vst v63  }
0xf9: {  	_ =	swait.ge [sflag:s6], $0x10000  }
0xfa: {  	[sflag:s6] =	ssyncset.done $0x0  }
0xfb: {  	s1 =	rddreg [dreg:$0x9];
	[sflag:s6] =	ssyncadd.s32 $0xFFFF0000  }
0xfc: {  	[hbm4b:s1+s2] =	stream.linear.scatter [tilespmem:s5], [sflag:$0x2], $0x10000, $0x38;
	[tilespmem:$0x10200] =	vst v63  }
0xfd: {  	_ =	swait.ge [sflag:s3], $0x10000  }
0xfe: {  	[sflag:s3] =	ssyncset.done $0x0  }
0xff: {  	[sflag:s3] =	ssyncadd.s32 $0xFFFF0000  }
0x100: {  	[tilespmem:s2], [sflag:$0x2] =	stream.linear.gather [hbm4b:s7+s2], $0x200, $0x38;
	[tilespmem:$0x10200] =	vst v63  }
0x101: {  	_ =	swait.ge [sflag:s3], $0x200  }
0x102: {  	[sflag:s3] =	ssyncset.done $0x0  }
0x103: {  	[sflag:s3] =	ssyncadd.s32 $0xFFFFFE00  }
0x104: {  	[tilespmem:s5], [sflag:$0x1] =	stream.indirect.gather [hbm4b:s4+s5], $0x80, s2, s5, $0xb8;
	[tilespmem:$0x10200] =	vst v63  }
0x105: {  	_ =	swait.ge [sflag:s6], $0x10000  }
0x106: {  	[sflag:s6] =	ssyncset.done $0x0  }
0x107: {  	[sflag:s6] =	ssyncadd.s32 $0xFFFF0000  }
0x108: {  	[hbm4b:s8+s2] =	stream.linear.scatter [tilespmem:s5], [sflag:$0x2], $0x10000, $0x38;
	[tilespmem:$0x10200] =	vst v63  }
0x109: {  	_ =	swait.ge [sflag:s3], $0x10000  }
0x10a: {  	[sflag:s3] =	ssyncset.done $0x0  }
0x10b: {  	[sflag:s3] =	ssyncadd.s32 $0xFFFF0000  }
0x10c: {  	[tilespmem:s2], [sflag:$0x2] =	stream.linear.gather [hbm4b:s9+s2], $0x200, $0x38;
	[tilespmem:$0x10200] =	vst v63  }
0x10d: {  	_ =	swait.ge [sflag:s3], $0x200  }
0x10e: {  	[sflag:s3] =	ssyncset.done $0x0  }
0x10f: {  	[sflag:s3] =	ssyncadd.s32 $0xFFFFFE00  }
0x110: {  	[tilespmem:s5], [sflag:$0x1] =	stream.indirect.gather [hbm4b:s4+s5], $0x80, s2, s5, $0xb8;
	[tilespmem:$0x10200] =	vst v63  }
0x111: {  	_ =	swait.ge [sflag:s6], $0x10000  }
0x112: {  	[sflag:s6] =	ssyncset.done $0x0  }
0x113: {  	[sflag:s6] =	ssyncadd.s32 $0xFFFF0000  }
0x114: {  	[hbm4b:s10+s2] =	stream.linear.scatter [tilespmem:s5], [sflag:$0x2], $0x10000, $0x38;
	[tilespmem:$0x10200] =	vst v63  }
0x115: {  	_ =	swait.ge [sflag:s3], $0x10000  }
0x116: {  	[sflag:s3] =	ssyncset.done $0x0  }
0x117: {  	[sflag:s3] =	ssyncadd.s32 $0xFFFF0000  }
0x118: {  	[tilespmem:s2], [sflag:$0x2] =	stream.linear.gather [hbm4b:s11+s2], $0x200, $0x38;
	[tilespmem:$0x10200] =	vst v63  }
0x119: {  	_ =	swait.ge [sflag:s3], $0x200  }
0x11a: {  	[sflag:s3] =	ssyncset.done $0x0  }
0x11b: {  	[sflag:s3] =	ssyncadd.s32 $0xFFFFFE00  }
0x11c: {  	[tilespmem:s5], [sflag:$0x1] =	stream.indirect.gather [hbm4b:s4+s5], $0x80, s2, s5, $0xb8;
	[tilespmem:$0x10200] =	vst v63  }
0x11d: {  	_ =	swait.ge [sflag:s6], $0x10000  }
0x11e: {  	[sflag:s6] =	ssyncset.done $0x0  }
0x11f: {  	[sflag:s6] =	ssyncadd.s32 $0xFFFF0000  }
0x120: {  	[hbm4b:s12+s2] =	stream.linear.scatter [tilespmem:s5], [sflag:$0x2], $0x10000, $0x38;
	[tilespmem:$0x10200] =	vst v63  }
0x121: {  	_ =	swait.ge [sflag:s3], $0x10000  }
0x122: {  	[sflag:s3] =	ssyncset.done $0x0  }
0x123: {  	[sflag:s3] =	ssyncadd.s32 $0xFFFF0000  }
0x124: {  	[tilespmem:s2], [sflag:$0x2] =	stream.linear.gather [hbm4b:s13+s2], $0x200, $0x38;
	[tilespmem:$0x10200] =	vst v63  }
0x125: {  	_ =	swait.ge [sflag:s3], $0x200  }
0x126: {  	[sflag:s3] =	ssyncset.done $0x0  }
0x127: {  	[sflag:s3] =	ssyncadd.s32 $0xFFFFFE00  }
0x128: {  	[tilespmem:s5], [sflag:$0x1] =	stream.indirect.gather [hbm4b:s4+s5], $0x80, s2, s5, $0xb8;
	[tilespmem:$0x10200] =	vst v63  }
0x129: {  	_ =	swait.ge [sflag:s6], $0x10000  }
0x12a: {  	[sflag:s6] =	ssyncset.done $0x0  }
0x12b: {  	[sflag:s6] =	ssyncadd.s32 $0xFFFF0000  }
0x12c: {  	[hbm4b:s14+s2] =	stream.linear.scatter [tilespmem:s5], [sflag:$0x2], $0x10000, $0x38;
	[tilespmem:$0x10200] =	vst v63  }
0x12d: {  	_ =	swait.ge [sflag:s3], $0x10000  }
0x12e: {  	[sflag:s3] =	ssyncset.done $0x0  }
0x12f: {  	[sflag:s3] =	ssyncadd.s32 $0xFFFF0000  }
0x130: {  	[tilespmem:s2], [sflag:$0x2] =	stream.linear.gather [hbm4b:s15+s2], $0x200, $0x38;
	[tilespmem:$0x10200] =	vst v63  }
0x131: {  	_ =	swait.ge [sflag:s3], $0x200  }
0x132: {  	[sflag:s3] =	ssyncset.done $0x0  }
0x133: {  	[sflag:s3] =	ssyncadd.s32 $0xFFFFFE00  }
0x134: {  	[tilespmem:s5], [sflag:$0x1] =	stream.indirect.gather [hbm4b:s4+s5], $0x80, s2, s5, $0xb8;
	[tilespmem:$0x10200] =	vst v63  }
0x135: {  	_ =	swait.ge [sflag:s6], $0x10000  }
0x136: {  	[sflag:s6] =	ssyncset.done $0x0  }
0x137: {  	[sflag:s6] =	ssyncadd.s32 $0xFFFF0000  }
0x138: {  	[hbm4b:s16+s2] =	stream.linear.scatter [tilespmem:s5], [sflag:$0x2], $0x10000, $0x38;
	[tilespmem:$0x10200] =	vst v63  }
0x139: {  	_ =	swait.ge [sflag:s3], $0x10000  }
0x13a: {  	[sflag:s3] =	ssyncset.done $0x0  }
0x13b: {  	[sflag:s3] =	ssyncadd.s32 $0xFFFF0000  }
0x13c: {  	[tilespmem:s2], [sflag:$0x2] =	stream.linear.gather [hbm4b:s17+s2], $0x200, $0x38;
	[tilespmem:$0x10200] =	vst v63  }
0x13d: {  	_ =	swait.ge [sflag:s3], $0x200  }
0x13e: {  	[sflag:s3] =	ssyncset.done $0x0  }
0x13f: {  	[sflag:s3] =	ssyncadd.s32 $0xFFFFFE00  }
0x140: {  	[tilespmem:s5], [sflag:$0x1] =	stream.indirect.gather [hbm4b:s4+s5], $0x80, s2, s5, $0xb8;
	[tilespmem:$0x10200] =	vst v63  }
0x141: {  	_ =	swait.ge [sflag:s6], $0x10000  }
0x142: {  	[sflag:s6] =	ssyncset.done $0x0  }
0x143: {  	[sflag:s6] =	ssyncadd.s32 $0xFFFF0000  }
0x144: {  	[hbm4b:s18+s2] =	stream.linear.scatter [tilespmem:s5], [sflag:$0x2], $0x10000, $0x38;
	[tilespmem:$0x10200] =	vst v63  }
0x145: {  	_ =	swait.ge [sflag:s3], $0x10000  }
0x146: {  	[sflag:s3] =	ssyncset.done $0x0  }
0x147: {  	[sflag:s3] =	ssyncadd.s32 $0xFFFF0000  }
0x148: {  	[tilespmem:s2], [sflag:$0x2] =	stream.linear.gather [hbm4b:s19+s2], $0x200, $0x38;
	[tilespmem:$0x10200] =	vst v63  }
0x149: {  	_ =	swait.ge [sflag:s3], $0x200  }
0x14a: {  	[sflag:s3] =	ssyncset.done $0x0  }
0x14b: {  	[sflag:s3] =	ssyncadd.s32 $0xFFFFFE00  }
0x14c: {  	[tilespmem:s5], [sflag:$0x1] =	stream.indirect.gather [hbm4b:s4+s5], $0x80, s2, s5, $0xb8;
	[tilespmem:$0x10200] =	vst v63  }
0x14d: {  	_ =	swait.ge [sflag:s6], $0x10000  }
0x14e: {  	[sflag:s6] =	ssyncset.done $0x0  }
0x14f: {  	[sflag:s6] =	ssyncadd.s32 $0xFFFF0000  }
0x150: {  	[hbm4b:s20+s2] =	stream.linear.scatter [tilespmem:s5], [sflag:$0x2], $0x10000, $0x38;
	[tilespmem:$0x10200] =	vst v63  }
0x151: {  	_ =	swait.ge [sflag:s3], $0x10000  }
0x152: {  	[sflag:s3] =	ssyncset.done $0x0  }
0x153: {  	[sflag:s3] =	ssyncadd.s32 $0xFFFF0000  }
0x154: {  	[tilespmem:s2], [sflag:$0x2] =	stream.linear.gather [hbm4b:s21+s2], $0x200, $0x38;
	[tilespmem:$0x10200] =	vst v63  }
0x155: {  	_ =	swait.ge [sflag:s3], $0x200  }
0x156: {  	[sflag:s3] =	ssyncset.done $0x0  }
0x157: {  	[sflag:s3] =	ssyncadd.s32 $0xFFFFFE00  }
0x158: {  	[tilespmem:s5], [sflag:$0x1] =	stream.indirect.gather [hbm4b:s4+s5], $0x80, s2, s5, $0xb8;
	[tilespmem:$0x10200] =	vst v63  }
0x159: {  	_ =	swait.ge [sflag:s6], $0x10000  }
0x15a: {  	[sflag:s6] =	ssyncset.done $0x0  }
0x15b: {  	[sflag:s6] =	ssyncadd.s32 $0xFFFF0000  }
0x15c: {  	[hbm4b:s22+s2] =	stream.linear.scatter [tilespmem:s5], [sflag:$0x2], $0x10000, $0x38;
	[tilespmem:$0x10200] =	vst v63  }
0x15d: {  	_ =	swait.ge [sflag:s3], $0x10000  }
0x15e: {  	[sflag:s3] =	ssyncset.done $0x0  }
0x15f: {  	[sflag:s3] =	ssyncadd.s32 $0xFFFF0000  }
0x160: {  	[tilespmem:s2], [sflag:$0x2] =	stream.linear.gather [hbm4b:s23+s2], $0x200, $0x38;
	[tilespmem:$0x10200] =	vst v63  }
0x161: {  	_ =	swait.ge [sflag:s3], $0x200  }
0x162: {  	[sflag:s3] =	ssyncset.done $0x0  }
0x163: {  	[sflag:s3] =	ssyncadd.s32 $0xFFFFFE00  }
0x164: {  	[tilespmem:s5], [sflag:$0x1] =	stream.indirect.gather [hbm4b:s4+s5], $0x80, s2, s5, $0xb8;
	[tilespmem:$0x10200] =	vst v63  }
0x165: {  	_ =	swait.ge [sflag:s6], $0x10000  }
0x166: {  	[sflag:s6] =	ssyncset.done $0x0  }
0x167: {  	[sflag:s6] =	ssyncadd.s32 $0xFFFF0000  }
0x168: {  	[hbm4b:s24+s2] =	stream.linear.scatter [tilespmem:s5], [sflag:$0x2], $0x10000, $0x38;
	[tilespmem:$0x10200] =	vst v63  }
0x169: {  	_ =	swait.ge [sflag:s3], $0x10000  }
0x16a: {  	[sflag:s3] =	ssyncset.done $0x0  }
0x16b: {  	[sflag:s3] =	ssyncadd.s32 $0xFFFF0000  }
0x16c: {  	[tilespmem:s2], [sflag:$0x2] =	stream.linear.gather [hbm4b:s25+s2], $0x200, $0x38;
	[tilespmem:$0x10200] =	vst v63  }
0x16d: {  	_ =	swait.ge [sflag:s3], $0x200  }
0x16e: {  	[sflag:s3] =	ssyncset.done $0x0  }
0x16f: {  	[sflag:s3] =	ssyncadd.s32 $0xFFFFFE00  }
0x170: {  	[tilespmem:s5], [sflag:$0x1] =	stream.indirect.gather [hbm4b:s4+s5], $0x80, s2, s5, $0xb8;
	[tilespmem:$0x10200] =	vst v63  }
0x171: {  	_ =	swait.ge [sflag:s6], $0x10000  }
0x172: {  	[sflag:s6] =	ssyncset.done $0x0  }
0x173: {  	[sflag:s6] =	ssyncadd.s32 $0xFFFF0000  }
0x174: {  	[hbm4b:s26+s2] =	stream.linear.scatter [tilespmem:s5], [sflag:$0x2], $0x10000, $0x38;
	[tilespmem:$0x10200] =	vst v63  }
0x175: {  	_ =	swait.ge [sflag:s3], $0x10000  }
0x176: {  	[sflag:s3] =	ssyncset.done $0x0  }
0x177: {  	[sflag:s3] =	ssyncadd.s32 $0xFFFF0000  }
0x178: {  	[tilespmem:s2], [sflag:$0x2] =	stream.linear.gather [hbm4b:s28+s2], $0x200, $0x38;
	[tilespmem:$0x10200] =	vst v63  }
0x179: {  	_ =	swait.ge [sflag:s3], $0x200  }
0x17a: {  	[sflag:s3] =	ssyncset.done $0x0  }
0x17b: {  	[sflag:s3] =	ssyncadd.s32 $0xFFFFFE00  }
0x17c: {  	[tilespmem:s5], [sflag:$0x1] =	stream.indirect.gather [hbm4b:s4+s5], $0x80, s2, s5, $0xb8;
	[tilespmem:$0x10200] =	vst v63  }
0x17d: {  	_ =	swait.ge [sflag:s6], $0x10000  }
0x17e: {  	[sflag:s6] =	ssyncset.done $0x0  }
0x17f: {  	[sflag:s6] =	ssyncadd.s32 $0xFFFF0000  }
0x180: {  	[hbm4b:s29+s2] =	stream.linear.scatter [tilespmem:s5], [sflag:$0x2], $0x10000, $0x38;
	[tilespmem:$0x10200] =	vst v63  }
0x181: {  	_ =	swait.ge [sflag:s3], $0x10000  }
0x182: {  	[sflag:s3] =	ssyncset.done $0x0  }
0x183: {  	[sflag:s3] =	ssyncadd.s32 $0xFFFF0000  }
0x184: {  	[tilespmem:s2], [sflag:$0x2] =	stream.linear.gather [hbm4b:s30+s2], $0x200, $0x38;
	[tilespmem:$0x10200] =	vst v63  }
0x185: {  	_ =	swait.ge [sflag:s3], $0x200  }
0x186: {  	[sflag:s3] =	ssyncset.done $0x0  }
0x187: {  	p0 =	sne.s32 s0, $0x1;
	[sflag:s3] =	ssyncadd.s32 $0xFFFFFE00  }
0x188: {  	[tilespmem:s5], [sflag:$0x1] =	stream.indirect.gather [hbm4b:s4+s5], $0x80, s2, s5, $0xb8;
	[tilespmem:$0x10200] =	vst v63  }
.Ltmp1:
0x189: {  	_ =	swait.ge [sflag:s6], $0x10000;
	(pc) =	sbr.rel @p0 .LBB2_1-.Ltmp1, $4  }
0x18a: {  	[sflag:s6] =	ssyncset.done $0x0  }
0x18b: {  	[sflag:s6] =	ssyncadd.s32 $0xFFFF0000  }
0x18c: {  	[hbm4b:s31+s2] =	stream.linear.scatter [tilespmem:s5], [sflag:$0x2], $0x10000, $0x38;
	[tilespmem:$0x10200] =	vst v63  }
0x18d: {  	s0 =	sadd.s32 $0xFFFFFFFF, s0;
	_ =	swait.ge [sflag:s3], $0x10000  }
.LBB2_2:
0x18e: {  	[sflag:s3] =	ssyncset.done $0x0  }
0x18f: {  	[sflag:s3] =	ssyncadd.s32 $0xFFFF0000  }
0x190: {  	_ =	sfence.sel $0x180000  }
0x191: {  	[bflag:$0x0] =	sbarrier.arrive $0xFFFF  }
0x192: {  	_ =	strace $0x90000050  }
0x193: {  	s0 =	stileid.u32;
	[bflag:$0x2] =	sbarrier.arrive $0xFFFF  }
0x194: {  	p0 =	sne.s32 s0, $0x0;
	s0 =	rddreg [dreg:$0x1]  }
0x195: {  	s0 =	sadd.s32 @!p0 $0x100000, s0  }
0x196: {  	[sflag:s0] =	ssyncadd.tile.s32 @!p0 $0x1;
	_ =	shalt  }
.Lfunc_end2:
_tile_overlayer_lowered:
.L_overlay_start_2:
0x197: {  	(tag) =	ssettag $0x2  }
0x198: {  	s0 =	rddreg [dreg:$0x0];
	s2 =	stileid.u32  }
0x199: {  	s1 =	rddreg [dreg:$0x1];
	p0 =	sne.s32 s2, $0x0  }
0x19a: {  	s3 =	rddreg [dreg:$0x2];
	[bflag:$0x3] =	sbarrier.arrive $0xFFFF;
	s2 =	simm.s32 @!p0 $0x1C02  }
0x19b: {  	[timem:s3], [sflag:s2] =	dma.local @!p0 [hbm:s0], s1  }
0x19c: {  	s0 =	simm.s32 @!p0 $0x2  }
0x19d: {  	_ =	swait.ge @!p0 [sflag:s0], s1  }
0x19e: {  	s1 =	ssub.s32 @!p0 $0x0, s1;
	[sflag:s0] =	ssyncset.done @!p0 $0x0  }
0x19f: {  	[sflag:s0] =	ssyncadd.s32 @!p0 s1  }
0x1a0: {  	[bflag:$0x3] =	sbarrier.arrive $0xFFFF  }
0x1a1: {  	_ =	shalt  }

// kernel: sparse-core-data-format-call.cloned.1.call-start
scs
called_computation_lowered:
.L_overlay_start_0:
0x0: {  	s1 =	sld [smem:$0x3FD9]  }
0x1: {  	s2 =	sld [smem:$0x3FFE];
	_ =	sdelay $0x1  }
0x2: {  	s3 =	srdreg.scid  }
0x3: {  	s0 =	sand.u32 $0x1, s3  }
0x4: {  	s17 =	sshll.u32 s0, $0xA;
	s1 =	sadd.s32 s2, s1  }
0x5: {  	s1 =	sadd.s32 s1, s17  }
0x6: {  	[smem:$0x3FC5] =	sst s1  }
0x7: {  	_ = 	snop  }
0x8: {  	(tm) =	ssettm $0x1  }
0x9: {  	s18 =	sld [smem:$0x3FFB];
	_ =	sdelay $0x3  }
0xa: {  	_ =	strace s18  }
0xb: {  	s1 =	sld [smem:$0x3FFC];
	_ =	sdelay $0x3  }
0xc: {  	_ =	strace s1  }
0xd: {  	s1 =	sld [smem:$0x3FFD];
	_ =	sdelay $0x3  }
0xe: {  	_ =	strace s1  }
0xf: {  	_ =	strace $0x8FFFFFFF  }
0x10: {  	s19 =	sld [smem:$0x3FDB];
	_ =	sdelay $0x1  }
0x11: {  	s20 =	simm.s32 $_scs_section_size  }
0x12: {  	s4 =	simm.s32 $_size__tile_overlayer_lowered;
	s5 =	simm.s32 $_tile_overlayer_lowered  }
0x13: {  	s23 =	simm.s32 $0x1BFF;
	s22 =	sshll.u32 s5, $0x1;
	s1 =	sadd.s32 s20, s19  }
0x14: {  	s6 =	simm.s32 $0x0;
	s21 =	sshll.u32 s4, $0x1;
	s4 =	sadd.s32 s22, s1  }
0x15: {  	[timem:s6], [sflag:s23] =	dma.local [hbm:s4], s21  }
0x16: {  	_ =	swait.ge [sflag:s23], s21  }
0x17: {  	s2 =	ssub.s32 $0x0, s21;
	[sflag:s23] =	ssyncset.done $0x0  }
0x18: {  	[sflag:s23] =	ssyncadd.s32 s2;
	_ =	sdelay $0x1  }
0x19: {  	s24 =	simm.s32 $0x1B8B  }
0x1a: {  	_ =	swait.ge [sflag:s24], $0x1  }
0x1b: {  	[sflag:s24] =	ssyncset.done $0x0  }
0x1c: {  	s26 =	simm.s32 $0x1B8E;
	s25 =	sld [smem:$0x3FFE];
	[sflag:s24] =	ssyncadd.s32 $0xFFFFFFFF  }
0x1d: {  	s27 =	simm.s32 $execute0_lowered;
	[smem:$0x3FD2] =	sst s26  }
0x1e: {  	s4 =	sshll.u32 s27, $0x1;
	_ =	strace $0x80000046;
	[dreg:$0x1] =	wrdreg $0xFFFFFFFF  }
0x1f: {  	s28 =	simm.s32 $_size_execute0_lowered;
	s1 =	sadd.s32 s1, s4;
	[dreg:$0x0] =	wrdreg $0x0  }
0x20: {  	s4 =	sshll.u32 s28, $0x1;
	[dreg:$0x2] =	wrdreg s1  }
0x21: {  	[dreg:$0x3] =	wrdreg s4  }
0x22: {  	[dreg:$0x4] =	wrdreg $0xC0  }
0x23: {  	_ =	task [dreg:s6], $0x5FFFF  }
0x24: {  	[dreg:$0x1] =	wrdreg $0xFFFFFFFF  }
0x25: {  	[dreg:$0x0] =	wrdreg $0x60  }
0x26: {  	[dreg:$0x2] =	wrdreg s25  }
0x27: {  	[dreg:$0x3] =	wrdreg $0xA  }
0x28: {  	_ =	task.clear_ibuf [dreg:s6], $0x4FFFF;
	_ =	strace $0x90000046  }
0x29: {  	s29 =	simm.s32 $0xA;
	_ =	strace $0x80000048  }
0x2a: {  	_ =	swait.ge [sflag:s29], $0x1  }
0x2b: {  	[sflag:s29] =	ssyncadd.s32 $0xFFFFFFFF  }
0x2c: {  	_ =	strace $0x90000048  }
0x2d: {  	_ =	sfence  }
0x2e: {  	s30 =	sld [smem:$0x0];
	_ =	sdelay $0x2  }
0x2f: {  	s31 =	sshll.u32 s3, $0xD;
	s3 =	sshrl.u32 s3, $0x2  }
0x30: {  	s2 =	sand.u32 $0x4000, s31;
	s1 =	sadd.s32 s3, s30  }
0x31: {  	s0 =	sor.u32 s2, s0;
	s1 =	sshll.u32 s1, $0x11  }
0x32: {  	s0 =	sor.u32 s1, s0  }
0x33: {  	s0 =	sadd.s32 $0x8F2B, s0  }
0x34: {  	[sflag:s0] =	ssyncadd.remote.s32 $0x1  }
0x35: {  	_ =	sfence.sel $0xFFFF  }
0x36: {  	[dreg:$0x0] =	wrdreg $0xFFFFFFFF;
	(pc) =	sbr.abs _section_cstart, $3  }
0x37: {  	[dreg:$0x1] =	wrdreg $0xFFFFFFFF  }
0x38: {  	_ =	task.clear_ibuf [dreg:s6], $0x2FFFF;
	_ =	strace $0x9FFFFFFF  }
0x39: {  	(tm) =	ssettm $0x7FFFFFFF  }
tec
execute0_lowered:
.L_overlay_start_1:
0x0: {  	(tag) =	ssettag $0x1  }
0x1: {  	s2 =	rddreg [dreg:$0x0]  }
0x2: {  	s0 =	rddreg [dreg:$0x1];
	_ =	strace $0x80000047;
	s4 =	srdreg.scid  }
0x3: {  	s1 =	stileid.u32;
	s6 =	simm.s32 $0x2;
	s12 =	simm.s32 $0x0  }
.Ltmp0:
0x4: {  	p0 =	por $0x0, $0x0;
	s10 =	simm.s32 $0x0;
	(pc) =	sbr.rel .LBB1_1-.Ltmp0, $4  }
0x5: {  	s11 =	simm.s32 $0x0;
	s7 =	simm.s32 $0x0;
	s5 =	sshll.u32 s4, $0x4  }
0x6: {  	s8 =	simm.s32 $0x0;
	s4 =	simm.s32 $0x1;
	s5 =	sand.u32 $0x10, s5  }
0x7: {  	s3 =	sadd.s32 $0x100000, s2;
	[sflag:s4] =	ssyncpa.u1 $0x0;
	s5 =	sor.u32 s1, s5  }
0x8: {  	[sflag:s6] =	ssyncpa.u1 $0x0;
	s6 =	simm.s32 $0x0;
	s9 =	smov.u32 s5  }
.LBB1_5:
0x9: {  	s13 =	sadd.s32 $0x80, s7  }
0xa: {  	s10 =	sadd.s32 $0x80, s8;
	s14 =	smov.u32 s8;
	p2 =	sgt.s32 s13, $0x7FF  }
0xb: {  	s14 =	smov.u32 @p2 s10  }
0xc: {  	s16 =	smov.u32 s9;
	s10 =	sadd.s32 $0x20, s9;
	p3 =	sgt.s32 s14, $0x7F  }
0xd: {  	p1 =	slt.u32 s6, $0x2;
	s16 =	smov.u32 @p3 s10  }
0xe: {  	s6 =	sadd.s32 $0x1, s6;
	s13 =	simm.s32 @p2 $0x0;
	p2 =	sgt.s32 s16, $0x1F  }
0xf: {  	s16 =	smov.u32 @p2 s5;
	p2 =	sne.s32 s6, $0x12  }
.Ltmp1:
0x10: {  	s15 =	simm.s32 @!p1 $0x2;
	(pc) =	sbr.rel @!p2 .LBB1_6-.Ltmp1, $4  }
0x11: {  	s12 =	smov.u32 s7;
	_ =	swait.ge @!p1 [sflag:s15], $0x4000  }
0x12: {  	s11 =	smov.u32 s9;
	p0 =	por !p0, !p0;
	[sflag:s15] =	ssyncset.done @!p1 $0x0  }
0x13: {  	s7 =	smov.u32 s13;
	s14 =	simm.s32 @p3 $0x0;
	s10 =	smov.u32 s8  }
0x14: {  	[sflag:s15] =	ssyncadd.s32 @!p1 $0xFFFFC000;
	s8 =	smov.u32 s14;
	s9 =	smov.u32 s16  }
.LBB1_1:
0x15: {  	p1 =	sgt.u32 s6, $0xF  }
0x16: {  	s13 =	sxor.u32 @!p1 $0xFFFFFFFF, s6;
	s14 =	sand.u32 @!p1 $0x78, s7;
	s15 =	sshll.u32 @!p1 s8, $0xB  }
0x17: {  	s16 =	sshll.u32 @!p1 s8, $0x7;
	s17 =	sshll.u32 @!p1 s7, $0x3;
	s13 =	sshll.u32 @!p1 s13, $0xE  }
0x18: {  	s15 =	sand.u32 @!p1 $0x3C000, s15;
	s16 =	sand.u32 @!p1 $0x380, s16;
	s13 =	sand.u32 @!p1 $0x4000, s13  }
0x19: {  	s15 =	sadd.s32 @!p1 s15, s17;
	s17 =	sand.u32 @!p1 $0x400, s17;
	s14 =	sor.u32 @!p1 s16, s14  }
0x1a: {  	s16 =	sshll.u32 @!p1 s9, $0xF;
	s14 =	sor.u32 @!p1 s17, s14;
	s15 =	sshrl.u32 @!p1 s15, $0x3  }
0x1b: {  	s16 =	sadd.s32 @!p1 s2, s16;
	s17 =	sand.u32 @!p1 $0x7, s7;
	s15 =	sand.u32 @!p1 $0x7F00, s15  }
0x1c: {  	s14 =	sshrl.u32 @!p1 s14, $0x3;
	s15 =	sadd.s32 @!p1 s15, s16;
	s16 =	sshll.u32 @!p1 s17, $0x12  }
0x1d: {  	s14 =	sadd.s32 @!p1 s14, s15;
	s15 =	sor.u32 @!p1 $0x400, s16;
	s16 =	simm.s32 @!p1 $0x4000  }
0x1e: {  	[tilespmem:s13], [sflag:$0x1] =	stream.strided.gather @!p1 [hbm4b:s14+s15], $0x4000, s16, s15, $0x38;
	[tilespmem:$0x10100] =	vst v63  }
0x1f: {  	p1 =	seq.s32 s6, $0x0  }
0x20: {  	p2 =	seq.s32 @!p1 s6, $0x11  }
0x21: {  	p1 =	por p1, p2  }
.Ltmp2:
0x22: {  	_ = 	snop;
	(pc) =	sbr.rel @p1 .LBB1_5-.Ltmp2, $1  }
0x23: {  	_ =	sdelay $0x3  }
0x24: {  	s13 =	simm.s32 $0x1  }
0x25: {  	_ =	swait.ge [sflag:s4], $0x4000;
	s13 =	simm.s32 @!p0 $0x0  }
0x26: {  	[sflag:s4] =	ssyncset.done $0x0;
	s14 =	sshll.u32 s13, $0xE  }
0x27: {  	[sflag:s4] =	ssyncadd.s32 $0xFFFFC000;
	s16 =	sor.u32 $0x40, s14  }
0x28: {  	s13 =	smul.u32 $0x10200, s13;
	v0 =	vld [tilespmem:s16+$0x30]  }
0x29: {  	v3 =	vld [tilespmem:s16+$0xFFFFFFD0]  }
0x2a: {  	s13 =	sshrl.u32 s13, $0x2;
	v4 =	vld [tilespmem:s16+$0xFFFFFFE0]  }
0x2b: {  	v5 =	vld [tilespmem:s16+$0xFFFFFFF0];
	s14 =	sor.u32 $0x8000, s13  }
0x2c: {  	s31 =	sand.u32 $0x1, s6;
	v1 =	vld [tilespmem:s16+$0x0];
	s15 =	sadd.s32 $0x0, s14  }
0x2d: {  	v2 =	vld [tilespmem:s16+$0x10];
	s13 =	smul.u32 $0x10200, s31;
	[tilespmem:s15+$0x3870 ss:$0x81] =	vst.msk $0xffff, v0  }
0x2e: {  	[tilespmem:s15+$0x810 ss:$0x81] =	vst.msk $0xffff, v3;
	v3 =	vld [tilespmem:s16+$0x20]  }
0x2f: {  	s13 =	sshrl.u32 s13, $0x2;
	v0 =	vld [tilespmem:s16+$0xFFFFFFC0];
	[tilespmem:s15+$0x1020 ss:$0x81] =	vst.msk $0xffff, v4;
	s16 =	sadd.s32 $0x80, s16  }
0x30: {  	s17 =	simm.s32 $0x4;
	s18 =	simm.s32 $0x8;
	s13 =	sor.u32 $0x8000, s13;
	[tilespmem:s15+$0x1830 ss:$0x81] =	vst.msk $0xffff, v5;
	v4 =	vld [tilespmem:s16+$0x30]  }
.LBB1_3:
0x31: {  	p1 =	sne.s32 s18, $0x1FC;
	v5 =	vld [tilespmem:s16+$0xFFFFFFD0];
	[tilespmem:s15+$0x2040 ss:$0x81] =	vst.msk $0xffff, v1  }
0x32: {  	v6 =	vld [tilespmem:s16+$0xFFFFFFE0];
	[tilespmem:s15+$0x2850 ss:$0x81] =	vst.msk $0xffff, v2  }
0x33: {  	s19 =	sshra.s32 s17, $0x2;
	s17 =	smov.u32 s18;
	v7 =	vld [tilespmem:s16+$0xFFFFFFF0];
	[tilespmem:s15+$0x3060 ss:$0x81] =	vst.msk $0xffff, v3  }
.Ltmp3:
0x34: {  	v1 =	vld [tilespmem:s16+$0x0];
	[tilespmem:s15+$0x0 ss:$0x81] =	vst.msk $0xffff, v0;
	s15 =	sadd.s32 s19, s14;
	(pc) =	sbr.rel @p1 .LBB1_3-.Ltmp3, $4  }
0x35: {  	v2 =	vld [tilespmem:s16+$0x10];
	[tilespmem:s15+$0x3870 ss:$0x81] =	vst.msk $0xffff, v4  }
0x36: {  	[tilespmem:s15+$0x810 ss:$0x81] =	vst.msk $0xffff, v5;
	v3 =	vld [tilespmem:s16+$0x20]  }
0x37: {  	v0 =	vld [tilespmem:s16+$0xFFFFFFC0];
	[tilespmem:s15+$0x1020 ss:$0x81] =	vst.msk $0xffff, v6;
	s16 =	sadd.s32 $0x80, s16  }
0x38: {  	s18 =	sadd.s32 $0x4, s18;
	v4 =	vld [tilespmem:s16+$0x30];
	[tilespmem:s15+$0x1830 ss:$0x81] =	vst.msk $0xffff, v7  }
0x39: {  	v5 =	vld [tilespmem:s16+$0xFFFFFFD0];
	[tilespmem:s15+$0x2040 ss:$0x81] =	vst.msk $0xffff, v1  }
0x3a: {  	v58 =	vld [tilespmem:s16+$0xFFFFFFE0];
	[tilespmem:s15+$0x2850 ss:$0x81] =	vst.msk $0xffff, v2  }
0x3b: {  	s17 =	sshra.s32 s17, $0x2;
	v59 =	vld [tilespmem:s16+$0xFFFFFFF0];
	[tilespmem:s15+$0x3060 ss:$0x81] =	vst.msk $0xffff, v3  }
0x3c: {  	v60 =	vld [tilespmem:s16+$0x0];
	s14 =	sadd.s32 s17, s14;
	[tilespmem:s15+$0x0 ss:$0x81] =	vst.msk $0xffff, v0  }
0x3d: {  	v61 =	vld [tilespmem:s16+$0x10];
	[tilespmem:s14+$0x3870 ss:$0x81] =	vst.msk $0xffff, v4  }
0x3e: {  	v62 =	vld [tilespmem:s16+$0x20];
	s12 =	sshll.u32 s12, $0x7;
	s28 =	sshll.u32 s10, $0x3;
	[tilespmem:s14+$0x810 ss:$0x81] =	vst.msk $0xffff, v5  }
0x3f: {  	v63 =	vld [tilespmem:s16+$0xFFFFFFC0];
	s29 =	sand.u32 $0x3FC00, s12;
	s15 =	sand.u32 $0x3FC00, s28;
	[tilespmem:s14+$0x1020 ss:$0x81] =	vst.msk $0xffff, v58  }
0x40: {  	s11 =	sshll.u32 s11, $0xF;
	s12 =	sand.u32 $0x380, s12;
	s15 =	sadd.s32 s15, s29;
	[tilespmem:s14+$0x1830 ss:$0x81] =	vst.msk $0xffff, v59  }
.Ltmp4:
0x41: {  	s30 =	sshrl.u32 s10, $0x3;
	[tilespmem:s14+$0x2040 ss:$0x81] =	vst.msk $0xffff, v60;
	s12 =	sor.u32 s12, s15;
	(pc) =	sbr.rel .LBB1_5-.Ltmp4, $4  }
0x42: {  	s11 =	sadd.s32 s3, s11;
	[tilespmem:s14+$0x2850 ss:$0x81] =	vst.msk $0xffff, v61;
	s15 =	sand.u32 $0xF, s30;
	s12 =	sshrl.u32 s12, $0x3  }
0x43: {  	[tilespmem:s14+$0x3060 ss:$0x81] =	vst.msk $0xffff, v62;
	s11 =	sadd.s32 s15, s11;
	s12 =	sand.u32 $0x7FF0, s12  }
0x44: {  	s31 =	sand.u32 $0x7, s10;
	[tilespmem:s14+$0x0 ss:$0x81] =	vst.msk $0xffff, v63;
	s11 =	sadd.s32 s12, s11  }
0x45: {  	[hbm4b:s11+s31] =	stream.linear.scatter [tilespmem:s13], [sflag:$0x2], $0x4000, $0x20;
	[tilespmem:$0x10100] =	vst v63  }
.LBB1_6:
0x46: {  	_ =	sfence.sel $0x180000  }
0x47: {  	s2 =	simm.s32 $0x1;
	[bflag:$0x0] =	sbarrier.arrive $0xFFFF  }
0x48: {  	s31 =	simm.s32 $0x2;
	[sflag:s2] =	ssyncpa.u1 $0x1  }
0x49: {  	[sflag:s31] =	ssyncpa.u1 $0x1  }
0x4a: {  	p0 =	sne.s32 s1, $0x0;
	_ =	strace $0x90000047  }
0x4b: {  	s0 =	sadd.s32 @!p0 $0x100000, s0;
	[bflag:$0x2] =	sbarrier.arrive $0xFFFF  }
0x4c: {  	[sflag:s0] =	ssyncadd.tile.s32 @!p0 $0x1;
	_ =	shalt  }
.Lfunc_end1:
_tile_overlayer_lowered:
.L_overlay_start_2:
0x4d: {  	(tag) =	ssettag $0x2  }
0x4e: {  	s0 =	rddreg [dreg:$0x0];
	s2 =	stileid.u32  }
0x4f: {  	s1 =	rddreg [dreg:$0x1];
	p0 =	sne.s32 s2, $0x0  }
0x50: {  	s3 =	rddreg [dreg:$0x2];
	[bflag:$0x3] =	sbarrier.arrive $0xFFFF;
	s2 =	simm.s32 @!p0 $0x1C01  }
0x51: {  	[timem:s3], [sflag:s2] =	dma.local @!p0 [hbm:s0], s1  }
0x52: {  	s0 =	simm.s32 @!p0 $0x1  }
0x53: {  	_ =	swait.ge @!p0 [sflag:s0], s1  }
0x54: {  	s1 =	ssub.s32 @!p0 $0x0, s1;
	[sflag:s0] =	ssyncset.done @!p0 $0x0  }
0x55: {  	[sflag:s0] =	ssyncadd.s32 @!p0 s1  }
0x56: {  	[bflag:$0x3] =	sbarrier.arrive $0xFFFF  }
0x57: {  	_ =	shalt  }

</sc_bundles>
